<compile_context>
chip_gen: v7x
topology: tpu7x:2x2x1
jax: 0.10.2.dev20260603
libtpu: 0.0.44.dev20260713+nightly
codegen_flags: <defaults>
</compile_context>

<pallas_src>
import functools

import jax
import jax.numpy as jnp
from jax import lax
from jax.experimental import pallas as pl
from jax.experimental.pallas import tpu as pltpu
from jax.experimental.pallas import tpu_sc as plsc

N = 10000
E = 320000
DIM = 128

NC = 2
NS = 16
NW = NC * NS
CH = 128
EPW = 10240
EPAD = NW * EPW - E
NCHUNK = EPW // CH
NB = 2
GC = 8
NG = NCHUNK // GC
TRASH = 128
NA = N + TRASH
RPT = 624
TAIL0 = NS * RPT
TAILN = N - TAIL0
ZRPT = 632
ZTAIL0 = NS * ZRPT
ZTAILN = NA - ZTAIL0


def _seg_sum_body(src_hbm, dst_hbm, h_hbm, zero_hbm, out_hbm,
                  src_v, dst_v, rows_v, acc_sh, gsem, ssem, isem):
    c = lax.axis_index("c")
    s = lax.axis_index("s")
    wid = c * NS + s

    z0 = pl.multiple_of(s * ZRPT, 8)
    pltpu.sync_copy(zero_hbm.at[pl.ds(z0, ZRPT)], acc_sh.at[pl.ds(z0, ZRPT)])

    @pl.when(s == NS - 1)
    def _zero_tail():
        pltpu.sync_copy(zero_hbm.at[pl.ds(ZTAIL0, ZTAILN)],
                        acc_sh.at[pl.ds(ZTAIL0, ZTAILN)])

    def _idx_start(g, gb):
        pltpu.make_async_copy(src_hbm.at[wid * NG + g],
                              src_v.at[pl.ds(gb * GC, GC)], isem).start()
        pltpu.make_async_copy(dst_hbm.at[wid * NG + g],
                              dst_v.at[pl.ds(gb * GC, GC)], isem).start()

    def _idx_wait(g, gb):
        pltpu.make_async_copy(src_hbm.at[wid * NG + g],
                              src_v.at[pl.ds(gb * GC, GC)], isem).wait()
        pltpu.make_async_copy(dst_hbm.at[wid * NG + g],
                              dst_v.at[pl.ds(gb * GC, GC)], isem).wait()

    _idx_start(0, 0)
    plsc.subcore_barrier()

    def _gather(j, b):
        r = lax.rem(j, 2 * GC)
        return pltpu.make_async_copy(h_hbm.at[src_v.at[r]], rows_v.at[b], gsem)

    def _scatter(j, b):
        r = lax.rem(j, 2 * GC)
        return pltpu.async_copy(rows_v.at[b], acc_sh.at[dst_v.at[r]], ssem,
                                add=True)

    def _scatter_wait(j, b):
        r = lax.rem(j, 2 * GC)
        pltpu.make_async_copy(rows_v.at[b], acc_sh.at[dst_v.at[r]],
                              ssem).wait()

    _idx_wait(0, 0)

    @pl.when(NG > 1)
    def _prefetch_first():
        _idx_start(1, 1)

    _gather(0, 0).start()

    def step(j, carry):
        b = lax.rem(j, NB)

        @pl.when(j >= NB - 1)
        def _drain_scatter():
            _scatter_wait(j - (NB - 1), lax.rem(j + 1, NB))

        @pl.when(j + 1 < NCHUNK)
        def _issue_gather():
            nj = j + 1
            g = nj // GC
            gb = lax.rem(g, 2)

            @pl.when(lax.rem(nj, GC) == 0)
            def _rotate_idx_group():
                _idx_wait(g, gb)

            @pl.when((lax.rem(nj, GC) == 3) & (nj >= GC) & (g + 1 < NG))
            def _prefetch_next():
                _idx_start(g + 1, 1 - gb)

            _gather(nj, lax.rem(nj, NB)).start()

        _gather(j, b).wait()
        _scatter(j, b)
        return carry

    lax.fori_loop(0, NCHUNK, step, 0)
    for t in range(NB - 1):
        jt = NCHUNK - (NB - 1) + t
        _scatter_wait(jt, jt % NB)
    plsc.subcore_barrier()

    r0 = pl.multiple_of(s * RPT, 8)
    o0 = pl.multiple_of(c * N + r0, 8)
    pltpu.sync_copy(acc_sh.at[pl.ds(r0, RPT)], out_hbm.at[pl.ds(o0, RPT)])

    @pl.when(s == NS - 1)
    def _out_tail():
        ot = pl.multiple_of(c * N + TAIL0, 8)
        pltpu.sync_copy(acc_sh.at[pl.ds(TAIL0, TAILN)],
                        out_hbm.at[pl.ds(ot, TAILN)])


@functools.partial(
    pl.kernel,
    out_type=jax.ShapeDtypeStruct((NC * N, DIM), jnp.float32),
    mesh=plsc.VectorSubcoreMesh(core_axis_name="c", subcore_axis_name="s"),
    scratch_types=[
        pltpu.VMEM((2 * GC, CH), jnp.int32),
        pltpu.VMEM((2 * GC, CH), jnp.int32),
        pltpu.VMEM((NB, CH, DIM), jnp.float32),
        pltpu.VMEM_SHARED((NA, DIM), jnp.float32),
        pltpu.SemaphoreType.DMA,
        pltpu.SemaphoreType.DMA,
        pltpu.SemaphoreType.DMA,
    ],
)
def _segment_sum_sc(src_hbm, dst_hbm, h_hbm, zero_hbm, out_hbm,
                    src_v, dst_v, rows_v, acc_sh, gsem, ssem, isem):
    _seg_sum_body(src_hbm, dst_hbm, h_hbm, zero_hbm, out_hbm,
                  src_v, dst_v, rows_v, acc_sh, gsem, ssem, isem)


BR = 2000


def _embed_body(x_ref, w_ref, o_ref):
    o_ref[...] = jnp.dot(x_ref[...].astype(jnp.bfloat16),
                         w_ref[...].astype(jnp.bfloat16),
                         preferred_element_type=jnp.float32)


def _embed(x, w):
    return pl.pallas_call(
        _embed_body,
        grid=(N // BR,),
        in_specs=[
            pl.BlockSpec((BR, DIM), lambda i: (i, 0)),
            pl.BlockSpec((DIM, DIM), lambda i: (0, 0)),
        ],
        out_specs=pl.BlockSpec((BR, DIM), lambda i: (i, 0)),
        out_shape=jax.ShapeDtypeStruct((N, DIM), jnp.float32),
    )(x, w)


def _mlp_body(relu_out, eps_ref, h_ref, agg_ref, wa_ref, ba_ref, wb_ref,
              bb_ref, o_ref):
    eps = eps_ref[0, 0]
    z = (1.0 + eps) * h_ref[...] + agg_ref[0] + agg_ref[1]
    a = jnp.dot(z.astype(jnp.bfloat16), wa_ref[...].astype(jnp.bfloat16),
                preferred_element_type=jnp.float32)
    a = jnp.maximum(a + ba_ref[...], 0.0)
    y = jnp.dot(a.astype(jnp.bfloat16), wb_ref[...].astype(jnp.bfloat16),
                preferred_element_type=jnp.float32)
    y = y + bb_ref[...]
    if relu_out:
        y = jnp.maximum(y, 0.0)
    o_ref[...] = y


def _mlp(relu_out, eps, h, agg, wa, ba, wb, bb):
    hid = wa.shape[1]
    return pl.pallas_call(
        functools.partial(_mlp_body, relu_out),
        grid=(N // BR,),
        in_specs=[
            pl.BlockSpec(memory_space=pltpu.SMEM),
            pl.BlockSpec((BR, DIM), lambda i: (i, 0)),
            pl.BlockSpec((NC, BR, DIM), lambda i: (0, i, 0)),
            pl.BlockSpec((DIM, hid), lambda i: (0, 0)),
            pl.BlockSpec((1, hid), lambda i: (0, 0)),
            pl.BlockSpec((hid, DIM), lambda i: (0, 0)),
            pl.BlockSpec((1, DIM), lambda i: (0, 0)),
        ],
        out_specs=pl.BlockSpec((BR, DIM), lambda i: (i, 0)),
        out_shape=jax.ShapeDtypeStruct((N, DIM), jnp.float32),
    )(eps, h, agg, wa, ba, wb, bb)


def kernel(x, edge_index, W_emb,
           eps1, W1a, b1a, W1b, b1b,
           eps2, W2a, b2a, W2b, b2b,
           eps3, W3a, b3a, W3b, b3b):
    nch = NW * NG * GC
    rch = E // nch
    dch = CH - rch
    pad_src = jnp.zeros((nch, dch), jnp.int32)
    pad_dst = (N + (jnp.arange(nch * dch, dtype=jnp.int32)
                    % TRASH)).reshape(nch, dch)
    src3 = jnp.concatenate([edge_index[0].reshape(nch, rch), pad_src],
                           axis=1).reshape(NW * NG, GC, CH)
    dst3 = jnp.concatenate([edge_index[1].reshape(nch, rch), pad_dst],
                           axis=1).reshape(NW * NG, GC, CH)
    zeros = jnp.zeros((NA, DIM), jnp.float32)

    h = _embed(x, W_emb)
    layers = [
        (eps1, W1a, b1a, W1b, b1b, False),
        (eps2, W2a, b2a, W2b, b2b, True),
        (eps3, W3a, b3a, W3b, b3b, True),
    ]
    for eps, wa, ba, wb, bb, relu_out in layers:
        part = _segment_sum_sc(src3, dst3, h, zeros)
        agg = part.reshape(NC, N, DIM)
        h = _mlp(relu_out, jnp.reshape(eps, (1, 1)), h, agg,
                 wa, jnp.reshape(ba, (1, -1)), wb, jnp.reshape(bb, (1, -1)))
    return h

# --- scband reference (transcript-rebuilt; emitter-appended) ---
"""Pipeline reference for scband-gin-61950608277614 (READ-ONLY COPY).

The authoritative reference and input builder live on the scoring server;
editing this copy changes nothing except your own understanding.
"""

import jax, jax.numpy as jnp
import numpy as np

N = 10000
E = 320000
DIM = 128
OUT = 128


def setup_inputs(seed: int = 0) -> dict:
    key = jax.random.key(seed)
    ks = jax.random.split(key, 20)
    x = jax.random.normal(ks[0], (N, DIM), dtype=jnp.float32)
    edge_index = jax.random.randint(ks[1], (2, E), 0, N, dtype=jnp.int32)
    s = 0.05
    # node_attr_encoder: Linear(type_dim=128 -> dim=128, bias=False), stored as [in, out]
    W_emb = jax.random.normal(ks[2], (DIM, DIM), dtype=jnp.float32) * s
    # conv1 MLP: Linear(128, 128) -> ReLU -> Linear(128, 128)
    eps1 = jnp.array(0.0, dtype=jnp.float32)
    W1a = jax.random.normal(ks[3], (DIM, 128), dtype=jnp.float32) * s
    b1a = jnp.zeros((128,), dtype=jnp.float32)
    W1b = jax.random.normal(ks[4], (128, OUT), dtype=jnp.float32) * s
    b1b = jnp.zeros((OUT,), dtype=jnp.float32)
    # convs[0] MLP: Linear(128, 256) -> ReLU -> Linear(256, 128) -> ReLU
    eps2 = jnp.array(0.0, dtype=jnp.float32)
    W2a = jax.random.normal(ks[5], (OUT, 256), dtype=jnp.float32) * s
    b2a = jnp.zeros((256,), dtype=jnp.float32)
    W2b = jax.random.normal(ks[6], (256, OUT), dtype=jnp.float32) * s
    b2b = jnp.zeros((OUT,), dtype=jnp.float32)
    # convs[1] MLP
    eps3 = jnp.array(0.0, dtype=jnp.float32)
    W3a = jax.random.normal(ks[7], (OUT, 256), dtype=jnp.float32) * s
    b3a = jnp.zeros((256,), dtype=jnp.float32)
    W3b = jax.random.normal(ks[8], (256, OUT), dtype=jnp.float32) * s
    b3b = jnp.zeros((OUT,), dtype=jnp.float32)
    return {
        "x": x, "edge_index": edge_index, "W_emb": W_emb,
        "eps1": eps1, "W1a": W1a, "b1a": b1a, "W1b": W1b, "b1b": b1b,
        "eps2": eps2, "W2a": W2a, "b2a": b2a, "W2b": W2b, "b2b": b2b,
        "eps3": eps3, "W3a": W3a, "b3a": b3a, "W3b": W3b, "b3b": b3b,
    }


def _gin_layer(h, src, dst, eps, Wa, ba, Wb, bb, relu_out):
    # GINConv (sum aggregation): nn((1+eps)*x + sum_{j in N(i)} x_j)
    agg = jax.ops.segment_sum(h[src], dst, num_segments=N)
    z = (1.0 + eps) * h + agg
    z = jax.nn.relu(z @ Wa + ba)
    z = z @ Wb + bb
    if relu_out:
        z = jax.nn.relu(z)
    return z


def reference(x, edge_index, W_emb,
              eps1, W1a, b1a, W1b, b1b,
              eps2, W2a, b2a, W2b, b2b,
              eps3, W3a, b3a, W3b, b3b):
    # node_attr_encoder: linear embed (dropout is identity in eval mode)
    h = x @ W_emb
    src = edge_index[0]
    dst = edge_index[1]
    h = _gin_layer(h, src, dst, eps1, W1a, b1a, W1b, b1b, relu_out=False)
    h = _gin_layer(h, src, dst, eps2, W2a, b2a, W2b, b2b, relu_out=True)
    h = _gin_layer(h, src, dst, eps3, W3a, b3a, W3b, b3b, relu_out=True)
    return h

if __name__ == "__main__":
    import jax
    _d = setup_inputs()
    print(jax.jit(kernel)(*tuple(_d.values())))

</pallas_src>

<mosaic_0001>
#map = affine_map<(d0, d1) -> (0, 0, 0)>
#map1 = affine_map<(d0, d1) -> (0, 0)>
module attributes {stable_mosaic.version = 14 : i64} {
  func.func @_segment_sum_sc(%arg0: i32, %arg1: i32, %arg2: memref<320x8x128xi32, #tpu.memory_space<hbm>>, %arg3: memref<320x8x128xi32, #tpu.memory_space<hbm>>, %arg4: memref<10000x128xf32, #tpu.memory_space<hbm>>, %arg5: memref<10128x128xf32, #tpu.memory_space<hbm>>, %arg6: memref<20000x128xf32, #tpu.memory_space<hbm>>, %arg7: memref<16x128xi32, #tpu.memory_space<vmem>>, %arg8: memref<16x128xi32, #tpu.memory_space<vmem>>, %arg9: memref<2x128x128xf32, #tpu.memory_space<vmem>>, %arg10: memref<10128x128xf32, #tpu.memory_space<vmem_shared>>, %arg11: memref<!tpu.dma_semaphore, #tpu.memory_space<semaphore_mem>>, %arg12: memref<!tpu.dma_semaphore, #tpu.memory_space<semaphore_mem>>, %arg13: memref<!tpu.dma_semaphore, #tpu.memory_space<semaphore_mem>>) attributes {dimension_semantics = [#tpu.dimension_semantics<core_parallel>, #tpu.dimension_semantics<subcore_parallel>], iteration_bounds = array<i64: 2, 16>, scalar_prefetch = 0 : i64, scratch_operands = 7 : i64, tpu.core_type = #tpu.core_type<sc_vector_subcore>, window_params = [{transform_indices = #map}, {transform_indices = #map}, {transform_indices = #map1}, {transform_indices = #map1}, {transform_indices = #map1}]} {
    %mul3A = arith.constant 16 : i32
    %mul3A_0 = arith.muli %arg0, %mul3A : i32
    %add3A = arith.addi %mul3A_0, %arg1 : i32
    %mul3A_1 = arith.constant 632 : i32
    %mul3A_2 = arith.muli %arg1, %mul3A_1 : i32
    %multiple_of3A = tpu.assume_multiple %mul3A_2, 8 : i32
    "tpu.region"() ({
      %run_scoped3A = tpu.sem_alloc : memref<!tpu.dma_semaphore, #tpu.memory_space<semaphore_mem>>
      %dma_start3A_156 = arith.constant 0 : i32
      %dma_start3A_157 = tpu.memref_slice %arg10[%multiple_of3A, %dma_start3A_156] : memref<10128x128xf32, #tpu.memory_space<vmem_shared>> -> memref<632x128xf32, #tpu.memory_space<vmem_shared>>
      %dma_start3A_158 = arith.constant 0 : i32
      %dma_start3A_159 = tpu.memref_slice %arg5[%multiple_of3A, %dma_start3A_158] : memref<10128x128xf32, #tpu.memory_space<hbm>> -> memref<632x128xf32, #tpu.memory_space<hbm>>
      tpu.enqueue_dma source(%dma_start3A_159 : memref<632x128xf32, #tpu.memory_space<hbm>>) target(%dma_start3A_157 : memref<632x128xf32, #tpu.memory_space<vmem_shared>>) target_semaphore(%run_scoped3A : memref<!tpu.dma_semaphore, #tpu.memory_space<semaphore_mem>>)
      %dma_wait3A_160 = arith.constant 0 : i32
      %dma_wait3A_161 = tpu.memref_slice %arg10[%multiple_of3A, %dma_wait3A_160] : memref<10128x128xf32, #tpu.memory_space<vmem_shared>> -> memref<632x128xf32, #tpu.memory_space<vmem_shared>>
      %dma_wait3A_162 = arith.constant 0 : i32
      %dma_wait3A_163 = tpu.memref_slice %arg5[%multiple_of3A, %dma_wait3A_162] : memref<10128x128xf32, #tpu.memory_space<hbm>> -> memref<632x128xf32, #tpu.memory_space<hbm>>
      tpu.wait_dma2 semaphore(%run_scoped3A : memref<!tpu.dma_semaphore, #tpu.memory_space<semaphore_mem>>) src(%dma_wait3A_163 : memref<632x128xf32, #tpu.memory_space<hbm>>) dst(%dma_wait3A_161 : memref<632x128xf32, #tpu.memory_space<vmem_shared>>)
      tpu.yield
    }) : () -> ()
    %eq3A = arith.constant 15 : i32
    %eq3A_3 = arith.cmpi eq, %arg1, %eq3A : i32
    %convert_element_type3A = arith.extui %eq3A_3 : i1 to i32
    %cond3A = arith.constant 0 : i32
    %cond3A_4 = arith.cmpi ne, %convert_element_type3A, %cond3A : i32
    scf.if %cond3A_4 {
      "tpu.region"() ({
        %run_scoped3A = tpu.sem_alloc : memref<!tpu.dma_semaphore, #tpu.memory_space<semaphore_mem>>
        %dma_start3A_156 = arith.constant 10112 : i32
        %dma_start3A_157 = arith.constant 0 : i32
        %dma_start3A_158 = tpu.memref_slice %arg10[%dma_start3A_156, %dma_start3A_157] : memref<10128x128xf32, #tpu.memory_space<vmem_shared>> -> memref<16x128xf32, #tpu.memory_space<vmem_shared>>
        %dma_start3A_159 = arith.constant 10112 : i32
        %dma_start3A_160 = arith.constant 0 : i32
        %dma_start3A_161 = tpu.memref_slice %arg5[%dma_start3A_159, %dma_start3A_160] : memref<10128x128xf32, #tpu.memory_space<hbm>> -> memref<16x128xf32, #tpu.memory_space<hbm>>
        tpu.enqueue_dma source(%dma_start3A_161 : memref<16x128xf32, #tpu.memory_space<hbm>>) target(%dma_start3A_158 : memref<16x128xf32, #tpu.memory_space<vmem_shared>>) target_semaphore(%run_scoped3A : memref<!tpu.dma_semaphore, #tpu.memory_space<semaphore_mem>>)
        %dma_wait3A_162 = arith.constant 10112 : i32
        %dma_wait3A_163 = arith.constant 0 : i32
        %dma_wait3A_164 = tpu.memref_slice %arg10[%dma_wait3A_162, %dma_wait3A_163] : memref<10128x128xf32, #tpu.memory_space<vmem_shared>> -> memref<16x128xf32, #tpu.memory_space<vmem_shared>>
        %dma_wait3A_165 = arith.constant 10112 : i32
        %dma_wait3A_166 = arith.constant 0 : i32
        %dma_wait3A_167 = tpu.memref_slice %arg5[%dma_wait3A_165, %dma_wait3A_166] : memref<10128x128xf32, #tpu.memory_space<hbm>> -> memref<16x128xf32, #tpu.memory_space<hbm>>
        tpu.wait_dma2 semaphore(%run_scoped3A : memref<!tpu.dma_semaphore, #tpu.memory_space<semaphore_mem>>) src(%dma_wait3A_167 : memref<16x128xf32, #tpu.memory_space<hbm>>) dst(%dma_wait3A_164 : memref<16x128xf32, #tpu.memory_space<vmem_shared>>)
        tpu.yield
      }) : () -> ()
    } else {
    }
    %mul3A_5 = arith.constant 10 : i32
    %mul3A_6 = arith.muli %add3A, %mul3A_5 : i32
    %add3A_7 = arith.constant 0 : i32
    %add3A_8 = arith.addi %mul3A_6, %add3A_7 : i32
    %dma_start3A = arith.constant 0 : i32
    %dma_start3A_9 = arith.constant 0 : i32
    %dma_start3A_10 = tpu.memref_slice %arg7[%dma_start3A, %dma_start3A_9] : memref<16x128xi32, #tpu.memory_space<vmem>> -> memref<8x128xi32, #tpu.memory_space<vmem>>
    %dma_start3A_11 = arith.constant 0 : i32
    %dma_start3A_12 = arith.constant 0 : i32
    %dma_start3A_13 = tpu.memref_slice %arg2[%add3A_8, %dma_start3A_11, %dma_start3A_12] : memref<320x8x128xi32, #tpu.memory_space<hbm>> -> memref<1x8x128xi32, #tpu.memory_space<hbm>>
    %dma_start3A_14 = tpu.memref_squeeze %dma_start3A_13 : memref<1x8x128xi32, #tpu.memory_space<hbm>> -> memref<8x128xi32, #tpu.memory_space<hbm>>
    %dma_start3A_15 = arith.constant 0 : i32
    %dma_start3A_16 = arith.constant 0 : i32
    %dma_start3A_17 = tpu.memref_slice %arg7[%dma_start3A_15, %dma_start3A_16] : memref<16x128xi32, #tpu.memory_space<vmem>> -> memref<8x128xi32, #tpu.memory_space<vmem>>
    %dma_start3A_18 = arith.constant 0 : i32
    %dma_start3A_19 = arith.constant 0 : i32
    %dma_start3A_20 = tpu.memref_slice %arg2[%add3A_8, %dma_start3A_18, %dma_start3A_19] : memref<320x8x128xi32, #tpu.memory_space<hbm>> -> memref<1x8x128xi32, #tpu.memory_space<hbm>>
    %dma_start3A_21 = tpu.memref_squeeze %dma_start3A_20 : memref<1x8x128xi32, #tpu.memory_space<hbm>> -> memref<8x128xi32, #tpu.memory_space<hbm>>
    tpu.enqueue_dma source(%dma_start3A_21 : memref<8x128xi32, #tpu.memory_space<hbm>>) target(%dma_start3A_17 : memref<8x128xi32, #tpu.memory_space<vmem>>) target_semaphore(%arg13 : memref<!tpu.dma_semaphore, #tpu.memory_space<semaphore_mem>>)
    %mul3A_22 = arith.constant 10 : i32
    %mul3A_23 = arith.muli %add3A, %mul3A_22 : i32
    %add3A_24 = arith.constant 0 : i32
    %add3A_25 = arith.addi %mul3A_23, %add3A_24 : i32
    %dma_start3A_26 = arith.constant 0 : i32
    %dma_start3A_27 = arith.constant 0 : i32
    %dma_start3A_28 = tpu.memref_slice %arg8[%dma_start3A_26, %dma_start3A_27] : memref<16x128xi32, #tpu.memory_space<vmem>> -> memref<8x128xi32, #tpu.memory_space<vmem>>
    %dma_start3A_29 = arith.constant 0 : i32
    %dma_start3A_30 = arith.constant 0 : i32
    %dma_start3A_31 = tpu.memref_slice %arg3[%add3A_25, %dma_start3A_29, %dma_start3A_30] : memref<320x8x128xi32, #tpu.memory_space<hbm>> -> memref<1x8x128xi32, #tpu.memory_space<hbm>>
    %dma_start3A_32 = tpu.memref_squeeze %dma_start3A_31 : memref<1x8x128xi32, #tpu.memory_space<hbm>> -> memref<8x128xi32, #tpu.memory_space<hbm>>
    %dma_start3A_33 = arith.constant 0 : i32
    %dma_start3A_34 = arith.constant 0 : i32
    %dma_start3A_35 = tpu.memref_slice %arg8[%dma_start3A_33, %dma_start3A_34] : memref<16x128xi32, #tpu.memory_space<vmem>> -> memref<8x128xi32, #tpu.memory_space<vmem>>
    %dma_start3A_36 = arith.constant 0 : i32
    %dma_start3A_37 = arith.constant 0 : i32
    %dma_start3A_38 = tpu.memref_slice %arg3[%add3A_25, %dma_start3A_36, %dma_start3A_37] : memref<320x8x128xi32, #tpu.memory_space<hbm>> -> memref<1x8x128xi32, #tpu.memory_space<hbm>>
    %dma_start3A_39 = tpu.memref_squeeze %dma_start3A_38 : memref<1x8x128xi32, #tpu.memory_space<hbm>> -> memref<8x128xi32, #tpu.memory_space<hbm>>
    tpu.enqueue_dma source(%dma_start3A_39 : memref<8x128xi32, #tpu.memory_space<hbm>>) target(%dma_start3A_35 : memref<8x128xi32, #tpu.memory_space<vmem>>) target_semaphore(%arg13 : memref<!tpu.dma_semaphore, #tpu.memory_space<semaphore_mem>>)
    %barrier3A = arith.constant 0 : index
    tpu.barrier barrier_id(%barrier3A)
    %mul3A_40 = arith.constant 10 : i32
    %mul3A_41 = arith.muli %add3A, %mul3A_40 : i32
    %add3A_42 = arith.constant 0 : i32
    %add3A_43 = arith.addi %mul3A_41, %add3A_42 : i32
    %dma_wait3A = arith.constant 0 : i32
    %dma_wait3A_44 = arith.constant 0 : i32
    %dma_wait3A_45 = tpu.memref_slice %arg7[%dma_wait3A, %dma_wait3A_44] : memref<16x128xi32, #tpu.memory_space<vmem>> -> memref<8x128xi32, #tpu.memory_space<vmem>>
    %dma_wait3A_46 = arith.constant 0 : i32
    %dma_wait3A_47 = arith.constant 0 : i32
    %dma_wait3A_48 = tpu.memref_slice %arg2[%add3A_43, %dma_wait3A_46, %dma_wait3A_47] : memref<320x8x128xi32, #tpu.memory_space<hbm>> -> memref<1x8x128xi32, #tpu.memory_space<hbm>>
    %dma_wait3A_49 = tpu.memref_squeeze %dma_wait3A_48 : memref<1x8x128xi32, #tpu.memory_space<hbm>> -> memref<8x128xi32, #tpu.memory_space<hbm>>
    %dma_wait3A_50 = arith.constant 0 : i32
    %dma_wait3A_51 = arith.constant 0 : i32
    %dma_wait3A_52 = tpu.memref_slice %arg7[%dma_wait3A_50, %dma_wait3A_51] : memref<16x128xi32, #tpu.memory_space<vmem>> -> memref<8x128xi32, #tpu.memory_space<vmem>>
    %dma_wait3A_53 = arith.constant 0 : i32
    %dma_wait3A_54 = arith.constant 0 : i32
    %dma_wait3A_55 = tpu.memref_slice %arg2[%add3A_43, %dma_wait3A_53, %dma_wait3A_54] : memref<320x8x128xi32, #tpu.memory_space<hbm>> -> memref<1x8x128xi32, #tpu.memory_space<hbm>>
    %dma_wait3A_56 = tpu.memref_squeeze %dma_wait3A_55 : memref<1x8x128xi32, #tpu.memory_space<hbm>> -> memref<8x128xi32, #tpu.memory_space<hbm>>
    tpu.wait_dma2 semaphore(%arg13 : memref<!tpu.dma_semaphore, #tpu.memory_space<semaphore_mem>>) src(%dma_wait3A_56 : memref<8x128xi32, #tpu.memory_space<hbm>>) dst(%dma_wait3A_52 : memref<8x128xi32, #tpu.memory_space<vmem>>)
    %mul3A_57 = arith.constant 10 : i32
    %mul3A_58 = arith.muli %add3A, %mul3A_57 : i32
    %add3A_59 = arith.constant 0 : i32
    %add3A_60 = arith.addi %mul3A_58, %add3A_59 : i32
    %dma_wait3A_61 = arith.constant 0 : i32
    %dma_wait3A_62 = arith.constant 0 : i32
    %dma_wait3A_63 = tpu.memref_slice %arg8[%dma_wait3A_61, %dma_wait3A_62] : memref<16x128xi32, #tpu.memory_space<vmem>> -> memref<8x128xi32, #tpu.memory_space<vmem>>
    %dma_wait3A_64 = arith.constant 0 : i32
    %dma_wait3A_65 = arith.constant 0 : i32
    %dma_wait3A_66 = tpu.memref_slice %arg3[%add3A_60, %dma_wait3A_64, %dma_wait3A_65] : memref<320x8x128xi32, #tpu.memory_space<hbm>> -> memref<1x8x128xi32, #tpu.memory_space<hbm>>
    %dma_wait3A_67 = tpu.memref_squeeze %dma_wait3A_66 : memref<1x8x128xi32, #tpu.memory_space<hbm>> -> memref<8x128xi32, #tpu.memory_space<hbm>>
    %dma_wait3A_68 = arith.constant 0 : i32
    %dma_wait3A_69 = arith.constant 0 : i32
    %dma_wait3A_70 = tpu.memref_slice %arg8[%dma_wait3A_68, %dma_wait3A_69] : memref<16x128xi32, #tpu.memory_space<vmem>> -> memref<8x128xi32, #tpu.memory_space<vmem>>
    %dma_wait3A_71 = arith.constant 0 : i32
    %dma_wait3A_72 = arith.constant 0 : i32
    %dma_wait3A_73 = tpu.memref_slice %arg3[%add3A_60, %dma_wait3A_71, %dma_wait3A_72] : memref<320x8x128xi32, #tpu.memory_space<hbm>> -> memref<1x8x128xi32, #tpu.memory_space<hbm>>
    %dma_wait3A_74 = tpu.memref_squeeze %dma_wait3A_73 : memref<1x8x128xi32, #tpu.memory_space<hbm>> -> memref<8x128xi32, #tpu.memory_space<hbm>>
    tpu.wait_dma2 semaphore(%arg13 : memref<!tpu.dma_semaphore, #tpu.memory_space<semaphore_mem>>) src(%dma_wait3A_74 : memref<8x128xi32, #tpu.memory_space<hbm>>) dst(%dma_wait3A_70 : memref<8x128xi32, #tpu.memory_space<vmem>>)
    %mul3A_75 = arith.constant 10 : i32
    %mul3A_76 = arith.muli %add3A, %mul3A_75 : i32
    %add3A_77 = arith.constant 1 : i32
    %add3A_78 = arith.addi %mul3A_76, %add3A_77 : i32
    %dma_start3A_79 = arith.constant 8 : i32
    %dma_start3A_80 = arith.constant 0 : i32
    %dma_start3A_81 = tpu.memref_slice %arg7[%dma_start3A_79, %dma_start3A_80] : memref<16x128xi32, #tpu.memory_space<vmem>> -> memref<8x128xi32, #tpu.memory_space<vmem>>
    %dma_start3A_82 = arith.constant 0 : i32
    %dma_start3A_83 = arith.constant 0 : i32
    %dma_start3A_84 = tpu.memref_slice %arg2[%add3A_78, %dma_start3A_82, %dma_start3A_83] : memref<320x8x128xi32, #tpu.memory_space<hbm>> -> memref<1x8x128xi32, #tpu.memory_space<hbm>>
    %dma_start3A_85 = tpu.memref_squeeze %dma_start3A_84 : memref<1x8x128xi32, #tpu.memory_space<hbm>> -> memref<8x128xi32, #tpu.memory_space<hbm>>
    %dma_start3A_86 = arith.constant 8 : i32
    %dma_start3A_87 = arith.constant 0 : i32
    %dma_start3A_88 = tpu.memref_slice %arg7[%dma_start3A_86, %dma_start3A_87] : memref<16x128xi32, #tpu.memory_space<vmem>> -> memref<8x128xi32, #tpu.memory_space<vmem>>
    %dma_start3A_89 = arith.constant 0 : i32
    %dma_start3A_90 = arith.constant 0 : i32
    %dma_start3A_91 = tpu.memref_slice %arg2[%add3A_78, %dma_start3A_89, %dma_start3A_90] : memref<320x8x128xi32, #tpu.memory_space<hbm>> -> memref<1x8x128xi32, #tpu.memory_space<hbm>>
    %dma_start3A_92 = tpu.memref_squeeze %dma_start3A_91 : memref<1x8x128xi32, #tpu.memory_space<hbm>> -> memref<8x128xi32, #tpu.memory_space<hbm>>
    tpu.enqueue_dma source(%dma_start3A_92 : memref<8x128xi32, #tpu.memory_space<hbm>>) target(%dma_start3A_88 : memref<8x128xi32, #tpu.memory_space<vmem>>) target_semaphore(%arg13 : memref<!tpu.dma_semaphore, #tpu.memory_space<semaphore_mem>>)
    %mul3A_93 = arith.constant 10 : i32
    %mul3A_94 = arith.muli %add3A, %mul3A_93 : i32
    %add3A_95 = arith.constant 1 : i32
    %add3A_96 = arith.addi %mul3A_94, %add3A_95 : i32
    %dma_start3A_97 = arith.constant 8 : i32
    %dma_start3A_98 = arith.constant 0 : i32
    %dma_start3A_99 = tpu.memref_slice %arg8[%dma_start3A_97, %dma_start3A_98] : memref<16x128xi32, #tpu.memory_space<vmem>> -> memref<8x128xi32, #tpu.memory_space<vmem>>
    %dma_start3A_100 = arith.constant 0 : i32
    %dma_start3A_101 = arith.constant 0 : i32
    %dma_start3A_102 = tpu.memref_slice %arg3[%add3A_96, %dma_start3A_100, %dma_start3A_101] : memref<320x8x128xi32, #tpu.memory_space<hbm>> -> memref<1x8x128xi32, #tpu.memory_space<hbm>>
    %dma_start3A_103 = tpu.memref_squeeze %dma_start3A_102 : memref<1x8x128xi32, #tpu.memory_space<hbm>> -> memref<8x128xi32, #tpu.memory_space<hbm>>
    %dma_start3A_104 = arith.constant 8 : i32
    %dma_start3A_105 = arith.constant 0 : i32
    %dma_start3A_106 = tpu.memref_slice %arg8[%dma_start3A_104, %dma_start3A_105] : memref<16x128xi32, #tpu.memory_space<vmem>> -> memref<8x128xi32, #tpu.memory_space<vmem>>
    %dma_start3A_107 = arith.constant 0 : i32
    %dma_start3A_108 = arith.constant 0 : i32
    %dma_start3A_109 = tpu.memref_slice %arg3[%add3A_96, %dma_start3A_107, %dma_start3A_108] : memref<320x8x128xi32, #tpu.memory_space<hbm>> -> memref<1x8x128xi32, #tpu.memory_space<hbm>>
    %dma_start3A_110 = tpu.memref_squeeze %dma_start3A_109 : memref<1x8x128xi32, #tpu.memory_space<hbm>> -> memref<8x128xi32, #tpu.memory_space<hbm>>
    tpu.enqueue_dma source(%dma_start3A_110 : memref<8x128xi32, #tpu.memory_space<hbm>>) target(%dma_start3A_106 : memref<8x128xi32, #tpu.memory_space<vmem>>) target_semaphore(%arg13 : memref<!tpu.dma_semaphore, #tpu.memory_space<semaphore_mem>>)
    %rem3A = arith.constant 0 : i32
    %rem3A_111 = arith.constant 16 : i32
    %rem3A_112 = arith.remsi %rem3A, %rem3A_111 : i32
    %dma_start3A_113 = arith.constant 0 : i32
    %dma_start3A_114 = arith.constant 0 : i32
    %dma_start3A_115 = arith.constant 0 : i32
    %dma_start3A_116 = tpu.memref_slice %arg9[%dma_start3A_113, %dma_start3A_114, %dma_start3A_115] : memref<2x128x128xf32, #tpu.memory_space<vmem>> -> memref<1x128x128xf32, #tpu.memory_space<vmem>>
    %dma_start3A_117 = tpu.memref_squeeze %dma_start3A_116 : memref<1x128x128xf32, #tpu.memory_space<vmem>> -> memref<128x128xf32, #tpu.memory_space<vmem>>
    %dma_start3A_118 = arith.constant 0 : i32
    %dma_start3A_119 = tpu.memref_slice %arg7[%rem3A_112, %dma_start3A_118] : memref<16x128xi32, #tpu.memory_space<vmem>> -> memref<1x128xi32, #tpu.memory_space<vmem>>
    %dma_start3A_120 = tpu.memref_squeeze %dma_start3A_119 : memref<1x128xi32, #tpu.memory_space<vmem>> -> memref<128xi32, #tpu.memory_space<vmem>>
    %dma_start3A_121 = arith.constant 0 : i32
    %dma_start3A_122 = arith.constant 0 : i32
    %dma_start3A_123 = tpu.memref_slice %arg4[%dma_start3A_121, %dma_start3A_122] : memref<10000x128xf32, #tpu.memory_space<hbm>> -> memref<10000x128xf32, #tpu.memory_space<hbm>>
    tpu.enqueue_indirect_dma source(%dma_start3A_123 : memref<10000x128xf32, #tpu.memory_space<hbm>>) target(%dma_start3A_117 : memref<128x128xf32, #tpu.memory_space<vmem>>) offsets(%dma_start3A_120 : memref<128xi32, #tpu.memory_space<vmem>>) semaphore(%arg11 : memref<!tpu.dma_semaphore, #tpu.memory_space<semaphore_mem>>)
    %scan3A = arith.constant 0 : i32
    %scan3A_124 = arith.constant 0 : i32
    %scan3A_125 = arith.constant 80 : i32
    %scan3A_126 = arith.addi %scan3A_124, %scan3A_125 : i32
    %scan3A_127 = arith.constant 1 : i32
    scf.for %scan3A_156 = %scan3A_124 to %scan3A_126 step %scan3A_127  : i32 {
      %rem3A_157 = arith.constant 2 : i32
      %rem3A_158 = arith.remsi %scan3A_156, %rem3A_157 : i32
      %ge3A = arith.constant 1 : i32
      %ge3A_159 = arith.cmpi sge, %scan3A_156, %ge3A : i32
      %convert_element_type3A_160 = arith.extui %ge3A_159 : i1 to i32
      %cond3A_161 = arith.constant 0 : i32
      %cond3A_162 = arith.cmpi ne, %convert_element_type3A_160, %cond3A_161 : i32
      scf.if %cond3A_162 {
        %sub3A = arith.constant 1 : i32
        %sub3A_193 = arith.subi %scan3A_156, %sub3A : i32
        %add3A_194 = arith.constant 1 : i32
        %add3A_195 = arith.addi %scan3A_156, %add3A_194 : i32
        %rem3A_196 = arith.constant 2 : i32
        %rem3A_197 = arith.remsi %add3A_195, %rem3A_196 : i32
        %rem3A_198 = arith.constant 16 : i32
        %rem3A_199 = arith.remsi %sub3A_193, %rem3A_198 : i32
        %dma_wait3A_200 = arith.constant 0 : i32
        %dma_wait3A_201 = arith.constant 0 : i32
        %dma_wait3A_202 = tpu.memref_slice %arg9[%rem3A_197, %dma_wait3A_200, %dma_wait3A_201] : memref<2x128x128xf32, #tpu.memory_space<vmem>> -> memref<1x128x128xf32, #tpu.memory_space<vmem>>
        %dma_wait3A_203 = tpu.memref_squeeze %dma_wait3A_202 : memref<1x128x128xf32, #tpu.memory_space<vmem>> -> memref<128x128xf32, #tpu.memory_space<vmem>>
        %dma_wait3A_204 = arith.constant 0 : i32
        %dma_wait3A_205 = tpu.memref_slice %arg8[%rem3A_199, %dma_wait3A_204] : memref<16x128xi32, #tpu.memory_space<vmem>> -> memref<1x128xi32, #tpu.memory_space<vmem>>
        %dma_wait3A_206 = tpu.memref_squeeze %dma_wait3A_205 : memref<1x128xi32, #tpu.memory_space<vmem>> -> memref<128xi32, #tpu.memory_space<vmem>>
        %dma_wait3A_207 = arith.constant 0 : i32
        %dma_wait3A_208 = arith.constant 0 : i32
        %dma_wait3A_209 = tpu.memref_slice %arg10[%dma_wait3A_207, %dma_wait3A_208] : memref<10128x128xf32, #tpu.memory_space<vmem_shared>> -> memref<10128x128xf32, #tpu.memory_space<vmem_shared>>
        tpu.wait_indirect_dma semaphore(%arg12 : memref<!tpu.dma_semaphore, #tpu.memory_space<semaphore_mem>>) src(%dma_wait3A_203 : memref<128x128xf32, #tpu.memory_space<vmem>>) dst(%dma_wait3A_209 : memref<10128x128xf32, #tpu.memory_space<vmem_shared>>)
      } else {
      }
      %add3A_163 = arith.constant 1 : i32
      %add3A_164 = arith.addi %scan3A_156, %add3A_163 : i32
      %lt3A = arith.constant 80 : i32
      %lt3A_165 = arith.cmpi slt, %add3A_164, %lt3A : i32
      %convert_element_type3A_166 = arith.extui %lt3A_165 : i1 to i32
      %cond3A_167 = arith.constant 0 : i32
      %cond3A_168 = arith.cmpi ne, %convert_element_type3A_166, %cond3A_167 : i32
      scf.if %cond3A_168 {
        %add3A_193 = arith.constant 1 : i32
        %add3A_194 = arith.addi %scan3A_156, %add3A_193 : i32
        %jit3A = arith.constant 8 : i32
        %div3A = arith.divsi %add3A_194, %jit3A : i32
        %sign3A = arith.constant 0 : i32
        %sign3A_195 = arith.cmpi sgt, %add3A_194, %sign3A : i32
        %sign3A_196 = arith.extui %sign3A_195 : i1 to i32
        %sign3A_197 = arith.constant 0 : i32
        %sign3A_198 = arith.cmpi slt, %add3A_194, %sign3A_197 : i32
        %sign3A_199 = arith.extui %sign3A_198 : i1 to i32
        %sign3A_200 = arith.subi %sign3A_196, %sign3A_199 : i32
        %sign3A_201 = arith.constant 0 : i32
        %sign3A_202 = arith.cmpi sgt, %jit3A, %sign3A_201 : i32
        %sign3A_203 = arith.extui %sign3A_202 : i1 to i32
        %sign3A_204 = arith.constant 0 : i32
        %sign3A_205 = arith.cmpi slt, %jit3A, %sign3A_204 : i32
        %sign3A_206 = arith.extui %sign3A_205 : i1 to i32
        %sign3A_207 = arith.subi %sign3A_203, %sign3A_206 : i32
        %ne3A = arith.cmpi ne, %sign3A_200, %sign3A_207 : i32
        %rem3A_208 = arith.remsi %add3A_194, %jit3A : i32
        %ne3A_209 = arith.constant 0 : i32
        %ne3A_210 = arith.cmpi ne, %rem3A_208, %ne3A_209 : i32
        %and3A = arith.andi %ne3A, %ne3A_210 : i1
        %sub3A = arith.constant 1 : i32
        %sub3A_211 = arith.subi %div3A, %sub3A : i32
        %select_n3A = arith.select %and3A, %sub3A_211, %div3A : i32
        %rem3A_212 = arith.constant 2 : i32
        %rem3A_213 = arith.remsi %select_n3A, %rem3A_212 : i32
        %rem3A_214 = arith.constant 8 : i32
        %rem3A_215 = arith.remsi %add3A_194, %rem3A_214 : i32
        %eq3A_216 = arith.constant 0 : i32
        %eq3A_217 = arith.cmpi eq, %rem3A_215, %eq3A_216 : i32
        %convert_element_type3A_218 = arith.extui %eq3A_217 : i1 to i32
        %cond3A_219 = arith.constant 0 : i32
        %cond3A_220 = arith.cmpi ne, %convert_element_type3A_218, %cond3A_219 : i32
        scf.if %cond3A_220 {
          %mul3A_250 = arith.constant 10 : i32
          %mul3A_251 = arith.muli %add3A, %mul3A_250 : i32
          %add3A_252 = arith.addi %mul3A_251, %select_n3A : i32
          %mul3A_253 = arith.constant 8 : i32
          %mul3A_254 = arith.muli %rem3A_213, %mul3A_253 : i32
          %dma_wait3A_255 = arith.constant 0 : i32
          %dma_wait3A_256 = tpu.memref_slice %arg7[%mul3A_254, %dma_wait3A_255] : memref<16x128xi32, #tpu.memory_space<vmem>> -> memref<8x128xi32, #tpu.memory_space<vmem>>
          %dma_wait3A_257 = arith.constant 0 : i32
          %dma_wait3A_258 = arith.constant 0 : i32
          %dma_wait3A_259 = tpu.memref_slice %arg2[%add3A_252, %dma_wait3A_257, %dma_wait3A_258] : memref<320x8x128xi32, #tpu.memory_space<hbm>> -> memref<1x8x128xi32, #tpu.memory_space<hbm>>
          %dma_wait3A_260 = tpu.memref_squeeze %dma_wait3A_259 : memref<1x8x128xi32, #tpu.memory_space<hbm>> -> memref<8x128xi32, #tpu.memory_space<hbm>>
          %dma_wait3A_261 = arith.constant 0 : i32
          %dma_wait3A_262 = tpu.memref_slice %arg7[%mul3A_254, %dma_wait3A_261] : memref<16x128xi32, #tpu.memory_space<vmem>> -> memref<8x128xi32, #tpu.memory_space<vmem>>
          %dma_wait3A_263 = arith.constant 0 : i32
          %dma_wait3A_264 = arith.constant 0 : i32
          %dma_wait3A_265 = tpu.memref_slice %arg2[%add3A_252, %dma_wait3A_263, %dma_wait3A_264] : memref<320x8x128xi32, #tpu.memory_space<hbm>> -> memref<1x8x128xi32, #tpu.memory_space<hbm>>
          %dma_wait3A_266 = tpu.memref_squeeze %dma_wait3A_265 : memref<1x8x128xi32, #tpu.memory_space<hbm>> -> memref<8x128xi32, #tpu.memory_space<hbm>>
          tpu.wait_dma2 semaphore(%arg13 : memref<!tpu.dma_semaphore, #tpu.memory_space<semaphore_mem>>) src(%dma_wait3A_266 : memref<8x128xi32, #tpu.memory_space<hbm>>) dst(%dma_wait3A_262 : memref<8x128xi32, #tpu.memory_space<vmem>>)
          %mul3A_267 = arith.constant 10 : i32
          %mul3A_268 = arith.muli %add3A, %mul3A_267 : i32
          %add3A_269 = arith.addi %mul3A_268, %select_n3A : i32
          %mul3A_270 = arith.constant 8 : i32
          %mul3A_271 = arith.muli %rem3A_213, %mul3A_270 : i32
          %dma_wait3A_272 = arith.constant 0 : i32
          %dma_wait3A_273 = tpu.memref_slice %arg8[%mul3A_271, %dma_wait3A_272] : memref<16x128xi32, #tpu.memory_space<vmem>> -> memref<8x128xi32, #tpu.memory_space<vmem>>
          %dma_wait3A_274 = arith.constant 0 : i32
          %dma_wait3A_275 = arith.constant 0 : i32
          %dma_wait3A_276 = tpu.memref_slice %arg3[%add3A_269, %dma_wait3A_274, %dma_wait3A_275] : memref<320x8x128xi32, #tpu.memory_space<hbm>> -> memref<1x8x128xi32, #tpu.memory_space<hbm>>
          %dma_wait3A_277 = tpu.memref_squeeze %dma_wait3A_276 : memref<1x8x128xi32, #tpu.memory_space<hbm>> -> memref<8x128xi32, #tpu.memory_space<hbm>>
          %dma_wait3A_278 = arith.constant 0 : i32
          %dma_wait3A_279 = tpu.memref_slice %arg8[%mul3A_271, %dma_wait3A_278] : memref<16x128xi32, #tpu.memory_space<vmem>> -> memref<8x128xi32, #tpu.memory_space<vmem>>
          %dma_wait3A_280 = arith.constant 0 : i32
          %dma_wait3A_281 = arith.constant 0 : i32
          %dma_wait3A_282 = tpu.memref_slice %arg3[%add3A_269, %dma_wait3A_280, %dma_wait3A_281] : memref<320x8x128xi32, #tpu.memory_space<hbm>> -> memref<1x8x128xi32, #tpu.memory_space<hbm>>
          %dma_wait3A_283 = tpu.memref_squeeze %dma_wait3A_282 : memref<1x8x128xi32, #tpu.memory_space<hbm>> -> memref<8x128xi32, #tpu.memory_space<hbm>>
          tpu.wait_dma2 semaphore(%arg13 : memref<!tpu.dma_semaphore, #tpu.memory_space<semaphore_mem>>) src(%dma_wait3A_283 : memref<8x128xi32, #tpu.memory_space<hbm>>) dst(%dma_wait3A_279 : memref<8x128xi32, #tpu.memory_space<vmem>>)
        } else {
        }
        %rem3A_221 = arith.constant 8 : i32
        %rem3A_222 = arith.remsi %add3A_194, %rem3A_221 : i32
        %eq3A_223 = arith.constant 3 : i32
        %eq3A_224 = arith.cmpi eq, %rem3A_222, %eq3A_223 : i32
        %ge3A_225 = arith.constant 8 : i32
        %ge3A_226 = arith.cmpi sge, %add3A_194, %ge3A_225 : i32
        %and3A_227 = arith.andi %eq3A_224, %ge3A_226 : i1
        %add3A_228 = arith.constant 1 : i32
        %add3A_229 = arith.addi %select_n3A, %add3A_228 : i32
        %lt3A_230 = arith.constant 10 : i32
        %lt3A_231 = arith.cmpi slt, %add3A_229, %lt3A_230 : i32
        %and3A_232 = arith.andi %and3A_227, %lt3A_231 : i1
        %convert_element_type3A_233 = arith.extui %and3A_232 : i1 to i32
        %cond3A_234 = arith.constant 0 : i32
        %cond3A_235 = arith.cmpi ne, %convert_element_type3A_233, %cond3A_234 : i32
        scf.if %cond3A_235 {
          %add3A_250 = arith.constant 1 : i32
          %add3A_251 = arith.addi %select_n3A, %add3A_250 : i32
          %sub3A_252 = arith.constant 1 : i32
          %sub3A_253 = arith.subi %sub3A_252, %rem3A_213 : i32
          %mul3A_254 = arith.constant 10 : i32
          %mul3A_255 = arith.muli %add3A, %mul3A_254 : i32
          %add3A_256 = arith.addi %mul3A_255, %add3A_251 : i32
          %mul3A_257 = arith.constant 8 : i32
          %mul3A_258 = arith.muli %sub3A_253, %mul3A_257 : i32
          %dma_start3A_259 = arith.constant 0 : i32
          %dma_start3A_260 = tpu.memref_slice %arg7[%mul3A_258, %dma_start3A_259] : memref<16x128xi32, #tpu.memory_space<vmem>> -> memref<8x128xi32, #tpu.memory_space<vmem>>
          %dma_start3A_261 = arith.constant 0 : i32
          %dma_start3A_262 = arith.constant 0 : i32
          %dma_start3A_263 = tpu.memref_slice %arg2[%add3A_256, %dma_start3A_261, %dma_start3A_262] : memref<320x8x128xi32, #tpu.memory_space<hbm>> -> memref<1x8x128xi32, #tpu.memory_space<hbm>>
          %dma_start3A_264 = tpu.memref_squeeze %dma_start3A_263 : memref<1x8x128xi32, #tpu.memory_space<hbm>> -> memref<8x128xi32, #tpu.memory_space<hbm>>
          %dma_start3A_265 = arith.constant 0 : i32
          %dma_start3A_266 = tpu.memref_slice %arg7[%mul3A_258, %dma_start3A_265] : memref<16x128xi32, #tpu.memory_space<vmem>> -> memref<8x128xi32, #tpu.memory_space<vmem>>
          %dma_start3A_267 = arith.constant 0 : i32
          %dma_start3A_268 = arith.constant 0 : i32
          %dma_start3A_269 = tpu.memref_slice %arg2[%add3A_256, %dma_start3A_267, %dma_start3A_268] : memref<320x8x128xi32, #tpu.memory_space<hbm>> -> memref<1x8x128xi32, #tpu.memory_space<hbm>>
          %dma_start3A_270 = tpu.memref_squeeze %dma_start3A_269 : memref<1x8x128xi32, #tpu.memory_space<hbm>> -> memref<8x128xi32, #tpu.memory_space<hbm>>
          tpu.enqueue_dma source(%dma_start3A_270 : memref<8x128xi32, #tpu.memory_space<hbm>>) target(%dma_start3A_266 : memref<8x128xi32, #tpu.memory_space<vmem>>) target_semaphore(%arg13 : memref<!tpu.dma_semaphore, #tpu.memory_space<semaphore_mem>>)
          %mul3A_271 = arith.constant 10 : i32
          %mul3A_272 = arith.muli %add3A, %mul3A_271 : i32
          %add3A_273 = arith.addi %mul3A_272, %add3A_251 : i32
          %mul3A_274 = arith.constant 8 : i32
          %mul3A_275 = arith.muli %sub3A_253, %mul3A_274 : i32
          %dma_start3A_276 = arith.constant 0 : i32
          %dma_start3A_277 = tpu.memref_slice %arg8[%mul3A_275, %dma_start3A_276] : memref<16x128xi32, #tpu.memory_space<vmem>> -> memref<8x128xi32, #tpu.memory_space<vmem>>
          %dma_start3A_278 = arith.constant 0 : i32
          %dma_start3A_279 = arith.constant 0 : i32
          %dma_start3A_280 = tpu.memref_slice %arg3[%add3A_273, %dma_start3A_278, %dma_start3A_279] : memref<320x8x128xi32, #tpu.memory_space<hbm>> -> memref<1x8x128xi32, #tpu.memory_space<hbm>>
          %dma_start3A_281 = tpu.memref_squeeze %dma_start3A_280 : memref<1x8x128xi32, #tpu.memory_space<hbm>> -> memref<8x128xi32, #tpu.memory_space<hbm>>
          %dma_start3A_282 = arith.constant 0 : i32
          %dma_start3A_283 = tpu.memref_slice %arg8[%mul3A_275, %dma_start3A_282] : memref<16x128xi32, #tpu.memory_space<vmem>> -> memref<8x128xi32, #tpu.memory_space<vmem>>
          %dma_start3A_284 = arith.constant 0 : i32
          %dma_start3A_285 = arith.constant 0 : i32
          %dma_start3A_286 = tpu.memref_slice %arg3[%add3A_273, %dma_start3A_284, %dma_start3A_285] : memref<320x8x128xi32, #tpu.memory_space<hbm>> -> memref<1x8x128xi32, #tpu.memory_space<hbm>>
          %dma_start3A_287 = tpu.memref_squeeze %dma_start3A_286 : memref<1x8x128xi32, #tpu.memory_space<hbm>> -> memref<8x128xi32, #tpu.memory_space<hbm>>
          tpu.enqueue_dma source(%dma_start3A_287 : memref<8x128xi32, #tpu.memory_space<hbm>>) target(%dma_start3A_283 : memref<8x128xi32, #tpu.memory_space<vmem>>) target_semaphore(%arg13 : memref<!tpu.dma_semaphore, #tpu.memory_space<semaphore_mem>>)
        } else {
        }
        %rem3A_236 = arith.constant 2 : i32
        %rem3A_237 = arith.remsi %add3A_194, %rem3A_236 : i32
        %rem3A_238 = arith.constant 16 : i32
        %rem3A_239 = arith.remsi %add3A_194, %rem3A_238 : i32
        %dma_start3A_240 = arith.constant 0 : i32
        %dma_start3A_241 = arith.constant 0 : i32
        %dma_start3A_242 = tpu.memref_slice %arg9[%rem3A_237, %dma_start3A_240, %dma_start3A_241] : memref<2x128x128xf32, #tpu.memory_space<vmem>> -> memref<1x128x128xf32, #tpu.memory_space<vmem>>
        %dma_start3A_243 = tpu.memref_squeeze %dma_start3A_242 : memref<1x128x128xf32, #tpu.memory_space<vmem>> -> memref<128x128xf32, #tpu.memory_space<vmem>>
        %dma_start3A_244 = arith.constant 0 : i32
        %dma_start3A_245 = tpu.memref_slice %arg7[%rem3A_239, %dma_start3A_244] : memref<16x128xi32, #tpu.memory_space<vmem>> -> memref<1x128xi32, #tpu.memory_space<vmem>>
        %dma_start3A_246 = tpu.memref_squeeze %dma_start3A_245 : memref<1x128xi32, #tpu.memory_space<vmem>> -> memref<128xi32, #tpu.memory_space<vmem>>
        %dma_start3A_247 = arith.constant 0 : i32
        %dma_start3A_248 = arith.constant 0 : i32
        %dma_start3A_249 = tpu.memref_slice %arg4[%dma_start3A_247, %dma_start3A_248] : memref<10000x128xf32, #tpu.memory_space<hbm>> -> memref<10000x128xf32, #tpu.memory_space<hbm>>
        tpu.enqueue_indirect_dma source(%dma_start3A_249 : memref<10000x128xf32, #tpu.memory_space<hbm>>) target(%dma_start3A_243 : memref<128x128xf32, #tpu.memory_space<vmem>>) offsets(%dma_start3A_246 : memref<128xi32, #tpu.memory_space<vmem>>) semaphore(%arg11 : memref<!tpu.dma_semaphore, #tpu.memory_space<semaphore_mem>>)
      } else {
      }
      %rem3A_169 = arith.constant 16 : i32
      %rem3A_170 = arith.remsi %scan3A_156, %rem3A_169 : i32
      %dma_wait3A_171 = arith.constant 0 : i32
      %dma_wait3A_172 = arith.constant 0 : i32
      %dma_wait3A_173 = tpu.memref_slice %arg9[%rem3A_158, %dma_wait3A_171, %dma_wait3A_172] : memref<2x128x128xf32, #tpu.memory_space<vmem>> -> memref<1x128x128xf32, #tpu.memory_space<vmem>>
      %dma_wait3A_174 = tpu.memref_squeeze %dma_wait3A_173 : memref<1x128x128xf32, #tpu.memory_space<vmem>> -> memref<128x128xf32, #tpu.memory_space<vmem>>
      %dma_wait3A_175 = arith.constant 0 : i32
      %dma_wait3A_176 = tpu.memref_slice %arg7[%rem3A_170, %dma_wait3A_175] : memref<16x128xi32, #tpu.memory_space<vmem>> -> memref<1x128xi32, #tpu.memory_space<vmem>>
      %dma_wait3A_177 = tpu.memref_squeeze %dma_wait3A_176 : memref<1x128xi32, #tpu.memory_space<vmem>> -> memref<128xi32, #tpu.memory_space<vmem>>
      %dma_wait3A_178 = arith.constant 0 : i32
      %dma_wait3A_179 = arith.constant 0 : i32
      %dma_wait3A_180 = tpu.memref_slice %arg4[%dma_wait3A_178, %dma_wait3A_179] : memref<10000x128xf32, #tpu.memory_space<hbm>> -> memref<10000x128xf32, #tpu.memory_space<hbm>>
      tpu.wait_indirect_dma semaphore(%arg11 : memref<!tpu.dma_semaphore, #tpu.memory_space<semaphore_mem>>) src(%dma_wait3A_180 : memref<10000x128xf32, #tpu.memory_space<hbm>>) dst(%dma_wait3A_174 : memref<128x128xf32, #tpu.memory_space<vmem>>)
      %rem3A_181 = arith.constant 16 : i32
      %rem3A_182 = arith.remsi %scan3A_156, %rem3A_181 : i32
      %dma_start3A_183 = arith.constant 0 : i32
      %dma_start3A_184 = arith.constant 0 : i32
      %dma_start3A_185 = tpu.memref_slice %arg9[%rem3A_158, %dma_start3A_183, %dma_start3A_184] : memref<2x128x128xf32, #tpu.memory_space<vmem>> -> memref<1x128x128xf32, #tpu.memory_space<vmem>>
      %dma_start3A_186 = tpu.memref_squeeze %dma_start3A_185 : memref<1x128x128xf32, #tpu.memory_space<vmem>> -> memref<128x128xf32, #tpu.memory_space<vmem>>
      %dma_start3A_187 = arith.constant 0 : i32
      %dma_start3A_188 = tpu.memref_slice %arg8[%rem3A_182, %dma_start3A_187] : memref<16x128xi32, #tpu.memory_space<vmem>> -> memref<1x128xi32, #tpu.memory_space<vmem>>
      %dma_start3A_189 = tpu.memref_squeeze %dma_start3A_188 : memref<1x128xi32, #tpu.memory_space<vmem>> -> memref<128xi32, #tpu.memory_space<vmem>>
      %dma_start3A_190 = arith.constant 0 : i32
      %dma_start3A_191 = arith.constant 0 : i32
      %dma_start3A_192 = tpu.memref_slice %arg10[%dma_start3A_190, %dma_start3A_191] : memref<10128x128xf32, #tpu.memory_space<vmem_shared>> -> memref<10128x128xf32, #tpu.memory_space<vmem_shared>>
      tpu.enqueue_indirect_dma source(%dma_start3A_186 : memref<128x128xf32, #tpu.memory_space<vmem>>) target(%dma_start3A_192 : memref<10128x128xf32, #tpu.memory_space<vmem_shared>>) offsets(%dma_start3A_189 : memref<128xi32, #tpu.memory_space<vmem>>) semaphore(%arg12 : memref<!tpu.dma_semaphore, #tpu.memory_space<semaphore_mem>>) {add = true}
    }
    %scan3A_128 = arith.constant 80 : i32
    %rem3A_129 = arith.constant 79 : i32
    %rem3A_130 = arith.constant 16 : i32
    %rem3A_131 = arith.remsi %rem3A_129, %rem3A_130 : i32
    %dma_wait3A_132 = arith.constant 1 : i32
    %dma_wait3A_133 = arith.constant 0 : i32
    %dma_wait3A_134 = arith.constant 0 : i32
    %dma_wait3A_135 = tpu.memref_slice %arg9[%dma_wait3A_132, %dma_wait3A_133, %dma_wait3A_134] : memref<2x128x128xf32, #tpu.memory_space<vmem>> -> memref<1x128x128xf32, #tpu.memory_space<vmem>>
    %dma_wait3A_136 = tpu.memref_squeeze %dma_wait3A_135 : memref<1x128x128xf32, #tpu.memory_space<vmem>> -> memref<128x128xf32, #tpu.memory_space<vmem>>
    %dma_wait3A_137 = arith.constant 0 : i32
    %dma_wait3A_138 = tpu.memref_slice %arg8[%rem3A_131, %dma_wait3A_137] : memref<16x128xi32, #tpu.memory_space<vmem>> -> memref<1x128xi32, #tpu.memory_space<vmem>>
    %dma_wait3A_139 = tpu.memref_squeeze %dma_wait3A_138 : memref<1x128xi32, #tpu.memory_space<vmem>> -> memref<128xi32, #tpu.memory_space<vmem>>
    %dma_wait3A_140 = arith.constant 0 : i32
    %dma_wait3A_141 = arith.constant 0 : i32
    %dma_wait3A_142 = tpu.memref_slice %arg10[%dma_wait3A_140, %dma_wait3A_141] : memref<10128x128xf32, #tpu.memory_space<vmem_shared>> -> memref<10128x128xf32, #tpu.memory_space<vmem_shared>>
    tpu.wait_indirect_dma semaphore(%arg12 : memref<!tpu.dma_semaphore, #tpu.memory_space<semaphore_mem>>) src(%dma_wait3A_136 : memref<128x128xf32, #tpu.memory_space<vmem>>) dst(%dma_wait3A_142 : memref<10128x128xf32, #tpu.memory_space<vmem_shared>>)
    %barrier3A_143 = arith.constant 0 : index
    tpu.barrier barrier_id(%barrier3A_143)
    %mul3A_144 = arith.constant 624 : i32
    %mul3A_145 = arith.muli %arg1, %mul3A_144 : i32
    %multiple_of3A_146 = tpu.assume_multiple %mul3A_145, 8 : i32
    %mul3A_147 = arith.constant 10000 : i32
    %mul3A_148 = arith.muli %arg0, %mul3A_147 : i32
    %add3A_149 = arith.addi %mul3A_148, %multiple_of3A_146 : i32
    %multiple_of3A_150 = tpu.assume_multiple %add3A_149, 8 : i32
    "tpu.region"() ({
      %run_scoped3A = tpu.sem_alloc : memref<!tpu.dma_semaphore, #tpu.memory_space<semaphore_mem>>
      %dma_start3A_156 = arith.constant 0 : i32
      %dma_start3A_157 = tpu.memref_slice %arg6[%multiple_of3A_150, %dma_start3A_156] : memref<20000x128xf32, #tpu.memory_space<hbm>> -> memref<624x128xf32, #tpu.memory_space<hbm>>
      %dma_start3A_158 = arith.constant 0 : i32
      %dma_start3A_159 = tpu.memref_slice %arg10[%multiple_of3A_146, %dma_start3A_158] : memref<10128x128xf32, #tpu.memory_space<vmem_shared>> -> memref<624x128xf32, #tpu.memory_space<vmem_shared>>
      tpu.enqueue_dma source(%dma_start3A_159 : memref<624x128xf32, #tpu.memory_space<vmem_shared>>) target(%dma_start3A_157 : memref<624x128xf32, #tpu.memory_space<hbm>>) target_semaphore(%run_scoped3A : memref<!tpu.dma_semaphore, #tpu.memory_space<semaphore_mem>>)
      %dma_wait3A_160 = arith.constant 0 : i32
      %dma_wait3A_161 = tpu.memref_slice %arg6[%multiple_of3A_150, %dma_wait3A_160] : memref<20000x128xf32, #tpu.memory_space<hbm>> -> memref<624x128xf32, #tpu.memory_space<hbm>>
      %dma_wait3A_162 = arith.constant 0 : i32
      %dma_wait3A_163 = tpu.memref_slice %arg10[%multiple_of3A_146, %dma_wait3A_162] : memref<10128x128xf32, #tpu.memory_space<vmem_shared>> -> memref<624x128xf32, #tpu.memory_space<vmem_shared>>
      tpu.wait_dma2 semaphore(%run_scoped3A : memref<!tpu.dma_semaphore, #tpu.memory_space<semaphore_mem>>) src(%dma_wait3A_163 : memref<624x128xf32, #tpu.memory_space<vmem_shared>>) dst(%dma_wait3A_161 : memref<624x128xf32, #tpu.memory_space<hbm>>)
      tpu.yield
    }) : () -> ()
    %eq3A_151 = arith.constant 15 : i32
    %eq3A_152 = arith.cmpi eq, %arg1, %eq3A_151 : i32
    %convert_element_type3A_153 = arith.extui %eq3A_152 : i1 to i32
    %cond3A_154 = arith.constant 0 : i32
    %cond3A_155 = arith.cmpi ne, %convert_element_type3A_153, %cond3A_154 : i32
    scf.if %cond3A_155 {
      %mul3A_156 = arith.constant 10000 : i32
      %mul3A_157 = arith.muli %arg0, %mul3A_156 : i32
      %add3A_158 = arith.constant 9984 : i32
      %add3A_159 = arith.addi %mul3A_157, %add3A_158 : i32
      %multiple_of3A_160 = tpu.assume_multiple %add3A_159, 8 : i32
      "tpu.region"() ({
        %run_scoped3A = tpu.sem_alloc : memref<!tpu.dma_semaphore, #tpu.memory_space<semaphore_mem>>
        %dma_start3A_161 = arith.constant 0 : i32
        %dma_start3A_162 = tpu.memref_slice %arg6[%multiple_of3A_160, %dma_start3A_161] : memref<20000x128xf32, #tpu.memory_space<hbm>> -> memref<16x128xf32, #tpu.memory_space<hbm>>
        %dma_start3A_163 = arith.constant 9984 : i32
        %dma_start3A_164 = arith.constant 0 : i32
        %dma_start3A_165 = tpu.memref_slice %arg10[%dma_start3A_163, %dma_start3A_164] : memref<10128x128xf32, #tpu.memory_space<vmem_shared>> -> memref<16x128xf32, #tpu.memory_space<vmem_shared>>
        tpu.enqueue_dma source(%dma_start3A_165 : memref<16x128xf32, #tpu.memory_space<vmem_shared>>) target(%dma_start3A_162 : memref<16x128xf32, #tpu.memory_space<hbm>>) target_semaphore(%run_scoped3A : memref<!tpu.dma_semaphore, #tpu.memory_space<semaphore_mem>>)
        %dma_wait3A_166 = arith.constant 0 : i32
        %dma_wait3A_167 = tpu.memref_slice %arg6[%multiple_of3A_160, %dma_wait3A_166] : memref<20000x128xf32, #tpu.memory_space<hbm>> -> memref<16x128xf32, #tpu.memory_space<hbm>>
        %dma_wait3A_168 = arith.constant 9984 : i32
        %dma_wait3A_169 = arith.constant 0 : i32
        %dma_wait3A_170 = tpu.memref_slice %arg10[%dma_wait3A_168, %dma_wait3A_169] : memref<10128x128xf32, #tpu.memory_space<vmem_shared>> -> memref<16x128xf32, #tpu.memory_space<vmem_shared>>
        tpu.wait_dma2 semaphore(%run_scoped3A : memref<!tpu.dma_semaphore, #tpu.memory_space<semaphore_mem>>) src(%dma_wait3A_170 : memref<16x128xf32, #tpu.memory_space<vmem_shared>>) dst(%dma_wait3A_167 : memref<16x128xf32, #tpu.memory_space<hbm>>)
        tpu.yield
      }) : () -> ()
    } else {
    }
    return
  }
}

#map = affine_map<(d0, d1) -> (0, 0, 0)>
#map1 = affine_map<(d0, d1) -> (0, 0)>
module attributes {stable_mosaic.version = 14 : i64} {
  func.func @_segment_sum_sc(%arg0: i32, %arg1: i32, %arg2: memref<320x8x128xi32, #tpu.memory_space<hbm>>, %arg3: memref<320x8x128xi32, #tpu.memory_space<hbm>>, %arg4: memref<10000x128xf32, #tpu.memory_space<hbm>>, %arg5: memref<10128x128xf32, #tpu.memory_space<hbm>>, %arg6: memref<20000x128xf32, #tpu.memory_space<hbm>>, %arg7: memref<16x128xi32, #tpu.memory_space<vmem>>, %arg8: memref<16x128xi32, #tpu.memory_space<vmem>>, %arg9: memref<2x128x128xf32, #tpu.memory_space<vmem>>, %arg10: memref<10128x128xf32, #tpu.memory_space<vmem_shared>>, %arg11: memref<!tpu.dma_semaphore, #tpu.memory_space<semaphore_mem>>, %arg12: memref<!tpu.dma_semaphore, #tpu.memory_space<semaphore_mem>>, %arg13: memref<!tpu.dma_semaphore, #tpu.memory_space<semaphore_mem>>) attributes {dimension_semantics = [#tpu.dimension_semantics<core_parallel>, #tpu.dimension_semantics<subcore_parallel>], iteration_bounds = array<i64: 2, 16>, scalar_prefetch = 0 : i64, scratch_operands = 7 : i64, tpu.core_type = #tpu.core_type<sc_vector_subcore>, window_params = [{transform_indices = #map}, {transform_indices = #map}, {transform_indices = #map1}, {transform_indices = #map1}, {transform_indices = #map1}]} {
    %mul3A = arith.constant 16 : i32
    %mul3A_0 = arith.muli %arg0, %mul3A : i32
    %add3A = arith.addi %mul3A_0, %arg1 : i32
    %mul3A_1 = arith.constant 632 : i32
    %mul3A_2 = arith.muli %arg1, %mul3A_1 : i32
    %multiple_of3A = tpu.assume_multiple %mul3A_2, 8 : i32
    "tpu.region"() ({
      %run_scoped3A = tpu.sem_alloc : memref<!tpu.dma_semaphore, #tpu.memory_space<semaphore_mem>>
      %dma_start3A_156 = arith.constant 0 : i32
      %dma_start3A_157 = tpu.memref_slice %arg10[%multiple_of3A, %dma_start3A_156] : memref<10128x128xf32, #tpu.memory_space<vmem_shared>> -> memref<632x128xf32, #tpu.memory_space<vmem_shared>>
      %dma_start3A_158 = arith.constant 0 : i32
      %dma_start3A_159 = tpu.memref_slice %arg5[%multiple_of3A, %dma_start3A_158] : memref<10128x128xf32, #tpu.memory_space<hbm>> -> memref<632x128xf32, #tpu.memory_space<hbm>>
      tpu.enqueue_dma source(%dma_start3A_159 : memref<632x128xf32, #tpu.memory_space<hbm>>) target(%dma_start3A_157 : memref<632x128xf32, #tpu.memory_space<vmem_shared>>) target_semaphore(%run_scoped3A : memref<!tpu.dma_semaphore, #tpu.memory_space<semaphore_mem>>)
      %dma_wait3A_160 = arith.constant 0 : i32
      %dma_wait3A_161 = tpu.memref_slice %arg10[%multiple_of3A, %dma_wait3A_160] : memref<10128x128xf32, #tpu.memory_space<vmem_shared>> -> memref<632x128xf32, #tpu.memory_space<vmem_shared>>
      %dma_wait3A_162 = arith.constant 0 : i32
      %dma_wait3A_163 = tpu.memref_slice %arg5[%multiple_of3A, %dma_wait3A_162] : memref<10128x128xf32, #tpu.memory_space<hbm>> -> memref<632x128xf32, #tpu.memory_space<hbm>>
      tpu.wait_dma2 semaphore(%run_scoped3A : memref<!tpu.dma_semaphore, #tpu.memory_space<semaphore_mem>>) src(%dma_wait3A_163 : memref<632x128xf32, #tpu.memory_space<hbm>>) dst(%dma_wait3A_161 : memref<632x128xf32, #tpu.memory_space<vmem_shared>>)
      tpu.yield
    }) : () -> ()
    %eq3A = arith.constant 15 : i32
    %eq3A_3 = arith.cmpi eq, %arg1, %eq3A : i32
    %convert_element_type3A = arith.extui %eq3A_3 : i1 to i32
    %cond3A = arith.constant 0 : i32
    %cond3A_4 = arith.cmpi ne, %convert_element_type3A, %cond3A : i32
    scf.if %cond3A_4 {
      "tpu.region"() ({
        %run_scoped3A = tpu.sem_alloc : memref<!tpu.dma_semaphore, #tpu.memory_space<semaphore_mem>>
        %dma_start3A_156 = arith.constant 10112 : i32
        %dma_start3A_157 = arith.constant 0 : i32
        %dma_start3A_158 = tpu.memref_slice %arg10[%dma_start3A_156, %dma_start3A_157] : memref<10128x128xf32, #tpu.memory_space<vmem_shared>> -> memref<16x128xf32, #tpu.memory_space<vmem_shared>>
        %dma_start3A_159 = arith.constant 10112 : i32
        %dma_start3A_160 = arith.constant 0 : i32
        %dma_start3A_161 = tpu.memref_slice %arg5[%dma_start3A_159, %dma_start3A_160] : memref<10128x128xf32, #tpu.memory_space<hbm>> -> memref<16x128xf32, #tpu.memory_space<hbm>>
        tpu.enqueue_dma source(%dma_start3A_161 : memref<16x128xf32, #tpu.memory_space<hbm>>) target(%dma_start3A_158 : memref<16x128xf32, #tpu.memory_space<vmem_shared>>) target_semaphore(%run_scoped3A : memref<!tpu.dma_semaphore, #tpu.memory_space<semaphore_mem>>)
        %dma_wait3A_162 = arith.constant 10112 : i32
        %dma_wait3A_163 = arith.constant 0 : i32
        %dma_wait3A_164 = tpu.memref_slice %arg10[%dma_wait3A_162, %dma_wait3A_163] : memref<10128x128xf32, #tpu.memory_space<vmem_shared>> -> memref<16x128xf32, #tpu.memory_space<vmem_shared>>
        %dma_wait3A_165 = arith.constant 10112 : i32
        %dma_wait3A_166 = arith.constant 0 : i32
        %dma_wait3A_167 = tpu.memref_slice %arg5[%dma_wait3A_165, %dma_wait3A_166] : memref<10128x128xf32, #tpu.memory_space<hbm>> -> memref<16x128xf32, #tpu.memory_space<hbm>>
        tpu.wait_dma2 semaphore(%run_scoped3A : memref<!tpu.dma_semaphore, #tpu.memory_space<semaphore_mem>>) src(%dma_wait3A_167 : memref<16x128xf32, #tpu.memory_space<hbm>>) dst(%dma_wait3A_164 : memref<16x128xf32, #tpu.memory_space<vmem_shared>>)
        tpu.yield
      }) : () -> ()
    } else {
    }
    %mul3A_5 = arith.constant 10 : i32
    %mul3A_6 = arith.muli %add3A, %mul3A_5 : i32
    %add3A_7 = arith.constant 0 : i32
    %add3A_8 = arith.addi %mul3A_6, %add3A_7 : i32
    %dma_start3A = arith.constant 0 : i32
    %dma_start3A_9 = arith.constant 0 : i32
    %dma_start3A_10 = tpu.memref_slice %arg7[%dma_start3A, %dma_start3A_9] : memref<16x128xi32, #tpu.memory_space<vmem>> -> memref<8x128xi32, #tpu.memory_space<vmem>>
    %dma_start3A_11 = arith.constant 0 : i32
    %dma_start3A_12 = arith.constant 0 : i32
    %dma_start3A_13 = tpu.memref_slice %arg2[%add3A_8, %dma_start3A_11, %dma_start3A_12] : memref<320x8x128xi32, #tpu.memory_space<hbm>> -> memref<1x8x128xi32, #tpu.memory_space<hbm>>
    %dma_start3A_14 = tpu.memref_squeeze %dma_start3A_13 : memref<1x8x128xi32, #tpu.memory_space<hbm>> -> memref<8x128xi32, #tpu.memory_space<hbm>>
    %dma_start3A_15 = arith.constant 0 : i32
    %dma_start3A_16 = arith.constant 0 : i32
    %dma_start3A_17 = tpu.memref_slice %arg7[%dma_start3A_15, %dma_start3A_16] : memref<16x128xi32, #tpu.memory_space<vmem>> -> memref<8x128xi32, #tpu.memory_space<vmem>>
    %dma_start3A_18 = arith.constant 0 : i32
    %dma_start3A_19 = arith.constant 0 : i32
    %dma_start3A_20 = tpu.memref_slice %arg2[%add3A_8, %dma_start3A_18, %dma_start3A_19] : memref<320x8x128xi32, #tpu.memory_space<hbm>> -> memref<1x8x128xi32, #tpu.memory_space<hbm>>
    %dma_start3A_21 = tpu.memref_squeeze %dma_start3A_20 : memref<1x8x128xi32, #tpu.memory_space<hbm>> -> memref<8x128xi32, #tpu.memory_space<hbm>>
    tpu.enqueue_dma source(%dma_start3A_21 : memref<8x128xi32, #tpu.memory_space<hbm>>) target(%dma_start3A_17 : memref<8x128xi32, #tpu.memory_space<vmem>>) target_semaphore(%arg13 : memref<!tpu.dma_semaphore, #tpu.memory_space<semaphore_mem>>)
    %mul3A_22 = arith.constant 10 : i32
    %mul3A_23 = arith.muli %add3A, %mul3A_22 : i32
    %add3A_24 = arith.constant 0 : i32
    %add3A_25 = arith.addi %mul3A_23, %add3A_24 : i32
    %dma_start3A_26 = arith.constant 0 : i32
    %dma_start3A_27 = arith.constant 0 : i32
    %dma_start3A_28 = tpu.memref_slice %arg8[%dma_start3A_26, %dma_start3A_27] : memref<16x128xi32, #tpu.memory_space<vmem>> -> memref<8x128xi32, #tpu.memory_space<vmem>>
    %dma_start3A_29 = arith.constant 0 : i32
    %dma_start3A_30 = arith.constant 0 : i32
    %dma_start3A_31 = tpu.memref_slice %arg3[%add3A_25, %dma_start3A_29, %dma_start3A_30] : memref<320x8x128xi32, #tpu.memory_space<hbm>> -> memref<1x8x128xi32, #tpu.memory_space<hbm>>
    %dma_start3A_32 = tpu.memref_squeeze %dma_start3A_31 : memref<1x8x128xi32, #tpu.memory_space<hbm>> -> memref<8x128xi32, #tpu.memory_space<hbm>>
    %dma_start3A_33 = arith.constant 0 : i32
    %dma_start3A_34 = arith.constant 0 : i32
    %dma_start3A_35 = tpu.memref_slice %arg8[%dma_start3A_33, %dma_start3A_34] : memref<16x128xi32, #tpu.memory_space<vmem>> -> memref<8x128xi32, #tpu.memory_space<vmem>>
    %dma_start3A_36 = arith.constant 0 : i32
    %dma_start3A_37 = arith.constant 0 : i32
    %dma_start3A_38 = tpu.memref_slice %arg3[%add3A_25, %dma_start3A_36, %dma_start3A_37] : memref<320x8x128xi32, #tpu.memory_space<hbm>> -> memref<1x8x128xi32, #tpu.memory_space<hbm>>
    %dma_start3A_39 = tpu.memref_squeeze %dma_start3A_38 : memref<1x8x128xi32, #tpu.memory_space<hbm>> -> memref<8x128xi32, #tpu.memory_space<hbm>>
    tpu.enqueue_dma source(%dma_start3A_39 : memref<8x128xi32, #tpu.memory_space<hbm>>) target(%dma_start3A_35 : memref<8x128xi32, #tpu.memory_space<vmem>>) target_semaphore(%arg13 : memref<!tpu.dma_semaphore, #tpu.memory_space<semaphore_mem>>)
    %barrier3A = arith.constant 0 : index
    tpu.barrier barrier_id(%barrier3A)
    %mul3A_40 = arith.constant 10 : i32
    %mul3A_41 = arith.muli %add3A, %mul3A_40 : i32
    %add3A_42 = arith.constant 0 : i32
    %add3A_43 = arith.addi %mul3A_41, %add3A_42 : i32
    %dma_wait3A = arith.constant 0 : i32
    %dma_wait3A_44 = arith.constant 0 : i32
    %dma_wait3A_45 = tpu.memref_slice %arg7[%dma_wait3A, %dma_wait3A_44] : memref<16x128xi32, #tpu.memory_space<vmem>> -> memref<8x128xi32, #tpu.memory_space<vmem>>
    %dma_wait3A_46 = arith.constant 0 : i32
    %dma_wait3A_47 = arith.constant 0 : i32
    %dma_wait3A_48 = tpu.memref_slice %arg2[%add3A_43, %dma_wait3A_46, %dma_wait3A_47] : memref<320x8x128xi32, #tpu.memory_space<hbm>> -> memref<1x8x128xi32, #tpu.memory_space<hbm>>
    %dma_wait3A_49 = tpu.memref_squeeze %dma_wait3A_48 : memref<1x8x128xi32, #tpu.memory_space<hbm>> -> memref<8x128xi32, #tpu.memory_space<hbm>>
    %dma_wait3A_50 = arith.constant 0 : i32
    %dma_wait3A_51 = arith.constant 0 : i32
    %dma_wait3A_52 = tpu.memref_slice %arg7[%dma_wait3A_50, %dma_wait3A_51] : memref<16x128xi32, #tpu.memory_space<vmem>> -> memref<8x128xi32, #tpu.memory_space<vmem>>
    %dma_wait3A_53 = arith.constant 0 : i32
    %dma_wait3A_54 = arith.constant 0 : i32
    %dma_wait3A_55 = tpu.memref_slice %arg2[%add3A_43, %dma_wait3A_53, %dma_wait3A_54] : memref<320x8x128xi32, #tpu.memory_space<hbm>> -> memref<1x8x128xi32, #tpu.memory_space<hbm>>
    %dma_wait3A_56 = tpu.memref_squeeze %dma_wait3A_55 : memref<1x8x128xi32, #tpu.memory_space<hbm>> -> memref<8x128xi32, #tpu.memory_space<hbm>>
    tpu.wait_dma2 semaphore(%arg13 : memref<!tpu.dma_semaphore, #tpu.memory_space<semaphore_mem>>) src(%dma_wait3A_56 : memref<8x128xi32, #tpu.memory_space<hbm>>) dst(%dma_wait3A_52 : memref<8x128xi32, #tpu.memory_space<vmem>>)
    %mul3A_57 = arith.constant 10 : i32
    %mul3A_58 = arith.muli %add3A, %mul3A_57 : i32
    %add3A_59 = arith.constant 0 : i32
    %add3A_60 = arith.addi %mul3A_58, %add3A_59 : i32
    %dma_wait3A_61 = arith.constant 0 : i32
    %dma_wait3A_62 = arith.constant 0 : i32
    %dma_wait3A_63 = tpu.memref_slice %arg8[%dma_wait3A_61, %dma_wait3A_62] : memref<16x128xi32, #tpu.memory_space<vmem>> -> memref<8x128xi32, #tpu.memory_space<vmem>>
    %dma_wait3A_64 = arith.constant 0 : i32
    %dma_wait3A_65 = arith.constant 0 : i32
    %dma_wait3A_66 = tpu.memref_slice %arg3[%add3A_60, %dma_wait3A_64, %dma_wait3A_65] : memref<320x8x128xi32, #tpu.memory_space<hbm>> -> memref<1x8x128xi32, #tpu.memory_space<hbm>>
    %dma_wait3A_67 = tpu.memref_squeeze %dma_wait3A_66 : memref<1x8x128xi32, #tpu.memory_space<hbm>> -> memref<8x128xi32, #tpu.memory_space<hbm>>
    %dma_wait3A_68 = arith.constant 0 : i32
    %dma_wait3A_69 = arith.constant 0 : i32
    %dma_wait3A_70 = tpu.memref_slice %arg8[%dma_wait3A_68, %dma_wait3A_69] : memref<16x128xi32, #tpu.memory_space<vmem>> -> memref<8x128xi32, #tpu.memory_space<vmem>>
    %dma_wait3A_71 = arith.constant 0 : i32
    %dma_wait3A_72 = arith.constant 0 : i32
    %dma_wait3A_73 = tpu.memref_slice %arg3[%add3A_60, %dma_wait3A_71, %dma_wait3A_72] : memref<320x8x128xi32, #tpu.memory_space<hbm>> -> memref<1x8x128xi32, #tpu.memory_space<hbm>>
    %dma_wait3A_74 = tpu.memref_squeeze %dma_wait3A_73 : memref<1x8x128xi32, #tpu.memory_space<hbm>> -> memref<8x128xi32, #tpu.memory_space<hbm>>
    tpu.wait_dma2 semaphore(%arg13 : memref<!tpu.dma_semaphore, #tpu.memory_space<semaphore_mem>>) src(%dma_wait3A_74 : memref<8x128xi32, #tpu.memory_space<hbm>>) dst(%dma_wait3A_70 : memref<8x128xi32, #tpu.memory_space<vmem>>)
    %mul3A_75 = arith.constant 10 : i32
    %mul3A_76 = arith.muli %add3A, %mul3A_75 : i32
    %add3A_77 = arith.constant 1 : i32
    %add3A_78 = arith.addi %mul3A_76, %add3A_77 : i32
    %dma_start3A_79 = arith.constant 8 : i32
    %dma_start3A_80 = arith.constant 0 : i32
    %dma_start3A_81 = tpu.memref_slice %arg7[%dma_start3A_79, %dma_start3A_80] : memref<16x128xi32, #tpu.memory_space<vmem>> -> memref<8x128xi32, #tpu.memory_space<vmem>>
    %dma_start3A_82 = arith.constant 0 : i32
    %dma_start3A_83 = arith.constant 0 : i32
    %dma_start3A_84 = tpu.memref_slice %arg2[%add3A_78, %dma_start3A_82, %dma_start3A_83] : memref<320x8x128xi32, #tpu.memory_space<hbm>> -> memref<1x8x128xi32, #tpu.memory_space<hbm>>
    %dma_start3A_85 = tpu.memref_squeeze %dma_start3A_84 : memref<1x8x128xi32, #tpu.memory_space<hbm>> -> memref<8x128xi32, #tpu.memory_space<hbm>>
    %dma_start3A_86 = arith.constant 8 : i32
    %dma_start3A_87 = arith.constant 0 : i32
    %dma_start3A_88 = tpu.memref_slice %arg7[%dma_start3A_86, %dma_start3A_87] : memref<16x128xi32, #tpu.memory_space<vmem>> -> memref<8x128xi32, #tpu.memory_space<vmem>>
    %dma_start3A_89 = arith.constant 0 : i32
    %dma_start3A_90 = arith.constant 0 : i32
    %dma_start3A_91 = tpu.memref_slice %arg2[%add3A_78, %dma_start3A_89, %dma_start3A_90] : memref<320x8x128xi32, #tpu.memory_space<hbm>> -> memref<1x8x128xi32, #tpu.memory_space<hbm>>
    %dma_start3A_92 = tpu.memref_squeeze %dma_start3A_91 : memref<1x8x128xi32, #tpu.memory_space<hbm>> -> memref<8x128xi32, #tpu.memory_space<hbm>>
    tpu.enqueue_dma source(%dma_start3A_92 : memref<8x128xi32, #tpu.memory_space<hbm>>) target(%dma_start3A_88 : memref<8x128xi32, #tpu.memory_space<vmem>>) target_semaphore(%arg13 : memref<!tpu.dma_semaphore, #tpu.memory_space<semaphore_mem>>)
    %mul3A_93 = arith.constant 10 : i32
    %mul3A_94 = arith.muli %add3A, %mul3A_93 : i32
    %add3A_95 = arith.constant 1 : i32
    %add3A_96 = arith.addi %mul3A_94, %add3A_95 : i32
    %dma_start3A_97 = arith.constant 8 : i32
    %dma_start3A_98 = arith.constant 0 : i32
    %dma_start3A_99 = tpu.memref_slice %arg8[%dma_start3A_97, %dma_start3A_98] : memref<16x128xi32, #tpu.memory_space<vmem>> -> memref<8x128xi32, #tpu.memory_space<vmem>>
    %dma_start3A_100 = arith.constant 0 : i32
    %dma_start3A_101 = arith.constant 0 : i32
    %dma_start3A_102 = tpu.memref_slice %arg3[%add3A_96, %dma_start3A_100, %dma_start3A_101] : memref<320x8x128xi32, #tpu.memory_space<hbm>> -> memref<1x8x128xi32, #tpu.memory_space<hbm>>
    %dma_start3A_103 = tpu.memref_squeeze %dma_start3A_102 : memref<1x8x128xi32, #tpu.memory_space<hbm>> -> memref<8x128xi32, #tpu.memory_space<hbm>>
    %dma_start3A_104 = arith.constant 8 : i32
    %dma_start3A_105 = arith.constant 0 : i32
    %dma_start3A_106 = tpu.memref_slice %arg8[%dma_start3A_104, %dma_start3A_105] : memref<16x128xi32, #tpu.memory_space<vmem>> -> memref<8x128xi32, #tpu.memory_space<vmem>>
    %dma_start3A_107 = arith.constant 0 : i32
    %dma_start3A_108 = arith.constant 0 : i32
    %dma_start3A_109 = tpu.memref_slice %arg3[%add3A_96, %dma_start3A_107, %dma_start3A_108] : memref<320x8x128xi32, #tpu.memory_space<hbm>> -> memref<1x8x128xi32, #tpu.memory_space<hbm>>
    %dma_start3A_110 = tpu.memref_squeeze %dma_start3A_109 : memref<1x8x128xi32, #tpu.memory_space<hbm>> -> memref<8x128xi32, #tpu.memory_space<hbm>>
    tpu.enqueue_dma source(%dma_start3A_110 : memref<8x128xi32, #tpu.memory_space<hbm>>) target(%dma_start3A_106 : memref<8x128xi32, #tpu.memory_space<vmem>>) target_semaphore(%arg13 : memref<!tpu.dma_semaphore, #tpu.memory_space<semaphore_mem>>)
    %rem3A = arith.constant 0 : i32
    %rem3A_111 = arith.constant 16 : i32
    %rem3A_112 = arith.remsi %rem3A, %rem3A_111 : i32
    %dma_start3A_113 = arith.constant 0 : i32
    %dma_start3A_114 = arith.constant 0 : i32
    %dma_start3A_115 = arith.constant 0 : i32
    %dma_start3A_116 = tpu.memref_slice %arg9[%dma_start3A_113, %dma_start3A_114, %dma_start3A_115] : memref<2x128x128xf32, #tpu.memory_space<vmem>> -> memref<1x128x128xf32, #tpu.memory_space<vmem>>
    %dma_start3A_117 = tpu.memref_squeeze %dma_start3A_116 : memref<1x128x128xf32, #tpu.memory_space<vmem>> -> memref<128x128xf32, #tpu.memory_space<vmem>>
    %dma_start3A_118 = arith.constant 0 : i32
    %dma_start3A_119 = tpu.memref_slice %arg7[%rem3A_112, %dma_start3A_118] : memref<16x128xi32, #tpu.memory_space<vmem>> -> memref<1x128xi32, #tpu.memory_space<vmem>>
    %dma_start3A_120 = tpu.memref_squeeze %dma_start3A_119 : memref<1x128xi32, #tpu.memory_space<vmem>> -> memref<128xi32, #tpu.memory_space<vmem>>
    %dma_start3A_121 = arith.constant 0 : i32
    %dma_start3A_122 = arith.constant 0 : i32
    %dma_start3A_123 = tpu.memref_slice %arg4[%dma_start3A_121, %dma_start3A_122] : memref<10000x128xf32, #tpu.memory_space<hbm>> -> memref<10000x128xf32, #tpu.memory_space<hbm>>
    tpu.enqueue_indirect_dma source(%dma_start3A_123 : memref<10000x128xf32, #tpu.memory_space<hbm>>) target(%dma_start3A_117 : memref<128x128xf32, #tpu.memory_space<vmem>>) offsets(%dma_start3A_120 : memref<128xi32, #tpu.memory_space<vmem>>) semaphore(%arg11 : memref<!tpu.dma_semaphore, #tpu.memory_space<semaphore_mem>>)
    %scan3A = arith.constant 0 : i32
    %scan3A_124 = arith.constant 0 : i32
    %scan3A_125 = arith.constant 80 : i32
    %scan3A_126 = arith.addi %scan3A_124, %scan3A_125 : i32
    %scan3A_127 = arith.constant 1 : i32
    scf.for %scan3A_156 = %scan3A_124 to %scan3A_126 step %scan3A_127  : i32 {
      %rem3A_157 = arith.constant 2 : i32
      %rem3A_158 = arith.remsi %scan3A_156, %rem3A_157 : i32
      %ge3A = arith.constant 1 : i32
      %ge3A_159 = arith.cmpi sge, %scan3A_156, %ge3A : i32
      %convert_element_type3A_160 = arith.extui %ge3A_159 : i1 to i32
      %cond3A_161 = arith.constant 0 : i32
      %cond3A_162 = arith.cmpi ne, %convert_element_type3A_160, %cond3A_161 : i32
      scf.if %cond3A_162 {
        %sub3A = arith.constant 1 : i32
        %sub3A_193 = arith.subi %scan3A_156, %sub3A : i32
        %add3A_194 = arith.constant 1 : i32
        %add3A_195 = arith.addi %scan3A_156, %add3A_194 : i32
        %rem3A_196 = arith.constant 2 : i32
        %rem3A_197 = arith.remsi %add3A_195, %rem3A_196 : i32
        %rem3A_198 = arith.constant 16 : i32
        %rem3A_199 = arith.remsi %sub3A_193, %rem3A_198 : i32
        %dma_wait3A_200 = arith.constant 0 : i32
        %dma_wait3A_201 = arith.constant 0 : i32
        %dma_wait3A_202 = tpu.memref_slice %arg9[%rem3A_197, %dma_wait3A_200, %dma_wait3A_201] : memref<2x128x128xf32, #tpu.memory_space<vmem>> -> memref<1x128x128xf32, #tpu.memory_space<vmem>>
        %dma_wait3A_203 = tpu.memref_squeeze %dma_wait3A_202 : memref<1x128x128xf32, #tpu.memory_space<vmem>> -> memref<128x128xf32, #tpu.memory_space<vmem>>
        %dma_wait3A_204 = arith.constant 0 : i32
        %dma_wait3A_205 = tpu.memref_slice %arg8[%rem3A_199, %dma_wait3A_204] : memref<16x128xi32, #tpu.memory_space<vmem>> -> memref<1x128xi32, #tpu.memory_space<vmem>>
        %dma_wait3A_206 = tpu.memref_squeeze %dma_wait3A_205 : memref<1x128xi32, #tpu.memory_space<vmem>> -> memref<128xi32, #tpu.memory_space<vmem>>
        %dma_wait3A_207 = arith.constant 0 : i32
        %dma_wait3A_208 = arith.constant 0 : i32
        %dma_wait3A_209 = tpu.memref_slice %arg10[%dma_wait3A_207, %dma_wait3A_208] : memref<10128x128xf32, #tpu.memory_space<vmem_shared>> -> memref<10128x128xf32, #tpu.memory_space<vmem_shared>>
        tpu.wait_indirect_dma semaphore(%arg12 : memref<!tpu.dma_semaphore, #tpu.memory_space<semaphore_mem>>) src(%dma_wait3A_203 : memref<128x128xf32, #tpu.memory_space<vmem>>) dst(%dma_wait3A_209 : memref<10128x128xf32, #tpu.memory_space<vmem_shared>>)
      } else {
      }
      %add3A_163 = arith.constant 1 : i32
      %add3A_164 = arith.addi %scan3A_156, %add3A_163 : i32
      %lt3A = arith.constant 80 : i32
      %lt3A_165 = arith.cmpi slt, %add3A_164, %lt3A : i32
      %convert_element_type3A_166 = arith.extui %lt3A_165 : i1 to i32
      %cond3A_167 = arith.constant 0 : i32
      %cond3A_168 = arith.cmpi ne, %convert_element_type3A_166, %cond3A_167 : i32
      scf.if %cond3A_168 {
        %add3A_193 = arith.constant 1 : i32
        %add3A_194 = arith.addi %scan3A_156, %add3A_193 : i32
        %jit3A = arith.constant 8 : i32
        %div3A = arith.divsi %add3A_194, %jit3A : i32
        %sign3A = arith.constant 0 : i32
        %sign3A_195 = arith.cmpi sgt, %add3A_194, %sign3A : i32
        %sign3A_196 = arith.extui %sign3A_195 : i1 to i32
        %sign3A_197 = arith.constant 0 : i32
        %sign3A_198 = arith.cmpi slt, %add3A_194, %sign3A_197 : i32
        %sign3A_199 = arith.extui %sign3A_198 : i1 to i32
        %sign3A_200 = arith.subi %sign3A_196, %sign3A_199 : i32
        %sign3A_201 = arith.constant 0 : i32
        %sign3A_202 = arith.cmpi sgt, %jit3A, %sign3A_201 : i32
        %sign3A_203 = arith.extui %sign3A_202 : i1 to i32
        %sign3A_204 = arith.constant 0 : i32
        %sign3A_205 = arith.cmpi slt, %jit3A, %sign3A_204 : i32
        %sign3A_206 = arith.extui %sign3A_205 : i1 to i32
        %sign3A_207 = arith.subi %sign3A_203, %sign3A_206 : i32
        %ne3A = arith.cmpi ne, %sign3A_200, %sign3A_207 : i32
        %rem3A_208 = arith.remsi %add3A_194, %jit3A : i32
        %ne3A_209 = arith.constant 0 : i32
        %ne3A_210 = arith.cmpi ne, %rem3A_208, %ne3A_209 : i32
        %and3A = arith.andi %ne3A, %ne3A_210 : i1
        %sub3A = arith.constant 1 : i32
        %sub3A_211 = arith.subi %div3A, %sub3A : i32
        %select_n3A = arith.select %and3A, %sub3A_211, %div3A : i32
        %rem3A_212 = arith.constant 2 : i32
        %rem3A_213 = arith.remsi %select_n3A, %rem3A_212 : i32
        %rem3A_214 = arith.constant 8 : i32
        %rem3A_215 = arith.remsi %add3A_194, %rem3A_214 : i32
        %eq3A_216 = arith.constant 0 : i32
        %eq3A_217 = arith.cmpi eq, %rem3A_215, %eq3A_216 : i32
        %convert_element_type3A_218 = arith.extui %eq3A_217 : i1 to i32
        %cond3A_219 = arith.constant 0 : i32
        %cond3A_220 = arith.cmpi ne, %convert_element_type3A_218, %cond3A_219 : i32
        scf.if %cond3A_220 {
          %mul3A_250 = arith.constant 10 : i32
          %mul3A_251 = arith.muli %add3A, %mul3A_250 : i32
          %add3A_252 = arith.addi %mul3A_251, %select_n3A : i32
          %mul3A_253 = arith.constant 8 : i32
          %mul3A_254 = arith.muli %rem3A_213, %mul3A_253 : i32
          %dma_wait3A_255 = arith.constant 0 : i32
          %dma_wait3A_256 = tpu.memref_slice %arg7[%mul3A_254, %dma_wait3A_255] : memref<16x128xi32, #tpu.memory_space<vmem>> -> memref<8x128xi32, #tpu.memory_space<vmem>>
          %dma_wait3A_257 = arith.constant 0 : i32
          %dma_wait3A_258 = arith.constant 0 : i32
          %dma_wait3A_259 = tpu.memref_slice %arg2[%add3A_252, %dma_wait3A_257, %dma_wait3A_258] : memref<320x8x128xi32, #tpu.memory_space<hbm>> -> memref<1x8x128xi32, #tpu.memory_space<hbm>>
          %dma_wait3A_260 = tpu.memref_squeeze %dma_wait3A_259 : memref<1x8x128xi32, #tpu.memory_space<hbm>> -> memref<8x128xi32, #tpu.memory_space<hbm>>
          %dma_wait3A_261 = arith.constant 0 : i32
          %dma_wait3A_262 = tpu.memref_slice %arg7[%mul3A_254, %dma_wait3A_261] : memref<16x128xi32, #tpu.memory_space<vmem>> -> memref<8x128xi32, #tpu.memory_space<vmem>>
          %dma_wait3A_263 = arith.constant 0 : i32
          %dma_wait3A_264 = arith.constant 0 : i32
          %dma_wait3A_265 = tpu.memref_slice %arg2[%add3A_252, %dma_wait3A_263, %dma_wait3A_264] : memref<320x8x128xi32, #tpu.memory_space<hbm>> -> memref<1x8x128xi32, #tpu.memory_space<hbm>>
          %dma_wait3A_266 = tpu.memref_squeeze %dma_wait3A_265 : memref<1x8x128xi32, #tpu.memory_space<hbm>> -> memref<8x128xi32, #tpu.memory_space<hbm>>
          tpu.wait_dma2 semaphore(%arg13 : memref<!tpu.dma_semaphore, #tpu.memory_space<semaphore_mem>>) src(%dma_wait3A_266 : memref<8x128xi32, #tpu.memory_space<hbm>>) dst(%dma_wait3A_262 : memref<8x128xi32, #tpu.memory_space<vmem>>)
          %mul3A_267 = arith.constant 10 : i32
          %mul3A_268 = arith.muli %add3A, %mul3A_267 : i32
          %add3A_269 = arith.addi %mul3A_268, %select_n3A : i32
          %mul3A_270 = arith.constant 8 : i32
          %mul3A_271 = arith.muli %rem3A_213, %mul3A_270 : i32
          %dma_wait3A_272 = arith.constant 0 : i32
          %dma_wait3A_273 = tpu.memref_slice %arg8[%mul3A_271, %dma_wait3A_272] : memref<16x128xi32, #tpu.memory_space<vmem>> -> memref<8x128xi32, #tpu.memory_space<vmem>>
          %dma_wait3A_274 = arith.constant 0 : i32
          %dma_wait3A_275 = arith.constant 0 : i32
          %dma_wait3A_276 = tpu.memref_slice %arg3[%add3A_269, %dma_wait3A_274, %dma_wait3A_275] : memref<320x8x128xi32, #tpu.memory_space<hbm>> -> memref<1x8x128xi32, #tpu.memory_space<hbm>>
          %dma_wait3A_277 = tpu.memref_squeeze %dma_wait3A_276 : memref<1x8x128xi32, #tpu.memory_space<hbm>> -> memref<8x128xi32, #tpu.memory_space<hbm>>
          %dma_wait3A_278 = arith.constant 0 : i32
          %dma_wait3A_279 = tpu.memref_slice %arg8[%mul3A_271, %dma_wait3A_278] : memref<16x128xi32, #tpu.memory_space<vmem>> -> memref<8x128xi32, #tpu.memory_space<vmem>>
          %dma_wait3A_280 = arith.constant 0 : i32
          %dma_wait3A_281 = arith.constant 0 : i32
          %dma_wait3A_282 = tpu.memref_slice %arg3[%add3A_269, %dma_wait3A_280, %dma_wait3A_281] : memref<320x8x128xi32, #tpu.memory_space<hbm>> -> memref<1x8x128xi32, #tpu.memory_space<hbm>>
          %dma_wait3A_283 = tpu.memref_squeeze %dma_wait3A_282 : memref<1x8x128xi32, #tpu.memory_space<hbm>> -> memref<8x128xi32, #tpu.memory_space<hbm>>
          tpu.wait_dma2 semaphore(%arg13 : memref<!tpu.dma_semaphore, #tpu.memory_space<semaphore_mem>>) src(%dma_wait3A_283 : memref<8x128xi32, #tpu.memory_space<hbm>>) dst(%dma_wait3A_279 : memref<8x128xi32, #tpu.memory_space<vmem>>)
        } else {
        }
        %rem3A_221 = arith.constant 8 : i32
        %rem3A_222 = arith.remsi %add3A_194, %rem3A_221 : i32
        %eq3A_223 = arith.constant 3 : i32
        %eq3A_224 = arith.cmpi eq, %rem3A_222, %eq3A_223 : i32
        %ge3A_225 = arith.constant 8 : i32
        %ge3A_226 = arith.cmpi sge, %add3A_194, %ge3A_225 : i32
        %and3A_227 = arith.andi %eq3A_224, %ge3A_226 : i1
        %add3A_228 = arith.constant 1 : i32
        %add3A_229 = arith.addi %select_n3A, %add3A_228 : i32
        %lt3A_230 = arith.constant 10 : i32
        %lt3A_231 = arith.cmpi slt, %add3A_229, %lt3A_230 : i32
        %and3A_232 = arith.andi %and3A_227, %lt3A_231 : i1
        %convert_element_type3A_233 = arith.extui %and3A_232 : i1 to i32
        %cond3A_234 = arith.constant 0 : i32
        %cond3A_235 = arith.cmpi ne, %convert_element_type3A_233, %cond3A_234 : i32
        scf.if %cond3A_235 {
          %add3A_250 = arith.constant 1 : i32
          %add3A_251 = arith.addi %select_n3A, %add3A_250 : i32
          %sub3A_252 = arith.constant 1 : i32
          %sub3A_253 = arith.subi %sub3A_252, %rem3A_213 : i32
          %mul3A_254 = arith.constant 10 : i32
          %mul3A_255 = arith.muli %add3A, %mul3A_254 : i32
          %add3A_256 = arith.addi %mul3A_255, %add3A_251 : i32
          %mul3A_257 = arith.constant 8 : i32
          %mul3A_258 = arith.muli %sub3A_253, %mul3A_257 : i32
          %dma_start3A_259 = arith.constant 0 : i32
          %dma_start3A_260 = tpu.memref_slice %arg7[%mul3A_258, %dma_start3A_259] : memref<16x128xi32, #tpu.memory_space<vmem>> -> memref<8x128xi32, #tpu.memory_space<vmem>>
          %dma_start3A_261 = arith.constant 0 : i32
          %dma_start3A_262 = arith.constant 0 : i32
          %dma_start3A_263 = tpu.memref_slice %arg2[%add3A_256, %dma_start3A_261, %dma_start3A_262] : memref<320x8x128xi32, #tpu.memory_space<hbm>> -> memref<1x8x128xi32, #tpu.memory_space<hbm>>
          %dma_start3A_264 = tpu.memref_squeeze %dma_start3A_263 : memref<1x8x128xi32, #tpu.memory_space<hbm>> -> memref<8x128xi32, #tpu.memory_space<hbm>>
          %dma_start3A_265 = arith.constant 0 : i32
          %dma_start3A_266 = tpu.memref_slice %arg7[%mul3A_258, %dma_start3A_265] : memref<16x128xi32, #tpu.memory_space<vmem>> -> memref<8x128xi32, #tpu.memory_space<vmem>>
          %dma_start3A_267 = arith.constant 0 : i32
          %dma_start3A_268 = arith.constant 0 : i32
          %dma_start3A_269 = tpu.memref_slice %arg2[%add3A_256, %dma_start3A_267, %dma_start3A_268] : memref<320x8x128xi32, #tpu.memory_space<hbm>> -> memref<1x8x128xi32, #tpu.memory_space<hbm>>
          %dma_start3A_270 = tpu.memref_squeeze %dma_start3A_269 : memref<1x8x128xi32, #tpu.memory_space<hbm>> -> memref<8x128xi32, #tpu.memory_space<hbm>>
          tpu.enqueue_dma source(%dma_start3A_270 : memref<8x128xi32, #tpu.memory_space<hbm>>) target(%dma_start3A_266 : memref<8x128xi32, #tpu.memory_space<vmem>>) target_semaphore(%arg13 : memref<!tpu.dma_semaphore, #tpu.memory_space<semaphore_mem>>)
          %mul3A_271 = arith.constant 10 : i32
          %mul3A_272 = arith.muli %add3A, %mul3A_271 : i32
          %add3A_273 = arith.addi %mul3A_272, %add3A_251 : i32
          %mul3A_274 = arith.constant 8 : i32
          %mul3A_275 = arith.muli %sub3A_253, %mul3A_274 : i32
          %dma_start3A_276 = arith.constant 0 : i32
          %dma_start3A_277 = tpu.memref_slice %arg8[%mul3A_275, %dma_start3A_276] : memref<16x128xi32, #tpu.memory_space<vmem>> -> memref<8x128xi32, #tpu.memory_space<vmem>>
          %dma_start3A_278 = arith.constant 0 : i32
          %dma_start3A_279 = arith.constant 0 : i32
          %dma_start3A_280 = tpu.memref_slice %arg3[%add3A_273, %dma_start3A_278, %dma_start3A_279] : memref<320x8x128xi32, #tpu.memory_space<hbm>> -> memref<1x8x128xi32, #tpu.memory_space<hbm>>
          %dma_start3A_281 = tpu.memref_squeeze %dma_start3A_280 : memref<1x8x128xi32, #tpu.memory_space<hbm>> -> memref<8x128xi32, #tpu.memory_space<hbm>>
          %dma_start3A_282 = arith.constant 0 : i32
          %dma_start3A_283 = tpu.memref_slice %arg8[%mul3A_275, %dma_start3A_282] : memref<16x128xi32, #tpu.memory_space<vmem>> -> memref<8x128xi32, #tpu.memory_space<vmem>>
          %dma_start3A_284 = arith.constant 0 : i32
          %dma_start3A_285 = arith.constant 0 : i32
          %dma_start3A_286 = tpu.memref_slice %arg3[%add3A_273, %dma_start3A_284, %dma_start3A_285] : memref<320x8x128xi32, #tpu.memory_space<hbm>> -> memref<1x8x128xi32, #tpu.memory_space<hbm>>
          %dma_start3A_287 = tpu.memref_squeeze %dma_start3A_286 : memref<1x8x128xi32, #tpu.memory_space<hbm>> -> memref<8x128xi32, #tpu.memory_space<hbm>>
          tpu.enqueue_dma source(%dma_start3A_287 : memref<8x128xi32, #tpu.memory_space<hbm>>) target(%dma_start3A_283 : memref<8x128xi32, #tpu.memory_space<vmem>>) target_semaphore(%arg13 : memref<!tpu.dma_semaphore, #tpu.memory_space<semaphore_mem>>)
        } else {
        }
        %rem3A_236 = arith.constant 2 : i32
        %rem3A_237 = arith.remsi %add3A_194, %rem3A_236 : i32
        %rem3A_238 = arith.constant 16 : i32
        %rem3A_239 = arith.remsi %add3A_194, %rem3A_238 : i32
        %dma_start3A_240 = arith.constant 0 : i32
        %dma_start3A_241 = arith.constant 0 : i32
        %dma_start3A_242 = tpu.memref_slice %arg9[%rem3A_237, %dma_start3A_240, %dma_start3A_241] : memref<2x128x128xf32, #tpu.memory_space<vmem>> -> memref<1x128x128xf32, #tpu.memory_space<vmem>>
        %dma_start3A_243 = tpu.memref_squeeze %dma_start3A_242 : memref<1x128x128xf32, #tpu.memory_space<vmem>> -> memref<128x128xf32, #tpu.memory_space<vmem>>
        %dma_start3A_244 = arith.constant 0 : i32
        %dma_start3A_245 = tpu.memref_slice %arg7[%rem3A_239, %dma_start3A_244] : memref<16x128xi32, #tpu.memory_space<vmem>> -> memref<1x128xi32, #tpu.memory_space<vmem>>
        %dma_start3A_246 = tpu.memref_squeeze %dma_start3A_245 : memref<1x128xi32, #tpu.memory_space<vmem>> -> memref<128xi32, #tpu.memory_space<vmem>>
        %dma_start3A_247 = arith.constant 0 : i32
        %dma_start3A_248 = arith.constant 0 : i32
        %dma_start3A_249 = tpu.memref_slice %arg4[%dma_start3A_247, %dma_start3A_248] : memref<10000x128xf32, #tpu.memory_space<hbm>> -> memref<10000x128xf32, #tpu.memory_space<hbm>>
        tpu.enqueue_indirect_dma source(%dma_start3A_249 : memref<10000x128xf32, #tpu.memory_space<hbm>>) target(%dma_start3A_243 : memref<128x128xf32, #tpu.memory_space<vmem>>) offsets(%dma_start3A_246 : memref<128xi32, #tpu.memory_space<vmem>>) semaphore(%arg11 : memref<!tpu.dma_semaphore, #tpu.memory_space<semaphore_mem>>)
      } else {
      }
      %rem3A_169 = arith.constant 16 : i32
      %rem3A_170 = arith.remsi %scan3A_156, %rem3A_169 : i32
      %dma_wait3A_171 = arith.constant 0 : i32
      %dma_wait3A_172 = arith.constant 0 : i32
      %dma_wait3A_173 = tpu.memref_slice %arg9[%rem3A_158, %dma_wait3A_171, %dma_wait3A_172] : memref<2x128x128xf32, #tpu.memory_space<vmem>> -> memref<1x128x128xf32, #tpu.memory_space<vmem>>
      %dma_wait3A_174 = tpu.memref_squeeze %dma_wait3A_173 : memref<1x128x128xf32, #tpu.memory_space<vmem>> -> memref<128x128xf32, #tpu.memory_space<vmem>>
      %dma_wait3A_175 = arith.constant 0 : i32
      %dma_wait3A_176 = tpu.memref_slice %arg7[%rem3A_170, %dma_wait3A_175] : memref<16x128xi32, #tpu.memory_space<vmem>> -> memref<1x128xi32, #tpu.memory_space<vmem>>
      %dma_wait3A_177 = tpu.memref_squeeze %dma_wait3A_176 : memref<1x128xi32, #tpu.memory_space<vmem>> -> memref<128xi32, #tpu.memory_space<vmem>>
      %dma_wait3A_178 = arith.constant 0 : i32
      %dma_wait3A_179 = arith.constant 0 : i32
      %dma_wait3A_180 = tpu.memref_slice %arg4[%dma_wait3A_178, %dma_wait3A_179] : memref<10000x128xf32, #tpu.memory_space<hbm>> -> memref<10000x128xf32, #tpu.memory_space<hbm>>
      tpu.wait_indirect_dma semaphore(%arg11 : memref<!tpu.dma_semaphore, #tpu.memory_space<semaphore_mem>>) src(%dma_wait3A_180 : memref<10000x128xf32, #tpu.memory_space<hbm>>) dst(%dma_wait3A_174 : memref<128x128xf32, #tpu.memory_space<vmem>>)
      %rem3A_181 = arith.constant 16 : i32
      %rem3A_182 = arith.remsi %scan3A_156, %rem3A_181 : i32
      %dma_start3A_183 = arith.constant 0 : i32
      %dma_start3A_184 = arith.constant 0 : i32
      %dma_start3A_185 = tpu.memref_slice %arg9[%rem3A_158, %dma_start3A_183, %dma_start3A_184] : memref<2x128x128xf32, #tpu.memory_space<vmem>> -> memref<1x128x128xf32, #tpu.memory_space<vmem>>
      %dma_start3A_186 = tpu.memref_squeeze %dma_start3A_185 : memref<1x128x128xf32, #tpu.memory_space<vmem>> -> memref<128x128xf32, #tpu.memory_space<vmem>>
      %dma_start3A_187 = arith.constant 0 : i32
      %dma_start3A_188 = tpu.memref_slice %arg8[%rem3A_182, %dma_start3A_187] : memref<16x128xi32, #tpu.memory_space<vmem>> -> memref<1x128xi32, #tpu.memory_space<vmem>>
      %dma_start3A_189 = tpu.memref_squeeze %dma_start3A_188 : memref<1x128xi32, #tpu.memory_space<vmem>> -> memref<128xi32, #tpu.memory_space<vmem>>
      %dma_start3A_190 = arith.constant 0 : i32
      %dma_start3A_191 = arith.constant 0 : i32
      %dma_start3A_192 = tpu.memref_slice %arg10[%dma_start3A_190, %dma_start3A_191] : memref<10128x128xf32, #tpu.memory_space<vmem_shared>> -> memref<10128x128xf32, #tpu.memory_space<vmem_shared>>
      tpu.enqueue_indirect_dma source(%dma_start3A_186 : memref<128x128xf32, #tpu.memory_space<vmem>>) target(%dma_start3A_192 : memref<10128x128xf32, #tpu.memory_space<vmem_shared>>) offsets(%dma_start3A_189 : memref<128xi32, #tpu.memory_space<vmem>>) semaphore(%arg12 : memref<!tpu.dma_semaphore, #tpu.memory_space<semaphore_mem>>) {add = true}
    }
    %scan3A_128 = arith.constant 80 : i32
    %rem3A_129 = arith.constant 79 : i32
    %rem3A_130 = arith.constant 16 : i32
    %rem3A_131 = arith.remsi %rem3A_129, %rem3A_130 : i32
    %dma_wait3A_132 = arith.constant 1 : i32
    %dma_wait3A_133 = arith.constant 0 : i32
    %dma_wait3A_134 = arith.constant 0 : i32
    %dma_wait3A_135 = tpu.memref_slice %arg9[%dma_wait3A_132, %dma_wait3A_133, %dma_wait3A_134] : memref<2x128x128xf32, #tpu.memory_space<vmem>> -> memref<1x128x128xf32, #tpu.memory_space<vmem>>
    %dma_wait3A_136 = tpu.memref_squeeze %dma_wait3A_135 : memref<1x128x128xf32, #tpu.memory_space<vmem>> -> memref<128x128xf32, #tpu.memory_space<vmem>>
    %dma_wait3A_137 = arith.constant 0 : i32
    %dma_wait3A_138 = tpu.memref_slice %arg8[%rem3A_131, %dma_wait3A_137] : memref<16x128xi32, #tpu.memory_space<vmem>> -> memref<1x128xi32, #tpu.memory_space<vmem>>
    %dma_wait3A_139 = tpu.memref_squeeze %dma_wait3A_138 : memref<1x128xi32, #tpu.memory_space<vmem>> -> memref<128xi32, #tpu.memory_space<vmem>>
    %dma_wait3A_140 = arith.constant 0 : i32
    %dma_wait3A_141 = arith.constant 0 : i32
    %dma_wait3A_142 = tpu.memref_slice %arg10[%dma_wait3A_140, %dma_wait3A_141] : memref<10128x128xf32, #tpu.memory_space<vmem_shared>> -> memref<10128x128xf32, #tpu.memory_space<vmem_shared>>
    tpu.wait_indirect_dma semaphore(%arg12 : memref<!tpu.dma_semaphore, #tpu.memory_space<semaphore_mem>>) src(%dma_wait3A_136 : memref<128x128xf32, #tpu.memory_space<vmem>>) dst(%dma_wait3A_142 : memref<10128x128xf32, #tpu.memory_space<vmem_shared>>)
    %barrier3A_143 = arith.constant 0 : index
    tpu.barrier barrier_id(%barrier3A_143)
    %mul3A_144 = arith.constant 624 : i32
    %mul3A_145 = arith.muli %arg1, %mul3A_144 : i32
    %multiple_of3A_146 = tpu.assume_multiple %mul3A_145, 8 : i32
    %mul3A_147 = arith.constant 10000 : i32
    %mul3A_148 = arith.muli %arg0, %mul3A_147 : i32
    %add3A_149 = arith.addi %mul3A_148, %multiple_of3A_146 : i32
    %multiple_of3A_150 = tpu.assume_multiple %add3A_149, 8 : i32
    "tpu.region"() ({
      %run_scoped3A = tpu.sem_alloc : memref<!tpu.dma_semaphore, #tpu.memory_space<semaphore_mem>>
      %dma_start3A_156 = arith.constant 0 : i32
      %dma_start3A_157 = tpu.memref_slice %arg6[%multiple_of3A_150, %dma_start3A_156] : memref<20000x128xf32, #tpu.memory_space<hbm>> -> memref<624x128xf32, #tpu.memory_space<hbm>>
      %dma_start3A_158 = arith.constant 0 : i32
      %dma_start3A_159 = tpu.memref_slice %arg10[%multiple_of3A_146, %dma_start3A_158] : memref<10128x128xf32, #tpu.memory_space<vmem_shared>> -> memref<624x128xf32, #tpu.memory_space<vmem_shared>>
      tpu.enqueue_dma source(%dma_start3A_159 : memref<624x128xf32, #tpu.memory_space<vmem_shared>>) target(%dma_start3A_157 : memref<624x128xf32, #tpu.memory_space<hbm>>) target_semaphore(%run_scoped3A : memref<!tpu.dma_semaphore, #tpu.memory_space<semaphore_mem>>)
      %dma_wait3A_160 = arith.constant 0 : i32
      %dma_wait3A_161 = tpu.memref_slice %arg6[%multiple_of3A_150, %dma_wait3A_160] : memref<20000x128xf32, #tpu.memory_space<hbm>> -> memref<624x128xf32, #tpu.memory_space<hbm>>
      %dma_wait3A_162 = arith.constant 0 : i32
      %dma_wait3A_163 = tpu.memref_slice %arg10[%multiple_of3A_146, %dma_wait3A_162] : memref<10128x128xf32, #tpu.memory_space<vmem_shared>> -> memref<624x128xf32, #tpu.memory_space<vmem_shared>>
      tpu.wait_dma2 semaphore(%run_scoped3A : memref<!tpu.dma_semaphore, #tpu.memory_space<semaphore_mem>>) src(%dma_wait3A_163 : memref<624x128xf32, #tpu.memory_space<vmem_shared>>) dst(%dma_wait3A_161 : memref<624x128xf32, #tpu.memory_space<hbm>>)
      tpu.yield
    }) : () -> ()
    %eq3A_151 = arith.constant 15 : i32
    %eq3A_152 = arith.cmpi eq, %arg1, %eq3A_151 : i32
    %convert_element_type3A_153 = arith.extui %eq3A_152 : i1 to i32
    %cond3A_154 = arith.constant 0 : i32
    %cond3A_155 = arith.cmpi ne, %convert_element_type3A_153, %cond3A_154 : i32
    scf.if %cond3A_155 {
      %mul3A_156 = arith.constant 10000 : i32
      %mul3A_157 = arith.muli %arg0, %mul3A_156 : i32
      %add3A_158 = arith.constant 9984 : i32
      %add3A_159 = arith.addi %mul3A_157, %add3A_158 : i32
      %multiple_of3A_160 = tpu.assume_multiple %add3A_159, 8 : i32
      "tpu.region"() ({
        %run_scoped3A = tpu.sem_alloc : memref<!tpu.dma_semaphore, #tpu.memory_space<semaphore_mem>>
        %dma_start3A_161 = arith.constant 0 : i32
        %dma_start3A_162 = tpu.memref_slice %arg6[%multiple_of3A_160, %dma_start3A_161] : memref<20000x128xf32, #tpu.memory_space<hbm>> -> memref<16x128xf32, #tpu.memory_space<hbm>>
        %dma_start3A_163 = arith.constant 9984 : i32
        %dma_start3A_164 = arith.constant 0 : i32
        %dma_start3A_165 = tpu.memref_slice %arg10[%dma_start3A_163, %dma_start3A_164] : memref<10128x128xf32, #tpu.memory_space<vmem_shared>> -> memref<16x128xf32, #tpu.memory_space<vmem_shared>>
        tpu.enqueue_dma source(%dma_start3A_165 : memref<16x128xf32, #tpu.memory_space<vmem_shared>>) target(%dma_start3A_162 : memref<16x128xf32, #tpu.memory_space<hbm>>) target_semaphore(%run_scoped3A : memref<!tpu.dma_semaphore, #tpu.memory_space<semaphore_mem>>)
        %dma_wait3A_166 = arith.constant 0 : i32
        %dma_wait3A_167 = tpu.memref_slice %arg6[%multiple_of3A_160, %dma_wait3A_166] : memref<20000x128xf32, #tpu.memory_space<hbm>> -> memref<16x128xf32, #tpu.memory_space<hbm>>
        %dma_wait3A_168 = arith.constant 9984 : i32
        %dma_wait3A_169 = arith.constant 0 : i32
        %dma_wait3A_170 = tpu.memref_slice %arg10[%dma_wait3A_168, %dma_wait3A_169] : memref<10128x128xf32, #tpu.memory_space<vmem_shared>> -> memref<16x128xf32, #tpu.memory_space<vmem_shared>>
        tpu.wait_dma2 semaphore(%run_scoped3A : memref<!tpu.dma_semaphore, #tpu.memory_space<semaphore_mem>>) src(%dma_wait3A_170 : memref<16x128xf32, #tpu.memory_space<vmem_shared>>) dst(%dma_wait3A_167 : memref<16x128xf32, #tpu.memory_space<hbm>>)
        tpu.yield
      }) : () -> ()
    } else {
    }
    return
  }
}

#map = affine_map<(d0, d1) -> (0, 0, 0)>
#map1 = affine_map<(d0, d1) -> (0, 0)>
module attributes {stable_mosaic.version = 14 : i64} {
  func.func @_segment_sum_sc(%arg0: i32, %arg1: i32, %arg2: memref<320x8x128xi32, #tpu.memory_space<hbm>>, %arg3: memref<320x8x128xi32, #tpu.memory_space<hbm>>, %arg4: memref<10000x128xf32, #tpu.memory_space<hbm>>, %arg5: memref<10128x128xf32, #tpu.memory_space<hbm>>, %arg6: memref<20000x128xf32, #tpu.memory_space<hbm>>, %arg7: memref<16x128xi32, #tpu.memory_space<vmem>>, %arg8: memref<16x128xi32, #tpu.memory_space<vmem>>, %arg9: memref<2x128x128xf32, #tpu.memory_space<vmem>>, %arg10: memref<10128x128xf32, #tpu.memory_space<vmem_shared>>, %arg11: memref<!tpu.dma_semaphore, #tpu.memory_space<semaphore_mem>>, %arg12: memref<!tpu.dma_semaphore, #tpu.memory_space<semaphore_mem>>, %arg13: memref<!tpu.dma_semaphore, #tpu.memory_space<semaphore_mem>>) attributes {dimension_semantics = [#tpu.dimension_semantics<core_parallel>, #tpu.dimension_semantics<subcore_parallel>], iteration_bounds = array<i64: 2, 16>, scalar_prefetch = 0 : i64, scratch_operands = 7 : i64, tpu.core_type = #tpu.core_type<sc_vector_subcore>, window_params = [{transform_indices = #map}, {transform_indices = #map}, {transform_indices = #map1}, {transform_indices = #map1}, {transform_indices = #map1}]} {
    %mul3A = arith.constant 16 : i32
    %mul3A_0 = arith.muli %arg0, %mul3A : i32
    %add3A = arith.addi %mul3A_0, %arg1 : i32
    %mul3A_1 = arith.constant 632 : i32
    %mul3A_2 = arith.muli %arg1, %mul3A_1 : i32
    %multiple_of3A = tpu.assume_multiple %mul3A_2, 8 : i32
    "tpu.region"() ({
      %run_scoped3A = tpu.sem_alloc : memref<!tpu.dma_semaphore, #tpu.memory_space<semaphore_mem>>
      %dma_start3A_156 = arith.constant 0 : i32
      %dma_start3A_157 = tpu.memref_slice %arg10[%multiple_of3A, %dma_start3A_156] : memref<10128x128xf32, #tpu.memory_space<vmem_shared>> -> memref<632x128xf32, #tpu.memory_space<vmem_shared>>
      %dma_start3A_158 = arith.constant 0 : i32
      %dma_start3A_159 = tpu.memref_slice %arg5[%multiple_of3A, %dma_start3A_158] : memref<10128x128xf32, #tpu.memory_space<hbm>> -> memref<632x128xf32, #tpu.memory_space<hbm>>
      tpu.enqueue_dma source(%dma_start3A_159 : memref<632x128xf32, #tpu.memory_space<hbm>>) target(%dma_start3A_157 : memref<632x128xf32, #tpu.memory_space<vmem_shared>>) target_semaphore(%run_scoped3A : memref<!tpu.dma_semaphore, #tpu.memory_space<semaphore_mem>>)
      %dma_wait3A_160 = arith.constant 0 : i32
      %dma_wait3A_161 = tpu.memref_slice %arg10[%multiple_of3A, %dma_wait3A_160] : memref<10128x128xf32, #tpu.memory_space<vmem_shared>> -> memref<632x128xf32, #tpu.memory_space<vmem_shared>>
      %dma_wait3A_162 = arith.constant 0 : i32
      %dma_wait3A_163 = tpu.memref_slice %arg5[%multiple_of3A, %dma_wait3A_162] : memref<10128x128xf32, #tpu.memory_space<hbm>> -> memref<632x128xf32, #tpu.memory_space<hbm>>
      tpu.wait_dma2 semaphore(%run_scoped3A : memref<!tpu.dma_semaphore, #tpu.memory_space<semaphore_mem>>) src(%dma_wait3A_163 : memref<632x128xf32, #tpu.memory_space<hbm>>) dst(%dma_wait3A_161 : memref<632x128xf32, #tpu.memory_space<vmem_shared>>)
      tpu.yield
    }) : () -> ()
    %eq3A = arith.constant 15 : i32
    %eq3A_3 = arith.cmpi eq, %arg1, %eq3A : i32
    %convert_element_type3A = arith.extui %eq3A_3 : i1 to i32
    %cond3A = arith.constant 0 : i32
    %cond3A_4 = arith.cmpi ne, %convert_element_type3A, %cond3A : i32
    scf.if %cond3A_4 {
      "tpu.region"() ({
        %run_scoped3A = tpu.sem_alloc : memref<!tpu.dma_semaphore, #tpu.memory_space<semaphore_mem>>
        %dma_start3A_156 = arith.constant 10112 : i32
        %dma_start3A_157 = arith.constant 0 : i32
        %dma_start3A_158 = tpu.memref_slice %arg10[%dma_start3A_156, %dma_start3A_157] : memref<10128x128xf32, #tpu.memory_space<vmem_shared>> -> memref<16x128xf32, #tpu.memory_space<vmem_shared>>
        %dma_start3A_159 = arith.constant 10112 : i32
        %dma_start3A_160 = arith.constant 0 : i32
        %dma_start3A_161 = tpu.memref_slice %arg5[%dma_start3A_159, %dma_start3A_160] : memref<10128x128xf32, #tpu.memory_space<hbm>> -> memref<16x128xf32, #tpu.memory_space<hbm>>
        tpu.enqueue_dma source(%dma_start3A_161 : memref<16x128xf32, #tpu.memory_space<hbm>>) target(%dma_start3A_158 : memref<16x128xf32, #tpu.memory_space<vmem_shared>>) target_semaphore(%run_scoped3A : memref<!tpu.dma_semaphore, #tpu.memory_space<semaphore_mem>>)
        %dma_wait3A_162 = arith.constant 10112 : i32
        %dma_wait3A_163 = arith.constant 0 : i32
        %dma_wait3A_164 = tpu.memref_slice %arg10[%dma_wait3A_162, %dma_wait3A_163] : memref<10128x128xf32, #tpu.memory_space<vmem_shared>> -> memref<16x128xf32, #tpu.memory_space<vmem_shared>>
        %dma_wait3A_165 = arith.constant 10112 : i32
        %dma_wait3A_166 = arith.constant 0 : i32
        %dma_wait3A_167 = tpu.memref_slice %arg5[%dma_wait3A_165, %dma_wait3A_166] : memref<10128x128xf32, #tpu.memory_space<hbm>> -> memref<16x128xf32, #tpu.memory_space<hbm>>
        tpu.wait_dma2 semaphore(%run_scoped3A : memref<!tpu.dma_semaphore, #tpu.memory_space<semaphore_mem>>) src(%dma_wait3A_167 : memref<16x128xf32, #tpu.memory_space<hbm>>) dst(%dma_wait3A_164 : memref<16x128xf32, #tpu.memory_space<vmem_shared>>)
        tpu.yield
      }) : () -> ()
    } else {
    }
    %mul3A_5 = arith.constant 10 : i32
    %mul3A_6 = arith.muli %add3A, %mul3A_5 : i32
    %add3A_7 = arith.constant 0 : i32
    %add3A_8 = arith.addi %mul3A_6, %add3A_7 : i32
    %dma_start3A = arith.constant 0 : i32
    %dma_start3A_9 = arith.constant 0 : i32
    %dma_start3A_10 = tpu.memref_slice %arg7[%dma_start3A, %dma_start3A_9] : memref<16x128xi32, #tpu.memory_space<vmem>> -> memref<8x128xi32, #tpu.memory_space<vmem>>
    %dma_start3A_11 = arith.constant 0 : i32
    %dma_start3A_12 = arith.constant 0 : i32
    %dma_start3A_13 = tpu.memref_slice %arg2[%add3A_8, %dma_start3A_11, %dma_start3A_12] : memref<320x8x128xi32, #tpu.memory_space<hbm>> -> memref<1x8x128xi32, #tpu.memory_space<hbm>>
    %dma_start3A_14 = tpu.memref_squeeze %dma_start3A_13 : memref<1x8x128xi32, #tpu.memory_space<hbm>> -> memref<8x128xi32, #tpu.memory_space<hbm>>
    %dma_start3A_15 = arith.constant 0 : i32
    %dma_start3A_16 = arith.constant 0 : i32
    %dma_start3A_17 = tpu.memref_slice %arg7[%dma_start3A_15, %dma_start3A_16] : memref<16x128xi32, #tpu.memory_space<vmem>> -> memref<8x128xi32, #tpu.memory_space<vmem>>
    %dma_start3A_18 = arith.constant 0 : i32
    %dma_start3A_19 = arith.constant 0 : i32
    %dma_start3A_20 = tpu.memref_slice %arg2[%add3A_8, %dma_start3A_18, %dma_start3A_19] : memref<320x8x128xi32, #tpu.memory_space<hbm>> -> memref<1x8x128xi32, #tpu.memory_space<hbm>>
    %dma_start3A_21 = tpu.memref_squeeze %dma_start3A_20 : memref<1x8x128xi32, #tpu.memory_space<hbm>> -> memref<8x128xi32, #tpu.memory_space<hbm>>
    tpu.enqueue_dma source(%dma_start3A_21 : memref<8x128xi32, #tpu.memory_space<hbm>>) target(%dma_start3A_17 : memref<8x128xi32, #tpu.memory_space<vmem>>) target_semaphore(%arg13 : memref<!tpu.dma_semaphore, #tpu.memory_space<semaphore_mem>>)
    %mul3A_22 = arith.constant 10 : i32
    %mul3A_23 = arith.muli %add3A, %mul3A_22 : i32
    %add3A_24 = arith.constant 0 : i32
    %add3A_25 = arith.addi %mul3A_23, %add3A_24 : i32
    %dma_start3A_26 = arith.constant 0 : i32
    %dma_start3A_27 = arith.constant 0 : i32
    %dma_start3A_28 = tpu.memref_slice %arg8[%dma_start3A_26, %dma_start3A_27] : memref<16x128xi32, #tpu.memory_space<vmem>> -> memref<8x128xi32, #tpu.memory_space<vmem>>
    %dma_start3A_29 = arith.constant 0 : i32
    %dma_start3A_30 = arith.constant 0 : i32
    %dma_start3A_31 = tpu.memref_slice %arg3[%add3A_25, %dma_start3A_29, %dma_start3A_30] : memref<320x8x128xi32, #tpu.memory_space<hbm>> -> memref<1x8x128xi32, #tpu.memory_space<hbm>>
    %dma_start3A_32 = tpu.memref_squeeze %dma_start3A_31 : memref<1x8x128xi32, #tpu.memory_space<hbm>> -> memref<8x128xi32, #tpu.memory_space<hbm>>
    %dma_start3A_33 = arith.constant 0 : i32
    %dma_start3A_34 = arith.constant 0 : i32
    %dma_start3A_35 = tpu.memref_slice %arg8[%dma_start3A_33, %dma_start3A_34] : memref<16x128xi32, #tpu.memory_space<vmem>> -> memref<8x128xi32, #tpu.memory_space<vmem>>
    %dma_start3A_36 = arith.constant 0 : i32
    %dma_start3A_37 = arith.constant 0 : i32
    %dma_start3A_38 = tpu.memref_slice %arg3[%add3A_25, %dma_start3A_36, %dma_start3A_37] : memref<320x8x128xi32, #tpu.memory_space<hbm>> -> memref<1x8x128xi32, #tpu.memory_space<hbm>>
    %dma_start3A_39 = tpu.memref_squeeze %dma_start3A_38 : memref<1x8x128xi32, #tpu.memory_space<hbm>> -> memref<8x128xi32, #tpu.memory_space<hbm>>
    tpu.enqueue_dma source(%dma_start3A_39 : memref<8x128xi32, #tpu.memory_space<hbm>>) target(%dma_start3A_35 : memref<8x128xi32, #tpu.memory_space<vmem>>) target_semaphore(%arg13 : memref<!tpu.dma_semaphore, #tpu.memory_space<semaphore_mem>>)
    %barrier3A = arith.constant 0 : index
    tpu.barrier barrier_id(%barrier3A)
    %mul3A_40 = arith.constant 10 : i32
    %mul3A_41 = arith.muli %add3A, %mul3A_40 : i32
    %add3A_42 = arith.constant 0 : i32
    %add3A_43 = arith.addi %mul3A_41, %add3A_42 : i32
    %dma_wait3A = arith.constant 0 : i32
    %dma_wait3A_44 = arith.constant 0 : i32
    %dma_wait3A_45 = tpu.memref_slice %arg7[%dma_wait3A, %dma_wait3A_44] : memref<16x128xi32, #tpu.memory_space<vmem>> -> memref<8x128xi32, #tpu.memory_space<vmem>>
    %dma_wait3A_46 = arith.constant 0 : i32
    %dma_wait3A_47 = arith.constant 0 : i32
    %dma_wait3A_48 = tpu.memref_slice %arg2[%add3A_43, %dma_wait3A_46, %dma_wait3A_47] : memref<320x8x128xi32, #tpu.memory_space<hbm>> -> memref<1x8x128xi32, #tpu.memory_space<hbm>>
    %dma_wait3A_49 = tpu.memref_squeeze %dma_wait3A_48 : memref<1x8x128xi32, #tpu.memory_space<hbm>> -> memref<8x128xi32, #tpu.memory_space<hbm>>
    %dma_wait3A_50 = arith.constant 0 : i32
    %dma_wait3A_51 = arith.constant 0 : i32
    %dma_wait3A_52 = tpu.memref_slice %arg7[%dma_wait3A_50, %dma_wait3A_51] : memref<16x128xi32, #tpu.memory_space<vmem>> -> memref<8x128xi32, #tpu.memory_space<vmem>>
    %dma_wait3A_53 = arith.constant 0 : i32
    %dma_wait3A_54 = arith.constant 0 : i32
    %dma_wait3A_55 = tpu.memref_slice %arg2[%add3A_43, %dma_wait3A_53, %dma_wait3A_54] : memref<320x8x128xi32, #tpu.memory_space<hbm>> -> memref<1x8x128xi32, #tpu.memory_space<hbm>>
    %dma_wait3A_56 = tpu.memref_squeeze %dma_wait3A_55 : memref<1x8x128xi32, #tpu.memory_space<hbm>> -> memref<8x128xi32, #tpu.memory_space<hbm>>
    tpu.wait_dma2 semaphore(%arg13 : memref<!tpu.dma_semaphore, #tpu.memory_space<semaphore_mem>>) src(%dma_wait3A_56 : memref<8x128xi32, #tpu.memory_space<hbm>>) dst(%dma_wait3A_52 : memref<8x128xi32, #tpu.memory_space<vmem>>)
    %mul3A_57 = arith.constant 10 : i32
    %mul3A_58 = arith.muli %add3A, %mul3A_57 : i32
    %add3A_59 = arith.constant 0 : i32
    %add3A_60 = arith.addi %mul3A_58, %add3A_59 : i32
    %dma_wait3A_61 = arith.constant 0 : i32
    %dma_wait3A_62 = arith.constant 0 : i32
    %dma_wait3A_63 = tpu.memref_slice %arg8[%dma_wait3A_61, %dma_wait3A_62] : memref<16x128xi32, #tpu.memory_space<vmem>> -> memref<8x128xi32, #tpu.memory_space<vmem>>
    %dma_wait3A_64 = arith.constant 0 : i32
    %dma_wait3A_65 = arith.constant 0 : i32
    %dma_wait3A_66 = tpu.memref_slice %arg3[%add3A_60, %dma_wait3A_64, %dma_wait3A_65] : memref<320x8x128xi32, #tpu.memory_space<hbm>> -> memref<1x8x128xi32, #tpu.memory_space<hbm>>
    %dma_wait3A_67 = tpu.memref_squeeze %dma_wait3A_66 : memref<1x8x128xi32, #tpu.memory_space<hbm>> -> memref<8x128xi32, #tpu.memory_space<hbm>>
    %dma_wait3A_68 = arith.constant 0 : i32
    %dma_wait3A_69 = arith.constant 0 : i32
    %dma_wait3A_70 = tpu.memref_slice %arg8[%dma_wait3A_68, %dma_wait3A_69] : memref<16x128xi32, #tpu.memory_space<vmem>> -> memref<8x128xi32, #tpu.memory_space<vmem>>
    %dma_wait3A_71 = arith.constant 0 : i32
    %dma_wait3A_72 = arith.constant 0 : i32
    %dma_wait3A_73 = tpu.memref_slice %arg3[%add3A_60, %dma_wait3A_71, %dma_wait3A_72] : memref<320x8x128xi32, #tpu.memory_space<hbm>> -> memref<1x8x128xi32, #tpu.memory_space<hbm>>
    %dma_wait3A_74 = tpu.memref_squeeze %dma_wait3A_73 : memref<1x8x128xi32, #tpu.memory_space<hbm>> -> memref<8x128xi32, #tpu.memory_space<hbm>>
    tpu.wait_dma2 semaphore(%arg13 : memref<!tpu.dma_semaphore, #tpu.memory_space<semaphore_mem>>) src(%dma_wait3A_74 : memref<8x128xi32, #tpu.memory_space<hbm>>) dst(%dma_wait3A_70 : memref<8x128xi32, #tpu.memory_space<vmem>>)
    %mul3A_75 = arith.constant 10 : i32
    %mul3A_76 = arith.muli %add3A, %mul3A_75 : i32
    %add3A_77 = arith.constant 1 : i32
    %add3A_78 = arith.addi %mul3A_76, %add3A_77 : i32
    %dma_start3A_79 = arith.constant 8 : i32
    %dma_start3A_80 = arith.constant 0 : i32
    %dma_start3A_81 = tpu.memref_slice %arg7[%dma_start3A_79, %dma_start3A_80] : memref<16x128xi32, #tpu.memory_space<vmem>> -> memref<8x128xi32, #tpu.memory_space<vmem>>
    %dma_start3A_82 = arith.constant 0 : i32
    %dma_start3A_83 = arith.constant 0 : i32
    %dma_start3A_84 = tpu.memref_slice %arg2[%add3A_78, %dma_start3A_82, %dma_start3A_83] : memref<320x8x128xi32, #tpu.memory_space<hbm>> -> memref<1x8x128xi32, #tpu.memory_space<hbm>>
    %dma_start3A_85 = tpu.memref_squeeze %dma_start3A_84 : memref<1x8x128xi32, #tpu.memory_space<hbm>> -> memref<8x128xi32, #tpu.memory_space<hbm>>
    %dma_start3A_86 = arith.constant 8 : i32
    %dma_start3A_87 = arith.constant 0 : i32
    %dma_start3A_88 = tpu.memref_slice %arg7[%dma_start3A_86, %dma_start3A_87] : memref<16x128xi32, #tpu.memory_space<vmem>> -> memref<8x128xi32, #tpu.memory_space<vmem>>
    %dma_start3A_89 = arith.constant 0 : i32
    %dma_start3A_90 = arith.constant 0 : i32
    %dma_start3A_91 = tpu.memref_slice %arg2[%add3A_78, %dma_start3A_89, %dma_start3A_90] : memref<320x8x128xi32, #tpu.memory_space<hbm>> -> memref<1x8x128xi32, #tpu.memory_space<hbm>>
    %dma_start3A_92 = tpu.memref_squeeze %dma_start3A_91 : memref<1x8x128xi32, #tpu.memory_space<hbm>> -> memref<8x128xi32, #tpu.memory_space<hbm>>
    tpu.enqueue_dma source(%dma_start3A_92 : memref<8x128xi32, #tpu.memory_space<hbm>>) target(%dma_start3A_88 : memref<8x128xi32, #tpu.memory_space<vmem>>) target_semaphore(%arg13 : memref<!tpu.dma_semaphore, #tpu.memory_space<semaphore_mem>>)
    %mul3A_93 = arith.constant 10 : i32
    %mul3A_94 = arith.muli %add3A, %mul3A_93 : i32
    %add3A_95 = arith.constant 1 : i32
    %add3A_96 = arith.addi %mul3A_94, %add3A_95 : i32
    %dma_start3A_97 = arith.constant 8 : i32
    %dma_start3A_98 = arith.constant 0 : i32
    %dma_start3A_99 = tpu.memref_slice %arg8[%dma_start3A_97, %dma_start3A_98] : memref<16x128xi32, #tpu.memory_space<vmem>> -> memref<8x128xi32, #tpu.memory_space<vmem>>
    %dma_start3A_100 = arith.constant 0 : i32
    %dma_start3A_101 = arith.constant 0 : i32
    %dma_start3A_102 = tpu.memref_slice %arg3[%add3A_96, %dma_start3A_100, %dma_start3A_101] : memref<320x8x128xi32, #tpu.memory_space<hbm>> -> memref<1x8x128xi32, #tpu.memory_space<hbm>>
    %dma_start3A_103 = tpu.memref_squeeze %dma_start3A_102 : memref<1x8x128xi32, #tpu.memory_space<hbm>> -> memref<8x128xi32, #tpu.memory_space<hbm>>
    %dma_start3A_104 = arith.constant 8 : i32
    %dma_start3A_105 = arith.constant 0 : i32
    %dma_start3A_106 = tpu.memref_slice %arg8[%dma_start3A_104, %dma_start3A_105] : memref<16x128xi32, #tpu.memory_space<vmem>> -> memref<8x128xi32, #tpu.memory_space<vmem>>
    %dma_start3A_107 = arith.constant 0 : i32
    %dma_start3A_108 = arith.constant 0 : i32
    %dma_start3A_109 = tpu.memref_slice %arg3[%add3A_96, %dma_start3A_107, %dma_start3A_108] : memref<320x8x128xi32, #tpu.memory_space<hbm>> -> memref<1x8x128xi32, #tpu.memory_space<hbm>>
    %dma_start3A_110 = tpu.memref_squeeze %dma_start3A_109 : memref<1x8x128xi32, #tpu.memory_space<hbm>> -> memref<8x128xi32, #tpu.memory_space<hbm>>
    tpu.enqueue_dma source(%dma_start3A_110 : memref<8x128xi32, #tpu.memory_space<hbm>>) target(%dma_start3A_106 : memref<8x128xi32, #tpu.memory_space<vmem>>) target_semaphore(%arg13 : memref<!tpu.dma_semaphore, #tpu.memory_space<semaphore_mem>>)
    %rem3A = arith.constant 0 : i32
    %rem3A_111 = arith.constant 16 : i32
    %rem3A_112 = arith.remsi %rem3A, %rem3A_111 : i32
    %dma_start3A_113 = arith.constant 0 : i32
    %dma_start3A_114 = arith.constant 0 : i32
    %dma_start3A_115 = arith.constant 0 : i32
    %dma_start3A_116 = tpu.memref_slice %arg9[%dma_start3A_113, %dma_start3A_114, %dma_start3A_115] : memref<2x128x128xf32, #tpu.memory_space<vmem>> -> memref<1x128x128xf32, #tpu.memory_space<vmem>>
    %dma_start3A_117 = tpu.memref_squeeze %dma_start3A_116 : memref<1x128x128xf32, #tpu.memory_space<vmem>> -> memref<128x128xf32, #tpu.memory_space<vmem>>
    %dma_start3A_118 = arith.constant 0 : i32
    %dma_start3A_119 = tpu.memref_slice %arg7[%rem3A_112, %dma_start3A_118] : memref<16x128xi32, #tpu.memory_space<vmem>> -> memref<1x128xi32, #tpu.memory_space<vmem>>
    %dma_start3A_120 = tpu.memref_squeeze %dma_start3A_119 : memref<1x128xi32, #tpu.memory_space<vmem>> -> memref<128xi32, #tpu.memory_space<vmem>>
    %dma_start3A_121 = arith.constant 0 : i32
    %dma_start3A_122 = arith.constant 0 : i32
    %dma_start3A_123 = tpu.memref_slice %arg4[%dma_start3A_121, %dma_start3A_122] : memref<10000x128xf32, #tpu.memory_space<hbm>> -> memref<10000x128xf32, #tpu.memory_space<hbm>>
    tpu.enqueue_indirect_dma source(%dma_start3A_123 : memref<10000x128xf32, #tpu.memory_space<hbm>>) target(%dma_start3A_117 : memref<128x128xf32, #tpu.memory_space<vmem>>) offsets(%dma_start3A_120 : memref<128xi32, #tpu.memory_space<vmem>>) semaphore(%arg11 : memref<!tpu.dma_semaphore, #tpu.memory_space<semaphore_mem>>)
    %scan3A = arith.constant 0 : i32
    %scan3A_124 = arith.constant 0 : i32
    %scan3A_125 = arith.constant 80 : i32
    %scan3A_126 = arith.addi %scan3A_124, %scan3A_125 : i32
    %scan3A_127 = arith.constant 1 : i32
    scf.for %scan3A_156 = %scan3A_124 to %scan3A_126 step %scan3A_127  : i32 {
      %rem3A_157 = arith.constant 2 : i32
      %rem3A_158 = arith.remsi %scan3A_156, %rem3A_157 : i32
      %ge3A = arith.constant 1 : i32
      %ge3A_159 = arith.cmpi sge, %scan3A_156, %ge3A : i32
      %convert_element_type3A_160 = arith.extui %ge3A_159 : i1 to i32
      %cond3A_161 = arith.constant 0 : i32
      %cond3A_162 = arith.cmpi ne, %convert_element_type3A_160, %cond3A_161 : i32
      scf.if %cond3A_162 {
        %sub3A = arith.constant 1 : i32
        %sub3A_193 = arith.subi %scan3A_156, %sub3A : i32
        %add3A_194 = arith.constant 1 : i32
        %add3A_195 = arith.addi %scan3A_156, %add3A_194 : i32
        %rem3A_196 = arith.constant 2 : i32
        %rem3A_197 = arith.remsi %add3A_195, %rem3A_196 : i32
        %rem3A_198 = arith.constant 16 : i32
        %rem3A_199 = arith.remsi %sub3A_193, %rem3A_198 : i32
        %dma_wait3A_200 = arith.constant 0 : i32
        %dma_wait3A_201 = arith.constant 0 : i32
        %dma_wait3A_202 = tpu.memref_slice %arg9[%rem3A_197, %dma_wait3A_200, %dma_wait3A_201] : memref<2x128x128xf32, #tpu.memory_space<vmem>> -> memref<1x128x128xf32, #tpu.memory_space<vmem>>
        %dma_wait3A_203 = tpu.memref_squeeze %dma_wait3A_202 : memref<1x128x128xf32, #tpu.memory_space<vmem>> -> memref<128x128xf32, #tpu.memory_space<vmem>>
        %dma_wait3A_204 = arith.constant 0 : i32
        %dma_wait3A_205 = tpu.memref_slice %arg8[%rem3A_199, %dma_wait3A_204] : memref<16x128xi32, #tpu.memory_space<vmem>> -> memref<1x128xi32, #tpu.memory_space<vmem>>
        %dma_wait3A_206 = tpu.memref_squeeze %dma_wait3A_205 : memref<1x128xi32, #tpu.memory_space<vmem>> -> memref<128xi32, #tpu.memory_space<vmem>>
        %dma_wait3A_207 = arith.constant 0 : i32
        %dma_wait3A_208 = arith.constant 0 : i32
        %dma_wait3A_209 = tpu.memref_slice %arg10[%dma_wait3A_207, %dma_wait3A_208] : memref<10128x128xf32, #tpu.memory_space<vmem_shared>> -> memref<10128x128xf32, #tpu.memory_space<vmem_shared>>
        tpu.wait_indirect_dma semaphore(%arg12 : memref<!tpu.dma_semaphore, #tpu.memory_space<semaphore_mem>>) src(%dma_wait3A_203 : memref<128x128xf32, #tpu.memory_space<vmem>>) dst(%dma_wait3A_209 : memref<10128x128xf32, #tpu.memory_space<vmem_shared>>)
      } else {
      }
      %add3A_163 = arith.constant 1 : i32
      %add3A_164 = arith.addi %scan3A_156, %add3A_163 : i32
      %lt3A = arith.constant 80 : i32
      %lt3A_165 = arith.cmpi slt, %add3A_164, %lt3A : i32
      %convert_element_type3A_166 = arith.extui %lt3A_165 : i1 to i32
      %cond3A_167 = arith.constant 0 : i32
      %cond3A_168 = arith.cmpi ne, %convert_element_type3A_166, %cond3A_167 : i32
      scf.if %cond3A_168 {
        %add3A_193 = arith.constant 1 : i32
        %add3A_194 = arith.addi %scan3A_156, %add3A_193 : i32
        %jit3A = arith.constant 8 : i32
        %div3A = arith.divsi %add3A_194, %jit3A : i32
        %sign3A = arith.constant 0 : i32
        %sign3A_195 = arith.cmpi sgt, %add3A_194, %sign3A : i32
        %sign3A_196 = arith.extui %sign3A_195 : i1 to i32
        %sign3A_197 = arith.constant 0 : i32
        %sign3A_198 = arith.cmpi slt, %add3A_194, %sign3A_197 : i32
        %sign3A_199 = arith.extui %sign3A_198 : i1 to i32
        %sign3A_200 = arith.subi %sign3A_196, %sign3A_199 : i32
        %sign3A_201 = arith.constant 0 : i32
        %sign3A_202 = arith.cmpi sgt, %jit3A, %sign3A_201 : i32
        %sign3A_203 = arith.extui %sign3A_202 : i1 to i32
        %sign3A_204 = arith.constant 0 : i32
        %sign3A_205 = arith.cmpi slt, %jit3A, %sign3A_204 : i32
        %sign3A_206 = arith.extui %sign3A_205 : i1 to i32
        %sign3A_207 = arith.subi %sign3A_203, %sign3A_206 : i32
        %ne3A = arith.cmpi ne, %sign3A_200, %sign3A_207 : i32
        %rem3A_208 = arith.remsi %add3A_194, %jit3A : i32
        %ne3A_209 = arith.constant 0 : i32
        %ne3A_210 = arith.cmpi ne, %rem3A_208, %ne3A_209 : i32
        %and3A = arith.andi %ne3A, %ne3A_210 : i1
        %sub3A = arith.constant 1 : i32
        %sub3A_211 = arith.subi %div3A, %sub3A : i32
        %select_n3A = arith.select %and3A, %sub3A_211, %div3A : i32
        %rem3A_212 = arith.constant 2 : i32
        %rem3A_213 = arith.remsi %select_n3A, %rem3A_212 : i32
        %rem3A_214 = arith.constant 8 : i32
        %rem3A_215 = arith.remsi %add3A_194, %rem3A_214 : i32
        %eq3A_216 = arith.constant 0 : i32
        %eq3A_217 = arith.cmpi eq, %rem3A_215, %eq3A_216 : i32
        %convert_element_type3A_218 = arith.extui %eq3A_217 : i1 to i32
        %cond3A_219 = arith.constant 0 : i32
        %cond3A_220 = arith.cmpi ne, %convert_element_type3A_218, %cond3A_219 : i32
        scf.if %cond3A_220 {
          %mul3A_250 = arith.constant 10 : i32
          %mul3A_251 = arith.muli %add3A, %mul3A_250 : i32
          %add3A_252 = arith.addi %mul3A_251, %select_n3A : i32
          %mul3A_253 = arith.constant 8 : i32
          %mul3A_254 = arith.muli %rem3A_213, %mul3A_253 : i32
          %dma_wait3A_255 = arith.constant 0 : i32
          %dma_wait3A_256 = tpu.memref_slice %arg7[%mul3A_254, %dma_wait3A_255] : memref<16x128xi32, #tpu.memory_space<vmem>> -> memref<8x128xi32, #tpu.memory_space<vmem>>
          %dma_wait3A_257 = arith.constant 0 : i32
          %dma_wait3A_258 = arith.constant 0 : i32
          %dma_wait3A_259 = tpu.memref_slice %arg2[%add3A_252, %dma_wait3A_257, %dma_wait3A_258] : memref<320x8x128xi32, #tpu.memory_space<hbm>> -> memref<1x8x128xi32, #tpu.memory_space<hbm>>
          %dma_wait3A_260 = tpu.memref_squeeze %dma_wait3A_259 : memref<1x8x128xi32, #tpu.memory_space<hbm>> -> memref<8x128xi32, #tpu.memory_space<hbm>>
          %dma_wait3A_261 = arith.constant 0 : i32
          %dma_wait3A_262 = tpu.memref_slice %arg7[%mul3A_254, %dma_wait3A_261] : memref<16x128xi32, #tpu.memory_space<vmem>> -> memref<8x128xi32, #tpu.memory_space<vmem>>
          %dma_wait3A_263 = arith.constant 0 : i32
          %dma_wait3A_264 = arith.constant 0 : i32
          %dma_wait3A_265 = tpu.memref_slice %arg2[%add3A_252, %dma_wait3A_263, %dma_wait3A_264] : memref<320x8x128xi32, #tpu.memory_space<hbm>> -> memref<1x8x128xi32, #tpu.memory_space<hbm>>
          %dma_wait3A_266 = tpu.memref_squeeze %dma_wait3A_265 : memref<1x8x128xi32, #tpu.memory_space<hbm>> -> memref<8x128xi32, #tpu.memory_space<hbm>>
          tpu.wait_dma2 semaphore(%arg13 : memref<!tpu.dma_semaphore, #tpu.memory_space<semaphore_mem>>) src(%dma_wait3A_266 : memref<8x128xi32, #tpu.memory_space<hbm>>) dst(%dma_wait3A_262 : memref<8x128xi32, #tpu.memory_space<vmem>>)
          %mul3A_267 = arith.constant 10 : i32
          %mul3A_268 = arith.muli %add3A, %mul3A_267 : i32
          %add3A_269 = arith.addi %mul3A_268, %select_n3A : i32
          %mul3A_270 = arith.constant 8 : i32
          %mul3A_271 = arith.muli %rem3A_213, %mul3A_270 : i32
          %dma_wait3A_272 = arith.constant 0 : i32
          %dma_wait3A_273 = tpu.memref_slice %arg8[%mul3A_271, %dma_wait3A_272] : memref<16x128xi32, #tpu.memory_space<vmem>> -> memref<8x128xi32, #tpu.memory_space<vmem>>
          %dma_wait3A_274 = arith.constant 0 : i32
          %dma_wait3A_275 = arith.constant 0 : i32
          %dma_wait3A_276 = tpu.memref_slice %arg3[%add3A_269, %dma_wait3A_274, %dma_wait3A_275] : memref<320x8x128xi32, #tpu.memory_space<hbm>> -> memref<1x8x128xi32, #tpu.memory_space<hbm>>
          %dma_wait3A_277 = tpu.memref_squeeze %dma_wait3A_276 : memref<1x8x128xi32, #tpu.memory_space<hbm>> -> memref<8x128xi32, #tpu.memory_space<hbm>>
          %dma_wait3A_278 = arith.constant 0 : i32
          %dma_wait3A_279 = tpu.memref_slice %arg8[%mul3A_271, %dma_wait3A_278] : memref<16x128xi32, #tpu.memory_space<vmem>> -> memref<8x128xi32, #tpu.memory_space<vmem>>
          %dma_wait3A_280 = arith.constant 0 : i32
          %dma_wait3A_281 = arith.constant 0 : i32
          %dma_wait3A_282 = tpu.memref_slice %arg3[%add3A_269, %dma_wait3A_280, %dma_wait3A_281] : memref<320x8x128xi32, #tpu.memory_space<hbm>> -> memref<1x8x128xi32, #tpu.memory_space<hbm>>
          %dma_wait3A_283 = tpu.memref_squeeze %dma_wait3A_282 : memref<1x8x128xi32, #tpu.memory_space<hbm>> -> memref<8x128xi32, #tpu.memory_space<hbm>>
          tpu.wait_dma2 semaphore(%arg13 : memref<!tpu.dma_semaphore, #tpu.memory_space<semaphore_mem>>) src(%dma_wait3A_283 : memref<8x128xi32, #tpu.memory_space<hbm>>) dst(%dma_wait3A_279 : memref<8x128xi32, #tpu.memory_space<vmem>>)
        } else {
        }
        %rem3A_221 = arith.constant 8 : i32
        %rem3A_222 = arith.remsi %add3A_194, %rem3A_221 : i32
        %eq3A_223 = arith.constant 3 : i32
        %eq3A_224 = arith.cmpi eq, %rem3A_222, %eq3A_223 : i32
        %ge3A_225 = arith.constant 8 : i32
        %ge3A_226 = arith.cmpi sge, %add3A_194, %ge3A_225 : i32
        %and3A_227 = arith.andi %eq3A_224, %ge3A_226 : i1
        %add3A_228 = arith.constant 1 : i32
        %add3A_229 = arith.addi %select_n3A, %add3A_228 : i32
        %lt3A_230 = arith.constant 10 : i32
        %lt3A_231 = arith.cmpi slt, %add3A_229, %lt3A_230 : i32
        %and3A_232 = arith.andi %and3A_227, %lt3A_231 : i1
        %convert_element_type3A_233 = arith.extui %and3A_232 : i1 to i32
        %cond3A_234 = arith.constant 0 : i32
        %cond3A_235 = arith.cmpi ne, %convert_element_type3A_233, %cond3A_234 : i32
        scf.if %cond3A_235 {
          %add3A_250 = arith.constant 1 : i32
          %add3A_251 = arith.addi %select_n3A, %add3A_250 : i32
          %sub3A_252 = arith.constant 1 : i32
          %sub3A_253 = arith.subi %sub3A_252, %rem3A_213 : i32
          %mul3A_254 = arith.constant 10 : i32
          %mul3A_255 = arith.muli %add3A, %mul3A_254 : i32
          %add3A_256 = arith.addi %mul3A_255, %add3A_251 : i32
          %mul3A_257 = arith.constant 8 : i32
          %mul3A_258 = arith.muli %sub3A_253, %mul3A_257 : i32
          %dma_start3A_259 = arith.constant 0 : i32
          %dma_start3A_260 = tpu.memref_slice %arg7[%mul3A_258, %dma_start3A_259] : memref<16x128xi32, #tpu.memory_space<vmem>> -> memref<8x128xi32, #tpu.memory_space<vmem>>
          %dma_start3A_261 = arith.constant 0 : i32
          %dma_start3A_262 = arith.constant 0 : i32
          %dma_start3A_263 = tpu.memref_slice %arg2[%add3A_256, %dma_start3A_261, %dma_start3A_262] : memref<320x8x128xi32, #tpu.memory_space<hbm>> -> memref<1x8x128xi32, #tpu.memory_space<hbm>>
          %dma_start3A_264 = tpu.memref_squeeze %dma_start3A_263 : memref<1x8x128xi32, #tpu.memory_space<hbm>> -> memref<8x128xi32, #tpu.memory_space<hbm>>
          %dma_start3A_265 = arith.constant 0 : i32
          %dma_start3A_266 = tpu.memref_slice %arg7[%mul3A_258, %dma_start3A_265] : memref<16x128xi32, #tpu.memory_space<vmem>> -> memref<8x128xi32, #tpu.memory_space<vmem>>
          %dma_start3A_267 = arith.constant 0 : i32
          %dma_start3A_268 = arith.constant 0 : i32
          %dma_start3A_269 = tpu.memref_slice %arg2[%add3A_256, %dma_start3A_267, %dma_start3A_268] : memref<320x8x128xi32, #tpu.memory_space<hbm>> -> memref<1x8x128xi32, #tpu.memory_space<hbm>>
          %dma_start3A_270 = tpu.memref_squeeze %dma_start3A_269 : memref<1x8x128xi32, #tpu.memory_space<hbm>> -> memref<8x128xi32, #tpu.memory_space<hbm>>
          tpu.enqueue_dma source(%dma_start3A_270 : memref<8x128xi32, #tpu.memory_space<hbm>>) target(%dma_start3A_266 : memref<8x128xi32, #tpu.memory_space<vmem>>) target_semaphore(%arg13 : memref<!tpu.dma_semaphore, #tpu.memory_space<semaphore_mem>>)
          %mul3A_271 = arith.constant 10 : i32
          %mul3A_272 = arith.muli %add3A, %mul3A_271 : i32
          %add3A_273 = arith.addi %mul3A_272, %add3A_251 : i32
          %mul3A_274 = arith.constant 8 : i32
          %mul3A_275 = arith.muli %sub3A_253, %mul3A_274 : i32
          %dma_start3A_276 = arith.constant 0 : i32
          %dma_start3A_277 = tpu.memref_slice %arg8[%mul3A_275, %dma_start3A_276] : memref<16x128xi32, #tpu.memory_space<vmem>> -> memref<8x128xi32, #tpu.memory_space<vmem>>
          %dma_start3A_278 = arith.constant 0 : i32
          %dma_start3A_279 = arith.constant 0 : i32
          %dma_start3A_280 = tpu.memref_slice %arg3[%add3A_273, %dma_start3A_278, %dma_start3A_279] : memref<320x8x128xi32, #tpu.memory_space<hbm>> -> memref<1x8x128xi32, #tpu.memory_space<hbm>>
          %dma_start3A_281 = tpu.memref_squeeze %dma_start3A_280 : memref<1x8x128xi32, #tpu.memory_space<hbm>> -> memref<8x128xi32, #tpu.memory_space<hbm>>
          %dma_start3A_282 = arith.constant 0 : i32
          %dma_start3A_283 = tpu.memref_slice %arg8[%mul3A_275, %dma_start3A_282] : memref<16x128xi32, #tpu.memory_space<vmem>> -> memref<8x128xi32, #tpu.memory_space<vmem>>
          %dma_start3A_284 = arith.constant 0 : i32
          %dma_start3A_285 = arith.constant 0 : i32
          %dma_start3A_286 = tpu.memref_slice %arg3[%add3A_273, %dma_start3A_284, %dma_start3A_285] : memref<320x8x128xi32, #tpu.memory_space<hbm>> -> memref<1x8x128xi32, #tpu.memory_space<hbm>>
          %dma_start3A_287 = tpu.memref_squeeze %dma_start3A_286 : memref<1x8x128xi32, #tpu.memory_space<hbm>> -> memref<8x128xi32, #tpu.memory_space<hbm>>
          tpu.enqueue_dma source(%dma_start3A_287 : memref<8x128xi32, #tpu.memory_space<hbm>>) target(%dma_start3A_283 : memref<8x128xi32, #tpu.memory_space<vmem>>) target_semaphore(%arg13 : memref<!tpu.dma_semaphore, #tpu.memory_space<semaphore_mem>>)
        } else {
        }
        %rem3A_236 = arith.constant 2 : i32
        %rem3A_237 = arith.remsi %add3A_194, %rem3A_236 : i32
        %rem3A_238 = arith.constant 16 : i32
        %rem3A_239 = arith.remsi %add3A_194, %rem3A_238 : i32
        %dma_start3A_240 = arith.constant 0 : i32
        %dma_start3A_241 = arith.constant 0 : i32
        %dma_start3A_242 = tpu.memref_slice %arg9[%rem3A_237, %dma_start3A_240, %dma_start3A_241] : memref<2x128x128xf32, #tpu.memory_space<vmem>> -> memref<1x128x128xf32, #tpu.memory_space<vmem>>
        %dma_start3A_243 = tpu.memref_squeeze %dma_start3A_242 : memref<1x128x128xf32, #tpu.memory_space<vmem>> -> memref<128x128xf32, #tpu.memory_space<vmem>>
        %dma_start3A_244 = arith.constant 0 : i32
        %dma_start3A_245 = tpu.memref_slice %arg7[%rem3A_239, %dma_start3A_244] : memref<16x128xi32, #tpu.memory_space<vmem>> -> memref<1x128xi32, #tpu.memory_space<vmem>>
        %dma_start3A_246 = tpu.memref_squeeze %dma_start3A_245 : memref<1x128xi32, #tpu.memory_space<vmem>> -> memref<128xi32, #tpu.memory_space<vmem>>
        %dma_start3A_247 = arith.constant 0 : i32
        %dma_start3A_248 = arith.constant 0 : i32
        %dma_start3A_249 = tpu.memref_slice %arg4[%dma_start3A_247, %dma_start3A_248] : memref<10000x128xf32, #tpu.memory_space<hbm>> -> memref<10000x128xf32, #tpu.memory_space<hbm>>
        tpu.enqueue_indirect_dma source(%dma_start3A_249 : memref<10000x128xf32, #tpu.memory_space<hbm>>) target(%dma_start3A_243 : memref<128x128xf32, #tpu.memory_space<vmem>>) offsets(%dma_start3A_246 : memref<128xi32, #tpu.memory_space<vmem>>) semaphore(%arg11 : memref<!tpu.dma_semaphore, #tpu.memory_space<semaphore_mem>>)
      } else {
      }
      %rem3A_169 = arith.constant 16 : i32
      %rem3A_170 = arith.remsi %scan3A_156, %rem3A_169 : i32
      %dma_wait3A_171 = arith.constant 0 : i32
      %dma_wait3A_172 = arith.constant 0 : i32
      %dma_wait3A_173 = tpu.memref_slice %arg9[%rem3A_158, %dma_wait3A_171, %dma_wait3A_172] : memref<2x128x128xf32, #tpu.memory_space<vmem>> -> memref<1x128x128xf32, #tpu.memory_space<vmem>>
      %dma_wait3A_174 = tpu.memref_squeeze %dma_wait3A_173 : memref<1x128x128xf32, #tpu.memory_space<vmem>> -> memref<128x128xf32, #tpu.memory_space<vmem>>
      %dma_wait3A_175 = arith.constant 0 : i32
      %dma_wait3A_176 = tpu.memref_slice %arg7[%rem3A_170, %dma_wait3A_175] : memref<16x128xi32, #tpu.memory_space<vmem>> -> memref<1x128xi32, #tpu.memory_space<vmem>>
      %dma_wait3A_177 = tpu.memref_squeeze %dma_wait3A_176 : memref<1x128xi32, #tpu.memory_space<vmem>> -> memref<128xi32, #tpu.memory_space<vmem>>
      %dma_wait3A_178 = arith.constant 0 : i32
      %dma_wait3A_179 = arith.constant 0 : i32
      %dma_wait3A_180 = tpu.memref_slice %arg4[%dma_wait3A_178, %dma_wait3A_179] : memref<10000x128xf32, #tpu.memory_space<hbm>> -> memref<10000x128xf32, #tpu.memory_space<hbm>>
      tpu.wait_indirect_dma semaphore(%arg11 : memref<!tpu.dma_semaphore, #tpu.memory_space<semaphore_mem>>) src(%dma_wait3A_180 : memref<10000x128xf32, #tpu.memory_space<hbm>>) dst(%dma_wait3A_174 : memref<128x128xf32, #tpu.memory_space<vmem>>)
      %rem3A_181 = arith.constant 16 : i32
      %rem3A_182 = arith.remsi %scan3A_156, %rem3A_181 : i32
      %dma_start3A_183 = arith.constant 0 : i32
      %dma_start3A_184 = arith.constant 0 : i32
      %dma_start3A_185 = tpu.memref_slice %arg9[%rem3A_158, %dma_start3A_183, %dma_start3A_184] : memref<2x128x128xf32, #tpu.memory_space<vmem>> -> memref<1x128x128xf32, #tpu.memory_space<vmem>>
      %dma_start3A_186 = tpu.memref_squeeze %dma_start3A_185 : memref<1x128x128xf32, #tpu.memory_space<vmem>> -> memref<128x128xf32, #tpu.memory_space<vmem>>
      %dma_start3A_187 = arith.constant 0 : i32
      %dma_start3A_188 = tpu.memref_slice %arg8[%rem3A_182, %dma_start3A_187] : memref<16x128xi32, #tpu.memory_space<vmem>> -> memref<1x128xi32, #tpu.memory_space<vmem>>
      %dma_start3A_189 = tpu.memref_squeeze %dma_start3A_188 : memref<1x128xi32, #tpu.memory_space<vmem>> -> memref<128xi32, #tpu.memory_space<vmem>>
      %dma_start3A_190 = arith.constant 0 : i32
      %dma_start3A_191 = arith.constant 0 : i32
      %dma_start3A_192 = tpu.memref_slice %arg10[%dma_start3A_190, %dma_start3A_191] : memref<10128x128xf32, #tpu.memory_space<vmem_shared>> -> memref<10128x128xf32, #tpu.memory_space<vmem_shared>>
      tpu.enqueue_indirect_dma source(%dma_start3A_186 : memref<128x128xf32, #tpu.memory_space<vmem>>) target(%dma_start3A_192 : memref<10128x128xf32, #tpu.memory_space<vmem_shared>>) offsets(%dma_start3A_189 : memref<128xi32, #tpu.memory_space<vmem>>) semaphore(%arg12 : memref<!tpu.dma_semaphore, #tpu.memory_space<semaphore_mem>>) {add = true}
    }
    %scan3A_128 = arith.constant 80 : i32
    %rem3A_129 = arith.constant 79 : i32
    %rem3A_130 = arith.constant 16 : i32
    %rem3A_131 = arith.remsi %rem3A_129, %rem3A_130 : i32
    %dma_wait3A_132 = arith.constant 1 : i32
    %dma_wait3A_133 = arith.constant 0 : i32
    %dma_wait3A_134 = arith.constant 0 : i32
    %dma_wait3A_135 = tpu.memref_slice %arg9[%dma_wait3A_132, %dma_wait3A_133, %dma_wait3A_134] : memref<2x128x128xf32, #tpu.memory_space<vmem>> -> memref<1x128x128xf32, #tpu.memory_space<vmem>>
    %dma_wait3A_136 = tpu.memref_squeeze %dma_wait3A_135 : memref<1x128x128xf32, #tpu.memory_space<vmem>> -> memref<128x128xf32, #tpu.memory_space<vmem>>
    %dma_wait3A_137 = arith.constant 0 : i32
    %dma_wait3A_138 = tpu.memref_slice %arg8[%rem3A_131, %dma_wait3A_137] : memref<16x128xi32, #tpu.memory_space<vmem>> -> memref<1x128xi32, #tpu.memory_space<vmem>>
    %dma_wait3A_139 = tpu.memref_squeeze %dma_wait3A_138 : memref<1x128xi32, #tpu.memory_space<vmem>> -> memref<128xi32, #tpu.memory_space<vmem>>
    %dma_wait3A_140 = arith.constant 0 : i32
    %dma_wait3A_141 = arith.constant 0 : i32
    %dma_wait3A_142 = tpu.memref_slice %arg10[%dma_wait3A_140, %dma_wait3A_141] : memref<10128x128xf32, #tpu.memory_space<vmem_shared>> -> memref<10128x128xf32, #tpu.memory_space<vmem_shared>>
    tpu.wait_indirect_dma semaphore(%arg12 : memref<!tpu.dma_semaphore, #tpu.memory_space<semaphore_mem>>) src(%dma_wait3A_136 : memref<128x128xf32, #tpu.memory_space<vmem>>) dst(%dma_wait3A_142 : memref<10128x128xf32, #tpu.memory_space<vmem_shared>>)
    %barrier3A_143 = arith.constant 0 : index
    tpu.barrier barrier_id(%barrier3A_143)
    %mul3A_144 = arith.constant 624 : i32
    %mul3A_145 = arith.muli %arg1, %mul3A_144 : i32
    %multiple_of3A_146 = tpu.assume_multiple %mul3A_145, 8 : i32
    %mul3A_147 = arith.constant 10000 : i32
    %mul3A_148 = arith.muli %arg0, %mul3A_147 : i32
    %add3A_149 = arith.addi %mul3A_148, %multiple_of3A_146 : i32
    %multiple_of3A_150 = tpu.assume_multiple %add3A_149, 8 : i32
    "tpu.region"() ({
      %run_scoped3A = tpu.sem_alloc : memref<!tpu.dma_semaphore, #tpu.memory_space<semaphore_mem>>
      %dma_start3A_156 = arith.constant 0 : i32
      %dma_start3A_157 = tpu.memref_slice %arg6[%multiple_of3A_150, %dma_start3A_156] : memref<20000x128xf32, #tpu.memory_space<hbm>> -> memref<624x128xf32, #tpu.memory_space<hbm>>
      %dma_start3A_158 = arith.constant 0 : i32
      %dma_start3A_159 = tpu.memref_slice %arg10[%multiple_of3A_146, %dma_start3A_158] : memref<10128x128xf32, #tpu.memory_space<vmem_shared>> -> memref<624x128xf32, #tpu.memory_space<vmem_shared>>
      tpu.enqueue_dma source(%dma_start3A_159 : memref<624x128xf32, #tpu.memory_space<vmem_shared>>) target(%dma_start3A_157 : memref<624x128xf32, #tpu.memory_space<hbm>>) target_semaphore(%run_scoped3A : memref<!tpu.dma_semaphore, #tpu.memory_space<semaphore_mem>>)
      %dma_wait3A_160 = arith.constant 0 : i32
      %dma_wait3A_161 = tpu.memref_slice %arg6[%multiple_of3A_150, %dma_wait3A_160] : memref<20000x128xf32, #tpu.memory_space<hbm>> -> memref<624x128xf32, #tpu.memory_space<hbm>>
      %dma_wait3A_162 = arith.constant 0 : i32
      %dma_wait3A_163 = tpu.memref_slice %arg10[%multiple_of3A_146, %dma_wait3A_162] : memref<10128x128xf32, #tpu.memory_space<vmem_shared>> -> memref<624x128xf32, #tpu.memory_space<vmem_shared>>
      tpu.wait_dma2 semaphore(%run_scoped3A : memref<!tpu.dma_semaphore, #tpu.memory_space<semaphore_mem>>) src(%dma_wait3A_163 : memref<624x128xf32, #tpu.memory_space<vmem_shared>>) dst(%dma_wait3A_161 : memref<624x128xf32, #tpu.memory_space<hbm>>)
      tpu.yield
    }) : () -> ()
    %eq3A_151 = arith.constant 15 : i32
    %eq3A_152 = arith.cmpi eq, %arg1, %eq3A_151 : i32
    %convert_element_type3A_153 = arith.extui %eq3A_152 : i1 to i32
    %cond3A_154 = arith.constant 0 : i32
    %cond3A_155 = arith.cmpi ne, %convert_element_type3A_153, %cond3A_154 : i32
    scf.if %cond3A_155 {
      %mul3A_156 = arith.constant 10000 : i32
      %mul3A_157 = arith.muli %arg0, %mul3A_156 : i32
      %add3A_158 = arith.constant 9984 : i32
      %add3A_159 = arith.addi %mul3A_157, %add3A_158 : i32
      %multiple_of3A_160 = tpu.assume_multiple %add3A_159, 8 : i32
      "tpu.region"() ({
        %run_scoped3A = tpu.sem_alloc : memref<!tpu.dma_semaphore, #tpu.memory_space<semaphore_mem>>
        %dma_start3A_161 = arith.constant 0 : i32
        %dma_start3A_162 = tpu.memref_slice %arg6[%multiple_of3A_160, %dma_start3A_161] : memref<20000x128xf32, #tpu.memory_space<hbm>> -> memref<16x128xf32, #tpu.memory_space<hbm>>
        %dma_start3A_163 = arith.constant 9984 : i32
        %dma_start3A_164 = arith.constant 0 : i32
        %dma_start3A_165 = tpu.memref_slice %arg10[%dma_start3A_163, %dma_start3A_164] : memref<10128x128xf32, #tpu.memory_space<vmem_shared>> -> memref<16x128xf32, #tpu.memory_space<vmem_shared>>
        tpu.enqueue_dma source(%dma_start3A_165 : memref<16x128xf32, #tpu.memory_space<vmem_shared>>) target(%dma_start3A_162 : memref<16x128xf32, #tpu.memory_space<hbm>>) target_semaphore(%run_scoped3A : memref<!tpu.dma_semaphore, #tpu.memory_space<semaphore_mem>>)
        %dma_wait3A_166 = arith.constant 0 : i32
        %dma_wait3A_167 = tpu.memref_slice %arg6[%multiple_of3A_160, %dma_wait3A_166] : memref<20000x128xf32, #tpu.memory_space<hbm>> -> memref<16x128xf32, #tpu.memory_space<hbm>>
        %dma_wait3A_168 = arith.constant 9984 : i32
        %dma_wait3A_169 = arith.constant 0 : i32
        %dma_wait3A_170 = tpu.memref_slice %arg10[%dma_wait3A_168, %dma_wait3A_169] : memref<10128x128xf32, #tpu.memory_space<vmem_shared>> -> memref<16x128xf32, #tpu.memory_space<vmem_shared>>
        tpu.wait_dma2 semaphore(%run_scoped3A : memref<!tpu.dma_semaphore, #tpu.memory_space<semaphore_mem>>) src(%dma_wait3A_170 : memref<16x128xf32, #tpu.memory_space<vmem_shared>>) dst(%dma_wait3A_167 : memref<16x128xf32, #tpu.memory_space<hbm>>)
        tpu.yield
      }) : () -> ()
    } else {
    }
    return
  }
}

module attributes {stable_mosaic.version = 14 : i64} {
  func.func @_embed_body(%arg0: i32, %arg1: memref<2000x128xf32, #tpu.memory_space<vmem>>, %arg2: memref<128x128xf32, #tpu.memory_space<vmem>>, %arg3: memref<2000x128xf32, #tpu.memory_space<vmem>>) attributes {dimension_semantics = [#tpu.dimension_semantics<arbitrary>], iteration_bounds = array<i64: 5>, scalar_prefetch = 0 : i64, scratch_operands = 0 : i64, tpu.core_type = #tpu.core_type<tc>, window_params = [{transform_indices = @transform_0, window_bounds = array<i64: 2000, 128>}, {pipeline_mode = #tpu.pipeline_mode<synchronous>, transform_indices = @transform_1, window_bounds = array<i64: 128, 128>}, {transform_indices = @transform_2, window_bounds = array<i64: 2000, 128>}]} {
    %get3A = arith.constant 0 : index
    %get3A_0 = arith.constant 0 : index
    %get3A_1 = vector.load %arg1[%get3A, %get3A_0] : memref<2000x128xf32, #tpu.memory_space<vmem>>, vector<2000x128xf32>
    %convert_element_type3A = arith.truncf %get3A_1 : vector<2000x128xf32> to vector<2000x128xbf16>
    %get3A_2 = arith.constant 0 : index
    %get3A_3 = arith.constant 0 : index
    %get3A_4 = vector.load %arg2[%get3A_2, %get3A_3] : memref<128x128xf32, #tpu.memory_space<vmem>>, vector<128x128xf32>
    %convert_element_type3A_5 = arith.truncf %get3A_4 : vector<128x128xf32> to vector<128x128xbf16>
    %dot_general3A = arith.constant dense<0.000000e+00> : vector<2000x128xf32>
    %dot_general3A_6 = tpu.matmul %convert_element_type3A, %convert_element_type3A_5, %dot_general3A {dimension_numbers = #tpu.dot_dimension_numbers<[1], [0], [0], [1], [0, 0, 1, 1], [], []>, transpose_lhs_hint = false} : vector<2000x128xbf16>, vector<128x128xbf16>, vector<2000x128xf32> -> vector<2000x128xf32>
    %swap3A = arith.constant 0 : index
    %swap3A_7 = arith.constant 0 : index
    %swap3A_8 = vector.load %arg3[%swap3A, %swap3A_7] : memref<2000x128xf32, #tpu.memory_space<vmem>>, vector<2000x128xf32>
    tpu.vector_store %arg3[%swap3A, %swap3A_7], %dot_general3A_6 {strides = array<i32>} : memref<2000x128xf32, #tpu.memory_space<vmem>>, vector<2000x128xf32>,
    return
  }
  func.func @transform_0(%arg0: i32) -> (i32, i32) {
    %c0_i32 = arith.constant 0 : i32
    %c0_i32_0 = arith.constant 0 : i32
    return %arg0, %c0_i32 : i32, i32
  }
  func.func @transform_1(%arg0: i32) -> (i32, i32) {
    %c0_i32 = arith.constant 0 : i32
    %c0_i32_0 = arith.constant 0 : i32
    %c0_i32_1 = arith.constant 0 : i32
    return %c0_i32, %c0_i32_0 : i32, i32
  }
  func.func @transform_2(%arg0: i32) -> (i32, i32) {
    %c0_i32 = arith.constant 0 : i32
    %c0_i32_0 = arith.constant 0 : i32
    return %arg0, %c0_i32 : i32, i32
  }
}

module attributes {stable_mosaic.version = 14 : i64} {
  func.func @_mlp_body(%arg0: i32, %arg1: memref<1x1xf32, #tpu.memory_space<smem>>, %arg2: memref<2000x128xf32, #tpu.memory_space<vmem>>, %arg3: memref<2x2000x128xf32, #tpu.memory_space<vmem>>, %arg4: memref<128x128xf32, #tpu.memory_space<vmem>>, %arg5: memref<1x128xf32, #tpu.memory_space<vmem>>, %arg6: memref<128x128xf32, #tpu.memory_space<vmem>>, %arg7: memref<1x128xf32, #tpu.memory_space<vmem>>, %arg8: memref<2000x128xf32, #tpu.memory_space<vmem>>) attributes {dimension_semantics = [#tpu.dimension_semantics<arbitrary>], iteration_bounds = array<i64: 5>, scalar_prefetch = 0 : i64, scratch_operands = 0 : i64, tpu.core_type = #tpu.core_type<tc>, window_params = [{transform_indices = @transform_0, window_bounds = array<i64: 1, 1>}, {transform_indices = @transform_1, window_bounds = array<i64: 2000, 128>}, {transform_indices = @transform_2, window_bounds = array<i64: 2, 2000, 128>}, {pipeline_mode = #tpu.pipeline_mode<synchronous>, transform_indices = @transform_3, window_bounds = array<i64: 128, 128>}, {pipeline_mode = #tpu.pipeline_mode<synchronous>, transform_indices = @transform_4, window_bounds = array<i64: 1, 128>}, {pipeline_mode = #tpu.pipeline_mode<synchronous>, transform_indices = @transform_5, window_bounds = array<i64: 128, 128>}, {pipeline_mode = #tpu.pipeline_mode<synchronous>, transform_indices = @transform_6, window_bounds = array<i64: 1, 128>}, {transform_indices = @transform_7, window_bounds = array<i64: 2000, 128>}]} {
    %get3A = arith.constant 0 : index
    %get3A_0 = arith.constant 0 : index
    %get3A_1 = memref.load %arg1[%get3A, %get3A_0] : memref<1x1xf32, #tpu.memory_space<smem>>
    %add3A = arith.constant 1.000000e+00 : f32
    %add3A_2 = arith.addf %add3A, %get3A_1 : f32
    %get3A_3 = arith.constant 0 : index
    %get3A_4 = arith.constant 0 : index
    %get3A_5 = vector.load %arg2[%get3A_3, %get3A_4] : memref<2000x128xf32, #tpu.memory_space<vmem>>, vector<2000x128xf32>
    %mul3A = vector.broadcast %add3A_2 : f32 to vector<2000x128xf32>
    %mul3A_6 = arith.mulf %mul3A, %get3A_5 : vector<2000x128xf32>
    %get3A_7 = arith.constant 0 : index
    %get3A_8 = arith.constant 0 : index
    %get3A_9 = arith.constant 0 : index
    %get3A_10 = vector.load %arg3[%get3A_7, %get3A_8, %get3A_9] : memref<2x2000x128xf32, #tpu.memory_space<vmem>>, vector<1x2000x128xf32>
    %get3A_11 = vector.shape_cast %get3A_10 : vector<1x2000x128xf32> to vector<2000x128xf32>
    %add3A_12 = arith.addf %mul3A_6, %get3A_11 : vector<2000x128xf32>
    %get3A_13 = arith.constant 1 : index
    %get3A_14 = arith.constant 0 : index
    %get3A_15 = arith.constant 0 : index
    %get3A_16 = vector.load %arg3[%get3A_13, %get3A_14, %get3A_15] : memref<2x2000x128xf32, #tpu.memory_space<vmem>>, vector<1x2000x128xf32>
    %get3A_17 = vector.shape_cast %get3A_16 : vector<1x2000x128xf32> to vector<2000x128xf32>
    %add3A_18 = arith.addf %add3A_12, %get3A_17 : vector<2000x128xf32>
    %convert_element_type3A = arith.truncf %add3A_18 : vector<2000x128xf32> to vector<2000x128xbf16>
    %get3A_19 = arith.constant 0 : index
    %get3A_20 = arith.constant 0 : index
    %get3A_21 = vector.load %arg4[%get3A_19, %get3A_20] : memref<128x128xf32, #tpu.memory_space<vmem>>, vector<128x128xf32>
    %convert_element_type3A_22 = arith.truncf %get3A_21 : vector<128x128xf32> to vector<128x128xbf16>
    %dot_general3A = arith.constant dense<0.000000e+00> : vector<2000x128xf32>
    %dot_general3A_23 = tpu.matmul %convert_element_type3A, %convert_element_type3A_22, %dot_general3A {dimension_numbers = #tpu.dot_dimension_numbers<[1], [0], [0], [1], [0, 0, 1, 1], [], []>, transpose_lhs_hint = false} : vector<2000x128xbf16>, vector<128x128xbf16>, vector<2000x128xf32> -> vector<2000x128xf32>
    %get3A_24 = arith.constant 0 : index
    %get3A_25 = arith.constant 0 : index
    %get3A_26 = vector.load %arg5[%get3A_24, %get3A_25] : memref<1x128xf32, #tpu.memory_space<vmem>>, vector<1x128xf32>
    %add3A_27 = vector.broadcast %get3A_26 : vector<1x128xf32> to vector<2000x128xf32>
    %add3A_28 = arith.addf %dot_general3A_23, %add3A_27 : vector<2000x128xf32>
    %max3A = arith.constant 0.000000e+00 : f32
    %max3A_29 = vector.broadcast %max3A : f32 to vector<2000x128xf32>
    %max3A_30 = arith.maximumf %add3A_28, %max3A_29 : vector<2000x128xf32>
    %convert_element_type3A_31 = arith.truncf %max3A_30 : vector<2000x128xf32> to vector<2000x128xbf16>
    %get3A_32 = arith.constant 0 : index
    %get3A_33 = arith.constant 0 : index
    %get3A_34 = vector.load %arg6[%get3A_32, %get3A_33] : memref<128x128xf32, #tpu.memory_space<vmem>>, vector<128x128xf32>
    %convert_element_type3A_35 = arith.truncf %get3A_34 : vector<128x128xf32> to vector<128x128xbf16>
    %dot_general3A_36 = arith.constant dense<0.000000e+00> : vector<2000x128xf32>
    %dot_general3A_37 = tpu.matmul %convert_element_type3A_31, %convert_element_type3A_35, %dot_general3A_36 {dimension_numbers = #tpu.dot_dimension_numbers<[1], [0], [0], [1], [0, 0, 1, 1], [], []>, transpose_lhs_hint = false} : vector<2000x128xbf16>, vector<128x128xbf16>, vector<2000x128xf32> -> vector<2000x128xf32>
    %get3A_38 = arith.constant 0 : index
    %get3A_39 = arith.constant 0 : index
    %get3A_40 = vector.load %arg7[%get3A_38, %get3A_39] : memref<1x128xf32, #tpu.memory_space<vmem>>, vector<1x128xf32>
    %add3A_41 = vector.broadcast %get3A_40 : vector<1x128xf32> to vector<2000x128xf32>
    %add3A_42 = arith.addf %dot_general3A_37, %add3A_41 : vector<2000x128xf32>
    %swap3A = arith.constant 0 : index
    %swap3A_43 = arith.constant 0 : index
    %swap3A_44 = vector.load %arg8[%swap3A, %swap3A_43] : memref<2000x128xf32, #tpu.memory_space<vmem>>, vector<2000x128xf32>
    tpu.vector_store %arg8[%swap3A, %swap3A_43], %add3A_42 {strides = array<i32>} : memref<2000x128xf32, #tpu.memory_space<vmem>>, vector<2000x128xf32>,
    return
  }
  func.func @transform_0(%arg0: i32) -> (i32, i32) {
    %c0_i32 = arith.constant 0 : i32
    %c0_i32_0 = arith.constant 0 : i32
    %c0_i32_1 = arith.constant 0 : i32
    return %c0_i32, %c0_i32_0 : i32, i32
  }
  func.func @transform_1(%arg0: i32) -> (i32, i32) {
    %c0_i32 = arith.constant 0 : i32
    %c0_i32_0 = arith.constant 0 : i32
    return %arg0, %c0_i32 : i32, i32
  }
  func.func @transform_2(%arg0: i32) -> (i32, i32, i32) {
    %c0_i32 = arith.constant 0 : i32
    %c0_i32_0 = arith.constant 0 : i32
    %c0_i32_1 = arith.constant 0 : i32
    return %c0_i32, %arg0, %c0_i32_0 : i32, i32, i32
  }
  func.func @transform_3(%arg0: i32) -> (i32, i32) {
    %c0_i32 = arith.constant 0 : i32
    %c0_i32_0 = arith.constant 0 : i32
    %c0_i32_1 = arith.constant 0 : i32
    return %c0_i32, %c0_i32_0 : i32, i32
  }
  func.func @transform_4(%arg0: i32) -> (i32, i32) {
    %c0_i32 = arith.constant 0 : i32
    %c0_i32_0 = arith.constant 0 : i32
    %c0_i32_1 = arith.constant 0 : i32
    return %c0_i32, %c0_i32_0 : i32, i32
  }
  func.func @transform_5(%arg0: i32) -> (i32, i32) {
    %c0_i32 = arith.constant 0 : i32
    %c0_i32_0 = arith.constant 0 : i32
    %c0_i32_1 = arith.constant 0 : i32
    return %c0_i32, %c0_i32_0 : i32, i32
  }
  func.func @transform_6(%arg0: i32) -> (i32, i32) {
    %c0_i32 = arith.constant 0 : i32
    %c0_i32_0 = arith.constant 0 : i32
    %c0_i32_1 = arith.constant 0 : i32
    return %c0_i32, %c0_i32_0 : i32, i32
  }
  func.func @transform_7(%arg0: i32) -> (i32, i32) {
    %c0_i32 = arith.constant 0 : i32
    %c0_i32_0 = arith.constant 0 : i32
    return %arg0, %c0_i32 : i32, i32
  }
}

module attributes {stable_mosaic.version = 14 : i64} {
  func.func @_mlp_body(%arg0: i32, %arg1: memref<1x1xf32, #tpu.memory_space<smem>>, %arg2: memref<2000x128xf32, #tpu.memory_space<vmem>>, %arg3: memref<2x2000x128xf32, #tpu.memory_space<vmem>>, %arg4: memref<128x256xf32, #tpu.memory_space<vmem>>, %arg5: memref<1x256xf32, #tpu.memory_space<vmem>>, %arg6: memref<256x128xf32, #tpu.memory_space<vmem>>, %arg7: memref<1x128xf32, #tpu.memory_space<vmem>>, %arg8: memref<2000x128xf32, #tpu.memory_space<vmem>>) attributes {dimension_semantics = [#tpu.dimension_semantics<arbitrary>], iteration_bounds = array<i64: 5>, scalar_prefetch = 0 : i64, scratch_operands = 0 : i64, tpu.core_type = #tpu.core_type<tc>, window_params = [{transform_indices = @transform_0, window_bounds = array<i64: 1, 1>}, {transform_indices = @transform_1, window_bounds = array<i64: 2000, 128>}, {transform_indices = @transform_2, window_bounds = array<i64: 2, 2000, 128>}, {pipeline_mode = #tpu.pipeline_mode<synchronous>, transform_indices = @transform_3, window_bounds = array<i64: 128, 256>}, {pipeline_mode = #tpu.pipeline_mode<synchronous>, transform_indices = @transform_4, window_bounds = array<i64: 1, 256>}, {pipeline_mode = #tpu.pipeline_mode<synchronous>, transform_indices = @transform_5, window_bounds = array<i64: 256, 128>}, {pipeline_mode = #tpu.pipeline_mode<synchronous>, transform_indices = @transform_6, window_bounds = array<i64: 1, 128>}, {transform_indices = @transform_7, window_bounds = array<i64: 2000, 128>}]} {
    %get3A = arith.constant 0 : index
    %get3A_0 = arith.constant 0 : index
    %get3A_1 = memref.load %arg1[%get3A, %get3A_0] : memref<1x1xf32, #tpu.memory_space<smem>>
    %add3A = arith.constant 1.000000e+00 : f32
    %add3A_2 = arith.addf %add3A, %get3A_1 : f32
    %get3A_3 = arith.constant 0 : index
    %get3A_4 = arith.constant 0 : index
    %get3A_5 = vector.load %arg2[%get3A_3, %get3A_4] : memref<2000x128xf32, #tpu.memory_space<vmem>>, vector<2000x128xf32>
    %mul3A = vector.broadcast %add3A_2 : f32 to vector<2000x128xf32>
    %mul3A_6 = arith.mulf %mul3A, %get3A_5 : vector<2000x128xf32>
    %get3A_7 = arith.constant 0 : index
    %get3A_8 = arith.constant 0 : index
    %get3A_9 = arith.constant 0 : index
    %get3A_10 = vector.load %arg3[%get3A_7, %get3A_8, %get3A_9] : memref<2x2000x128xf32, #tpu.memory_space<vmem>>, vector<1x2000x128xf32>
    %get3A_11 = vector.shape_cast %get3A_10 : vector<1x2000x128xf32> to vector<2000x128xf32>
    %add3A_12 = arith.addf %mul3A_6, %get3A_11 : vector<2000x128xf32>
    %get3A_13 = arith.constant 1 : index
    %get3A_14 = arith.constant 0 : index
    %get3A_15 = arith.constant 0 : index
    %get3A_16 = vector.load %arg3[%get3A_13, %get3A_14, %get3A_15] : memref<2x2000x128xf32, #tpu.memory_space<vmem>>, vector<1x2000x128xf32>
    %get3A_17 = vector.shape_cast %get3A_16 : vector<1x2000x128xf32> to vector<2000x128xf32>
    %add3A_18 = arith.addf %add3A_12, %get3A_17 : vector<2000x128xf32>
    %convert_element_type3A = arith.truncf %add3A_18 : vector<2000x128xf32> to vector<2000x128xbf16>
    %get3A_19 = arith.constant 0 : index
    %get3A_20 = arith.constant 0 : index
    %get3A_21 = vector.load %arg4[%get3A_19, %get3A_20] : memref<128x256xf32, #tpu.memory_space<vmem>>, vector<128x256xf32>
    %convert_element_type3A_22 = arith.truncf %get3A_21 : vector<128x256xf32> to vector<128x256xbf16>
    %dot_general3A = arith.constant dense<0.000000e+00> : vector<2000x256xf32>
    %dot_general3A_23 = tpu.matmul %convert_element_type3A, %convert_element_type3A_22, %dot_general3A {dimension_numbers = #tpu.dot_dimension_numbers<[1], [0], [0], [1], [0, 0, 1, 1], [], []>, transpose_lhs_hint = false} : vector<2000x128xbf16>, vector<128x256xbf16>, vector<2000x256xf32> -> vector<2000x256xf32>
    %get3A_24 = arith.constant 0 : index
    %get3A_25 = arith.constant 0 : index
    %get3A_26 = vector.load %arg5[%get3A_24, %get3A_25] : memref<1x256xf32, #tpu.memory_space<vmem>>, vector<1x256xf32>
    %add3A_27 = vector.broadcast %get3A_26 : vector<1x256xf32> to vector<2000x256xf32>
    %add3A_28 = arith.addf %dot_general3A_23, %add3A_27 : vector<2000x256xf32>
    %max3A = arith.constant 0.000000e+00 : f32
    %max3A_29 = vector.broadcast %max3A : f32 to vector<2000x256xf32>
    %max3A_30 = arith.maximumf %add3A_28, %max3A_29 : vector<2000x256xf32>
    %convert_element_type3A_31 = arith.truncf %max3A_30 : vector<2000x256xf32> to vector<2000x256xbf16>
    %get3A_32 = arith.constant 0 : index
    %get3A_33 = arith.constant 0 : index
    %get3A_34 = vector.load %arg6[%get3A_32, %get3A_33] : memref<256x128xf32, #tpu.memory_space<vmem>>, vector<256x128xf32>
    %convert_element_type3A_35 = arith.truncf %get3A_34 : vector<256x128xf32> to vector<256x128xbf16>
    %dot_general3A_36 = arith.constant dense<0.000000e+00> : vector<2000x128xf32>
    %dot_general3A_37 = tpu.matmul %convert_element_type3A_31, %convert_element_type3A_35, %dot_general3A_36 {dimension_numbers = #tpu.dot_dimension_numbers<[1], [0], [0], [1], [0, 0, 1, 1], [], []>, transpose_lhs_hint = false} : vector<2000x256xbf16>, vector<256x128xbf16>, vector<2000x128xf32> -> vector<2000x128xf32>
    %get3A_38 = arith.constant 0 : index
    %get3A_39 = arith.constant 0 : index
    %get3A_40 = vector.load %arg7[%get3A_38, %get3A_39] : memref<1x128xf32, #tpu.memory_space<vmem>>, vector<1x128xf32>
    %add3A_41 = vector.broadcast %get3A_40 : vector<1x128xf32> to vector<2000x128xf32>
    %add3A_42 = arith.addf %dot_general3A_37, %add3A_41 : vector<2000x128xf32>
    %max3A_43 = arith.constant 0.000000e+00 : f32
    %max3A_44 = vector.broadcast %max3A_43 : f32 to vector<2000x128xf32>
    %max3A_45 = arith.maximumf %add3A_42, %max3A_44 : vector<2000x128xf32>
    %swap3A = arith.constant 0 : index
    %swap3A_46 = arith.constant 0 : index
    %swap3A_47 = vector.load %arg8[%swap3A, %swap3A_46] : memref<2000x128xf32, #tpu.memory_space<vmem>>, vector<2000x128xf32>
    tpu.vector_store %arg8[%swap3A, %swap3A_46], %max3A_45 {strides = array<i32>} : memref<2000x128xf32, #tpu.memory_space<vmem>>, vector<2000x128xf32>,
    return
  }
  func.func @transform_0(%arg0: i32) -> (i32, i32) {
    %c0_i32 = arith.constant 0 : i32
    %c0_i32_0 = arith.constant 0 : i32
    %c0_i32_1 = arith.constant 0 : i32
    return %c0_i32, %c0_i32_0 : i32, i32
  }
  func.func @transform_1(%arg0: i32) -> (i32, i32) {
    %c0_i32 = arith.constant 0 : i32
    %c0_i32_0 = arith.constant 0 : i32
    return %arg0, %c0_i32 : i32, i32
  }
  func.func @transform_2(%arg0: i32) -> (i32, i32, i32) {
    %c0_i32 = arith.constant 0 : i32
    %c0_i32_0 = arith.constant 0 : i32
    %c0_i32_1 = arith.constant 0 : i32
    return %c0_i32, %arg0, %c0_i32_0 : i32, i32, i32
  }
  func.func @transform_3(%arg0: i32) -> (i32, i32) {
    %c0_i32 = arith.constant 0 : i32
    %c0_i32_0 = arith.constant 0 : i32
    %c0_i32_1 = arith.constant 0 : i32
    return %c0_i32, %c0_i32_0 : i32, i32
  }
  func.func @transform_4(%arg0: i32) -> (i32, i32) {
    %c0_i32 = arith.constant 0 : i32
    %c0_i32_0 = arith.constant 0 : i32
    %c0_i32_1 = arith.constant 0 : i32
    return %c0_i32, %c0_i32_0 : i32, i32
  }
  func.func @transform_5(%arg0: i32) -> (i32, i32) {
    %c0_i32 = arith.constant 0 : i32
    %c0_i32_0 = arith.constant 0 : i32
    %c0_i32_1 = arith.constant 0 : i32
    return %c0_i32, %c0_i32_0 : i32, i32
  }
  func.func @transform_6(%arg0: i32) -> (i32, i32) {
    %c0_i32 = arith.constant 0 : i32
    %c0_i32_0 = arith.constant 0 : i32
    %c0_i32_1 = arith.constant 0 : i32
    return %c0_i32, %c0_i32_0 : i32, i32
  }
  func.func @transform_7(%arg0: i32) -> (i32, i32) {
    %c0_i32 = arith.constant 0 : i32
    %c0_i32_0 = arith.constant 0 : i32
    return %arg0, %c0_i32 : i32, i32
  }
}

module attributes {stable_mosaic.version = 14 : i64} {
  func.func @_mlp_body(%arg0: i32, %arg1: memref<1x1xf32, #tpu.memory_space<smem>>, %arg2: memref<2000x128xf32, #tpu.memory_space<vmem>>, %arg3: memref<2x2000x128xf32, #tpu.memory_space<vmem>>, %arg4: memref<128x256xf32, #tpu.memory_space<vmem>>, %arg5: memref<1x256xf32, #tpu.memory_space<vmem>>, %arg6: memref<256x128xf32, #tpu.memory_space<vmem>>, %arg7: memref<1x128xf32, #tpu.memory_space<vmem>>, %arg8: memref<2000x128xf32, #tpu.memory_space<vmem>>) attributes {dimension_semantics = [#tpu.dimension_semantics<arbitrary>], iteration_bounds = array<i64: 5>, scalar_prefetch = 0 : i64, scratch_operands = 0 : i64, tpu.core_type = #tpu.core_type<tc>, window_params = [{transform_indices = @transform_0, window_bounds = array<i64: 1, 1>}, {transform_indices = @transform_1, window_bounds = array<i64: 2000, 128>}, {transform_indices = @transform_2, window_bounds = array<i64: 2, 2000, 128>}, {pipeline_mode = #tpu.pipeline_mode<synchronous>, transform_indices = @transform_3, window_bounds = array<i64: 128, 256>}, {pipeline_mode = #tpu.pipeline_mode<synchronous>, transform_indices = @transform_4, window_bounds = array<i64: 1, 256>}, {pipeline_mode = #tpu.pipeline_mode<synchronous>, transform_indices = @transform_5, window_bounds = array<i64: 256, 128>}, {pipeline_mode = #tpu.pipeline_mode<synchronous>, transform_indices = @transform_6, window_bounds = array<i64: 1, 128>}, {transform_indices = @transform_7, window_bounds = array<i64: 2000, 128>}]} {
    %get3A = arith.constant 0 : index
    %get3A_0 = arith.constant 0 : index
    %get3A_1 = memref.load %arg1[%get3A, %get3A_0] : memref<1x1xf32, #tpu.memory_space<smem>>
    %add3A = arith.constant 1.000000e+00 : f32
    %add3A_2 = arith.addf %add3A, %get3A_1 : f32
    %get3A_3 = arith.constant 0 : index
    %get3A_4 = arith.constant 0 : index
    %get3A_5 = vector.load %arg2[%get3A_3, %get3A_4] : memref<2000x128xf32, #tpu.memory_space<vmem>>, vector<2000x128xf32>
    %mul3A = vector.broadcast %add3A_2 : f32 to vector<2000x128xf32>
    %mul3A_6 = arith.mulf %mul3A, %get3A_5 : vector<2000x128xf32>
    %get3A_7 = arith.constant 0 : index
    %get3A_8 = arith.constant 0 : index
    %get3A_9 = arith.constant 0 : index
    %get3A_10 = vector.load %arg3[%get3A_7, %get3A_8, %get3A_9] : memref<2x2000x128xf32, #tpu.memory_space<vmem>>, vector<1x2000x128xf32>
    %get3A_11 = vector.shape_cast %get3A_10 : vector<1x2000x128xf32> to vector<2000x128xf32>
    %add3A_12 = arith.addf %mul3A_6, %get3A_11 : vector<2000x128xf32>
    %get3A_13 = arith.constant 1 : index
    %get3A_14 = arith.constant 0 : index
    %get3A_15 = arith.constant 0 : index
    %get3A_16 = vector.load %arg3[%get3A_13, %get3A_14, %get3A_15] : memref<2x2000x128xf32, #tpu.memory_space<vmem>>, vector<1x2000x128xf32>
    %get3A_17 = vector.shape_cast %get3A_16 : vector<1x2000x128xf32> to vector<2000x128xf32>
    %add3A_18 = arith.addf %add3A_12, %get3A_17 : vector<2000x128xf32>
    %convert_element_type3A = arith.truncf %add3A_18 : vector<2000x128xf32> to vector<2000x128xbf16>
    %get3A_19 = arith.constant 0 : index
    %get3A_20 = arith.constant 0 : index
    %get3A_21 = vector.load %arg4[%get3A_19, %get3A_20] : memref<128x256xf32, #tpu.memory_space<vmem>>, vector<128x256xf32>
    %convert_element_type3A_22 = arith.truncf %get3A_21 : vector<128x256xf32> to vector<128x256xbf16>
    %dot_general3A = arith.constant dense<0.000000e+00> : vector<2000x256xf32>
    %dot_general3A_23 = tpu.matmul %convert_element_type3A, %convert_element_type3A_22, %dot_general3A {dimension_numbers = #tpu.dot_dimension_numbers<[1], [0], [0], [1], [0, 0, 1, 1], [], []>, transpose_lhs_hint = false} : vector<2000x128xbf16>, vector<128x256xbf16>, vector<2000x256xf32> -> vector<2000x256xf32>
    %get3A_24 = arith.constant 0 : index
    %get3A_25 = arith.constant 0 : index
    %get3A_26 = vector.load %arg5[%get3A_24, %get3A_25] : memref<1x256xf32, #tpu.memory_space<vmem>>, vector<1x256xf32>
    %add3A_27 = vector.broadcast %get3A_26 : vector<1x256xf32> to vector<2000x256xf32>
    %add3A_28 = arith.addf %dot_general3A_23, %add3A_27 : vector<2000x256xf32>
    %max3A = arith.constant 0.000000e+00 : f32
    %max3A_29 = vector.broadcast %max3A : f32 to vector<2000x256xf32>
    %max3A_30 = arith.maximumf %add3A_28, %max3A_29 : vector<2000x256xf32>
    %convert_element_type3A_31 = arith.truncf %max3A_30 : vector<2000x256xf32> to vector<2000x256xbf16>
    %get3A_32 = arith.constant 0 : index
    %get3A_33 = arith.constant 0 : index
    %get3A_34 = vector.load %arg6[%get3A_32, %get3A_33] : memref<256x128xf32, #tpu.memory_space<vmem>>, vector<256x128xf32>
    %convert_element_type3A_35 = arith.truncf %get3A_34 : vector<256x128xf32> to vector<256x128xbf16>
    %dot_general3A_36 = arith.constant dense<0.000000e+00> : vector<2000x128xf32>
    %dot_general3A_37 = tpu.matmul %convert_element_type3A_31, %convert_element_type3A_35, %dot_general3A_36 {dimension_numbers = #tpu.dot_dimension_numbers<[1], [0], [0], [1], [0, 0, 1, 1], [], []>, transpose_lhs_hint = false} : vector<2000x256xbf16>, vector<256x128xbf16>, vector<2000x128xf32> -> vector<2000x128xf32>
    %get3A_38 = arith.constant 0 : index
    %get3A_39 = arith.constant 0 : index
    %get3A_40 = vector.load %arg7[%get3A_38, %get3A_39] : memref<1x128xf32, #tpu.memory_space<vmem>>, vector<1x128xf32>
    %add3A_41 = vector.broadcast %get3A_40 : vector<1x128xf32> to vector<2000x128xf32>
    %add3A_42 = arith.addf %dot_general3A_37, %add3A_41 : vector<2000x128xf32>
    %max3A_43 = arith.constant 0.000000e+00 : f32
    %max3A_44 = vector.broadcast %max3A_43 : f32 to vector<2000x128xf32>
    %max3A_45 = arith.maximumf %add3A_42, %max3A_44 : vector<2000x128xf32>
    %swap3A = arith.constant 0 : index
    %swap3A_46 = arith.constant 0 : index
    %swap3A_47 = vector.load %arg8[%swap3A, %swap3A_46] : memref<2000x128xf32, #tpu.memory_space<vmem>>, vector<2000x128xf32>
    tpu.vector_store %arg8[%swap3A, %swap3A_46], %max3A_45 {strides = array<i32>} : memref<2000x128xf32, #tpu.memory_space<vmem>>, vector<2000x128xf32>,
    return
  }
  func.func @transform_0(%arg0: i32) -> (i32, i32) {
    %c0_i32 = arith.constant 0 : i32
    %c0_i32_0 = arith.constant 0 : i32
    %c0_i32_1 = arith.constant 0 : i32
    return %c0_i32, %c0_i32_0 : i32, i32
  }
  func.func @transform_1(%arg0: i32) -> (i32, i32) {
    %c0_i32 = arith.constant 0 : i32
    %c0_i32_0 = arith.constant 0 : i32
    return %arg0, %c0_i32 : i32, i32
  }
  func.func @transform_2(%arg0: i32) -> (i32, i32, i32) {
    %c0_i32 = arith.constant 0 : i32
    %c0_i32_0 = arith.constant 0 : i32
    %c0_i32_1 = arith.constant 0 : i32
    return %c0_i32, %arg0, %c0_i32_0 : i32, i32, i32
  }
  func.func @transform_3(%arg0: i32) -> (i32, i32) {
    %c0_i32 = arith.constant 0 : i32
    %c0_i32_0 = arith.constant 0 : i32
    %c0_i32_1 = arith.constant 0 : i32
    return %c0_i32, %c0_i32_0 : i32, i32
  }
  func.func @transform_4(%arg0: i32) -> (i32, i32) {
    %c0_i32 = arith.constant 0 : i32
    %c0_i32_0 = arith.constant 0 : i32
    %c0_i32_1 = arith.constant 0 : i32
    return %c0_i32, %c0_i32_0 : i32, i32
  }
  func.func @transform_5(%arg0: i32) -> (i32, i32) {
    %c0_i32 = arith.constant 0 : i32
    %c0_i32_0 = arith.constant 0 : i32
    %c0_i32_1 = arith.constant 0 : i32
    return %c0_i32, %c0_i32_0 : i32, i32
  }
  func.func @transform_6(%arg0: i32) -> (i32, i32) {
    %c0_i32 = arith.constant 0 : i32
    %c0_i32_0 = arith.constant 0 : i32
    %c0_i32_1 = arith.constant 0 : i32
    return %c0_i32, %c0_i32_0 : i32, i32
  }
  func.func @transform_7(%arg0: i32) -> (i32, i32) {
    %c0_i32 = arith.constant 0 : i32
    %c0_i32_0 = arith.constant 0 : i32
    return %arg0, %c0_i32 : i32, i32
  }
}

</mosaic_0001>

<sc_bundles>
// kernel: kernel.12.cloned.1.call-start
scs
__scs_entry_jumppad:
0x0: {  	(pc) =	sbr.rel $0x88, $3  }
0x1: {  	(tag) =	ssettag $0x0;
	lr =	simm.s32 $0x1  }
0x2: {  	[smem:$0x3F8F] =	sst lr;
	_ =	strace $0xD0000000  }
0x3: {  	_ = 	snop  }
0x4: {  	_ = 	snop  }
0x5: {  	_ = 	snop  }
0x6: {  	_ = 	snop  }
0x7: {  	_ = 	snop  }
__scs_overlays_trampoline_lowered:
0x8: {  	[smem:$0x3F9E] =	sst s0  }
0x9: {  	[smem:$0x3F9F] =	sst s1  }
0xa: {  	[smem:$0x3FA0] =	sst s2  }
0xb: {  	[smem:$0x3FA1] =	sst s3  }
0xc: {  	[smem:$0x3FA2] =	sst s4  }
0xd: {  	[smem:$0x3FA3] =	sst s5  }
0xe: {  	[smem:$0x3FA4] =	sst s6  }
0xf: {  	[smem:$0x3FA5] =	sst s7  }
0x10: {  	[smem:$0x3FA6] =	sst s8  }
0x11: {  	[smem:$0x3FA7] =	sst s9;
	s0 =	simm.s32 @!p0 $0x0  }
0x12: {  	s1 =	sld [smem:$0x3F8D];
	s0 =	simm.s32 @p0 $0x1  }
0x13: {  	[smem:$0x3FA8] =	sst s0;
	s0 =	simm.s32 @!p1 $0x0  }
0x14: {  	s2 =	sld [smem:$0x3F8C];
	s0 =	simm.s32 @p1 $0x1  }
0x15: {  	[smem:$0x3FA9] =	sst s0;
	s0 =	simm.s32 @!p2 $0x0  }
0x16: {  	s3 =	sld [smem:$0x3FDB];
	s0 =	simm.s32 @p2 $0x1  }
0x17: {  	s4 =	simm.s32 $0x1BF5;
	[smem:$0x3FAB] =	sst s0  }
0x18: {  	s0 =	sld [smem:$0x3F8E];
	_ =	swait.ge [sflag:s4], $0x0  }
0x19: {  	s7 =	sld [smem:$0x3F8F]  }
0x1a: {  	s8 =	sadd.s32 $0xFFFFE003, lr  }
0x1b: {  	s9 =	sadd.s32 $0xFFFFFEF7, lr;
	s5 =	simm.s32 $0xFFFFFFFF;
	p2 =	slt.u32 s8, $0xFFFFF086  }
0x1c: {  	p1 =	slt.u32 s9, $0xF7A;
	s5 =	simm.s32 @!p2 $0x0  }
0x1d: {  	s5 =	simm.s32 @p1 $0x1;
	p0 =	seq.s32 s7, s2  }
0x1e: {  	s7 =	smul.u32 @!p0 $0xF7A, s2;
	p2 =	seq.s32 @!p0 s5, $0x0  }
0x1f: {  	s9 =	smul.u32 $0xF7A, s1;
	s8 =	simm.s32 @!p0 $0x1BF5;
	p2 =	por !p2, p0  }
0x20: {  	[sflag:s8] =	ssyncset.s32 @!p0 $0xFFFFF086;
	s6 =	sadd.s32 @!p0 s3, s7;
	s7 =	simm.s32 @!p0 $0x108  }
0x21: {  	s3 =	sadd.s32 s3, s9;
	s6 =	sadd.s32 @!p0 $0x88, s6;
	s7 =	simm.s32 @p2 $0x1082  }
0x22: {  	[simem:s7], [sflag:s8] =	dma.local @!p0 [hbm:s6], $0xF7A  }
0x23: {  	s9 =	sor.u32 $0xD0000000, s2;
	s6 =	simm.s32 $0x108;
	_ =	swait.ge @!p0 [sflag:s8], $0x0  }
0x24: {  	s3 =	sadd.s32 $0x88, s3;
	s6 =	simm.s32 @!p1 $0x1082;
	[sflag:s4] =	ssyncset.s32 $0xFFFFF086  }
0x25: {  	[simem:s6], [sflag:s4] =	dma.local [hbm:s3], $0xF7A  }
0x26: {  	[smem:$0x3F8F] =	sst s1;
	(tag) =	ssettag s2;
	_ =	strace s9  }
0x27: {  	s1 =	sld [smem:$0x3F9F]  }
0x28: {  	s2 =	sld [smem:$0x3FA0]  }
0x29: {  	s4 =	sld [smem:$0x3FA2]  }
0x2a: {  	p0 =	seq.s32 s5, $0x0;
	s5 =	sld [smem:$0x3FA3]  }
0x2b: {  	s6 =	sld [smem:$0x3FA4]  }
0x2c: {  	s7 =	sld [smem:$0x3FA5]  }
0x2d: {  	s3 =	simm.s32 $0x108;
	s8 =	sld [smem:$0x3FA6]  }
0x2e: {  	s3 =	simm.s32 @!p0 $0x1082;
	s9 =	sld [smem:$0x3FA7]  }
0x2f: {  	lr =	sadd.s32 s0, s3;
	s0 =	sld [smem:$0x3F9E]  }
0x30: {  	s3 =	sld [smem:$0x3FA1]  }
0x31: {  	[smem:$0x3FAA] =	sst s10  }
0x32: {  	s10 =	sld [smem:$0x3FA8];
	_ =	sdelay $0x3  }
0x33: {  	p0 =	seq.s32 s10, $0x1;
	s10 =	sld [smem:$0x3FAA];
	_ =	sdelay $0x3  }
0x34: {  	[smem:$0x3FAA] =	sst s10  }
0x35: {  	s10 =	sld [smem:$0x3FA9];
	_ =	sdelay $0x3  }
0x36: {  	p1 =	seq.s32 s10, $0x1;
	s10 =	sld [smem:$0x3FAA];
	_ =	sdelay $0x3  }
0x37: {  	[smem:$0x3FAA] =	sst s10  }
0x38: {  	s10 =	sld [smem:$0x3FAB]  }
0x39: {  	_ = 	snop;
	(pc) =	sbr.ind lr, $3  }
0x3a: {  	_ = 	snop  }
0x3b: {  	_ = 	snop  }
0x3c: {  	p2 =	seq.s32 s10, $0x1;
	s10 =	sld [smem:$0x3FAA]  }
0x3d: {  	_ =	shalt  }
0x3e: {  	_ =	shalt  }
0x3f: {  	_ =	shalt  }
0x40: {  	_ =	shalt  }
0x41: {  	_ =	shalt  }
0x42: {  	_ =	shalt  }
0x43: {  	_ =	shalt  }
0x44: {  	_ =	shalt  }
0x45: {  	_ =	shalt  }
0x46: {  	_ =	shalt  }
0x47: {  	_ =	shalt  }
0x48: {  	_ =	shalt  }
0x49: {  	_ =	shalt  }
0x4a: {  	_ =	shalt  }
0x4b: {  	_ =	shalt  }
0x4c: {  	_ =	shalt  }
0x4d: {  	_ =	shalt  }
0x4e: {  	_ =	shalt  }
0x4f: {  	_ =	shalt  }
0x50: {  	_ =	shalt  }
0x51: {  	_ =	shalt  }
0x52: {  	_ =	shalt  }
0x53: {  	_ =	shalt  }
0x54: {  	_ =	shalt  }
0x55: {  	_ =	shalt  }
0x56: {  	_ =	shalt  }
0x57: {  	_ =	shalt  }
0x58: {  	_ =	shalt  }
0x59: {  	_ =	shalt  }
0x5a: {  	_ =	shalt  }
0x5b: {  	_ =	shalt  }
0x5c: {  	_ =	shalt  }
0x5d: {  	_ =	shalt  }
0x5e: {  	_ =	shalt  }
0x5f: {  	_ =	shalt  }
0x60: {  	_ =	shalt  }
0x61: {  	_ =	shalt  }
0x62: {  	_ =	shalt  }
0x63: {  	_ =	shalt  }
0x64: {  	_ =	shalt  }
0x65: {  	_ =	shalt  }
0x66: {  	_ =	shalt  }
0x67: {  	_ =	shalt  }
0x68: {  	_ =	shalt  }
0x69: {  	_ =	shalt  }
0x6a: {  	_ =	shalt  }
0x6b: {  	_ =	shalt  }
0x6c: {  	_ =	shalt  }
0x6d: {  	_ =	shalt  }
0x6e: {  	_ =	shalt  }
0x6f: {  	_ =	shalt  }
0x70: {  	_ =	shalt  }
0x71: {  	_ =	shalt  }
0x72: {  	_ =	shalt  }
0x73: {  	_ =	shalt  }
0x74: {  	_ =	shalt  }
0x75: {  	_ =	shalt  }
0x76: {  	_ =	shalt  }
0x77: {  	_ =	shalt  }
0x78: {  	_ =	shalt  }
0x79: {  	_ =	shalt  }
0x7a: {  	_ =	shalt  }
0x7b: {  	_ =	shalt  }
0x7c: {  	_ =	shalt  }
0x7d: {  	_ =	shalt  }
0x7e: {  	_ =	shalt  }
0x7f: {  	_ =	shalt  }
0x80: {  	_ =	shalt  }
0x81: {  	_ =	shalt  }
0x82: {  	_ =	shalt  }
0x83: {  	_ =	shalt  }
0x84: {  	_ =	shalt  }
0x85: {  	_ =	shalt  }
0x86: {  	_ =	shalt  }
0x87: {  	_ =	shalt  }
.Lfunc_end0:
.L_simem_size_0:
called_computation.1_lowered:
.L_overlay_start_0:
0x88: {  	s2 =	sld [smem:$0x3FD9]  }
0x89: {  	s3 =	sld [smem:$0x3FFE];
	_ =	sdelay $0x1  }
0x8a: {  	s1 =	srdreg.scid  }
0x8b: {  	s0 =	sand.u32 $0x1, s1  }
0x8c: {  	s17 =	sshll.u32 s0, $0xA;
	s2 =	sadd.s32 s3, s2  }
0x8d: {  	s2 =	sadd.s32 s2, s17  }
0x8e: {  	[smem:$0x3FB6] =	sst s2  }
0x8f: {  	_ = 	snop  }
0x90: {  	s2 =	sld [smem:$0x3FD0];
	(tm) =	ssettm $0x1  }
0x91: {  	s18 =	sld [smem:$0x3FFB];
	_ =	sdelay $0x3  }
0x92: {  	_ =	strace s18  }
0x93: {  	s3 =	sld [smem:$0x3FFC];
	_ =	sdelay $0x3  }
0x94: {  	_ =	strace s3  }
0x95: {  	s3 =	sld [smem:$0x3FFD];
	_ =	sdelay $0x3  }
0x96: {  	_ =	strace s3  }
0x97: {  	_ =	strace $0x8FFFFFFF  }
0x98: {  	s19 =	sld [smem:$0x3FDB];
	_ =	sdelay $0x1  }
0x99: {  	s4 =	simm.s32 $_scs_section_size  }
0x9a: {  	s5 =	simm.s32 $_size__tile_overlayer_lowered;
	s6 =	simm.s32 $_tile_overlayer_lowered  }
0x9b: {  	s22 =	simm.s32 $0x1BFF;
	s21 =	sshll.u32 s6, $0x1;
	s3 =	sadd.s32 s4, s19  }
0x9c: {  	s7 =	simm.s32 $0x0;
	s20 =	sshll.u32 s5, $0x1;
	s5 =	sadd.s32 s21, s3  }
0x9d: {  	[timem:s7], [sflag:s22] =	dma.local [hbm:s5], s20  }
0x9e: {  	_ =	swait.ge [sflag:s22], s20  }
0x9f: {  	s4 =	ssub.s32 $0x0, s20;
	[sflag:s22] =	ssyncset.done $0x0  }
0xa0: {  	[sflag:s22] =	ssyncadd.s32 s4;
	_ =	sdelay $0x1  }
0xa1: {  	s23 =	simm.s32 $0x1B8B  }
0xa2: {  	_ =	swait.ge [sflag:s23], $0x1  }
0xa3: {  	[sflag:s23] =	ssyncset.done $0x0  }
0xa4: {  	s25 =	simm.s32 $0x1B8E;
	s24 =	sld [smem:$0x3FFE];
	[sflag:s23] =	ssyncadd.s32 $0xFFFFFFFF  }
0xa5: {  	s26 =	simm.s32 $execute0_lowered;
	[smem:$0x3FD2] =	sst s25  }
0xa6: {  	s5 =	sshll.u32 s26, $0x1;
	_ =	strace $0x80000049;
	[dreg:$0x1] =	wrdreg $0xFFFFFFFF  }
0xa7: {  	s28 =	simm.s32 $_size_execute0_lowered;
	s3 =	sadd.s32 s3, s5;
	[dreg:$0x0] =	wrdreg $0x0  }
0xa8: {  	s5 =	sshll.u32 s28, $0x1;
	[dreg:$0x2] =	wrdreg s3  }
0xa9: {  	[dreg:$0x3] =	wrdreg s5  }
0xaa: {  	[dreg:$0x4] =	wrdreg $0xC0  }
0xab: {  	_ =	task [dreg:s7], $0x5FFFF  }
0xac: {  	[dreg:$0x1] =	wrdreg $0xFFFFFFFF  }
0xad: {  	[dreg:$0x0] =	wrdreg $0x60  }
0xae: {  	[dreg:$0x2] =	wrdreg s24  }
0xaf: {  	[dreg:$0x3] =	wrdreg s2  }
0xb0: {  	[dreg:$0x4] =	wrdreg $0x90000  }
0xb1: {  	[dreg:$0x5] =	wrdreg $0x9  }
0xb2: {  	_ =	task.clear_ibuf [dreg:s7], $0x6FFFF;
	_ =	strace $0x90000049  }
0xb3: {  	s29 =	simm.s32 $0x9;
	_ =	strace $0x8000004B  }
0xb4: {  	_ =	swait.ge [sflag:s29], $0x1  }
0xb5: {  	[sflag:s29] =	ssyncadd.s32 $0xFFFFFFFF  }
0xb6: {  	_ =	strace $0x9000004B  }
0xb7: {  	_ =	sfence  }
0xb8: {  	s30 =	sld [smem:$0x0];
	_ =	sdelay $0x2  }
0xb9: {  	s31 =	sshll.u32 s1, $0xD;
	s1 =	sshrl.u32 s1, $0x2  }
0xba: {  	s3 =	sand.u32 $0x4000, s31;
	s1 =	sadd.s32 s1, s30  }
0xbb: {  	s0 =	sor.u32 s3, s0;
	s1 =	sshll.u32 s1, $0x11  }
0xbc: {  	s0 =	sor.u32 s1, s0  }
0xbd: {  	s0 =	sadd.s32 $0x8F2B, s0  }
0xbe: {  	[sflag:s0] =	ssyncadd.remote.s32 $0x1  }
0xbf: {  	_ =	sfence.sel $0xFFFF  }
0xc0: {  	[dreg:$0x0] =	wrdreg $0xFFFFFFFF;
	(pc) =	sbr.abs _section_cstart, $3  }
0xc1: {  	[dreg:$0x1] =	wrdreg $0xFFFFFFFF  }
0xc2: {  	_ =	task.clear_ibuf [dreg:s7], $0x2FFFF;
	_ =	strace $0x9FFFFFFF  }
0xc3: {  	(tm) =	ssettm $0x7FFFFFFF  }
tec
execute0_lowered:
.L_overlay_start_1:
0x0: {  	(tag) =	ssettag $0x1  }
0x1: {  	s0 =	rddreg [dreg:$0x0]  }
0x2: {  	s1 =	rddreg [dreg:$0x1]  }
0x3: {  	s3 =	rddreg [dreg:$0x2];
	s4 =	simm.s32 $0x0  }
0x4: {  	s22 =	stileid.u32;
	s7 =	srdreg.scid;
	s28 =	simm.s32 $0x80  }
0x5: {  	s30 =	simm.s32 $0x1;
	s31 =	simm.s32 $0x2;
	s2 =	smul.u32 $0x2780, s22  }
0x6: {  	[smem:$0x7FF] =	sst s4;
	s5 =	sadd.s32 $0x3800, s0;
	s8 =	smul.u32 $0x4F000, s22  }
0x7: {  	s6 =	sadd.s32 $0xD800, s0;
	s12 =	sand.u32 $0x1, s7;
	s15 =	smul.u32 $0x4E000, s22  }
0x8: {  	s16 =	sadd.s32 $0x3F200, s0;
	s24 =	sshll.u32 s22, $0x6;
	s25 =	smul.u32 $0x2700, s22  }
0x9: {  	p0 =	sne.s32 s22, $0xF;
	_ =	strace $0x8000004A;
	s19 =	smul.u32 $0x27100, s12  }
0xa: {  	s7 =	sshll.u32 s12, $0x4;
	s9 =	ssub.s32 $0x2, s12;
	s20 =	smul.u32 $0x138800, s12  }
0xb: {  	s2 =	sadd.s32 s2, s0;
	s7 =	sor.u32 s22, s7;
	s10 =	sshrl.u32 s9, $0x1  }
0xc: {  	s8 =	sshrl.u32 s8, $0x2;
	s15 =	sshrl.u32 s15, $0x2;
	s22 =	simm.s32 $0x3  }
0xd: {  	s14 =	smul.u32 $0xA, s7;
	s17 =	ssub.s32 s9, s10;
	s18 =	sadd.s32 s8, s3  }
0xe: {  	s13 =	smul.u32 $0x500, s7;
	s2 =	sadd.s32 $0x17800, s2;
	s8 =	sor.u32 $0x1C04, s24  }
0xf: {  	s9 =	sadd.s32 $0x3F000, s0;
	s0 =	sadd.s32 s25, s19;
	s26 =	sshrl.u32 s20, $0x3  }
0x10: {  	s21 =	sadd.s32 s15, s3;
	s25 =	sadd.s32 $0x138000, s3;
	s19 =	simm.s32 $0x4  }
0x11: {  	[dreg:$0x4] =	wrdreg s2;
	s2 =	sadd.s32 $0x13C000, s3;
	s15 =	sadd.s32 s16, s0  }
.Ltmp0:
0x12: {  	s29 =	sadd.s32 s16, s26;
	s17 =	smax.u32 s17, $0x1;
	(pc) =	sbr.rel .LBB2_1-.Ltmp0, $4  }
0x13: {  	s18 =	sshrl.u32 s18, $0x3;
	s24 =	sshrl.u32 s21, $0x3;
	s25 =	sshrl.u32 @!p0 s25, $0x3  }
0x14: {  	s0 =	simm.s32 $0x0;
	s10 =	sadd.s32 s5, s13;
	s11 =	sadd.s32 s6, s13  }
0x15: {  	s13 =	sor.u32 $0x80, s13;
	s14 =	sor.u32 $0x1, s14;
	s16 =	sadd.s32 $0x27000, s29  }
0x16: {  	s20 =	sshrl.u32 @!p0 s2, $0x3;
	s12 =	sadd.s32 s5, s13;
	s13 =	sadd.s32 s6, s13  }
.LBB2_8:
0x17: {  	_ =	swait.ge [sflag:s31], $0x4000  }
0x18: {  	[sflag:s31] =	ssyncset.done $0x0  }
0x19: {  	[sflag:s31] =	ssyncadd.s32 $0xFFFFC000  }
0x1a: {  	[bflag:$0x0] =	sbarrier.arrive $0xFFFF  }
0x1b: {  	[hbm:s15], [sflag:s8] =	dma.local [spmem:s24], $0x2700  }
0x1c: {  	s0 =	sadd.s32 $0x1, s0;
	_ =	swait.ge [sflag:s19], $0x2700  }
0x1d: {  	p1 =	sne.s32 s0, s17;
	[sflag:s19] =	ssyncset.done $0x0  }
.Ltmp1:
0x1e: {  	s2 =	simm.s32 @!p0 $0x4;
	[sflag:s19] =	ssyncadd.s32 $0xFFFFD900;
	(pc) =	sbr.rel @!p1 .LBB2_9-.Ltmp1, $4  }
0x1f: {  	[hbm:s16], [sflag:s8] =	dma.local @!p0 [spmem:s25], $0x100  }
0x20: {  	_ =	swait.ge @!p0 [sflag:s2], $0x100  }
0x21: {  	[sflag:s2] =	ssyncset.done @!p0 $0x0  }
0x22: {  	[sflag:s2] =	ssyncadd.s32 @!p0 $0xFFFFFF00  }
.LBB2_1:
0x23: {  	s2 =	rddreg [dreg:$0x4]  }
0x24: {  	[spmem:s18], [sflag:s8] =	dma.local [hbm:s2], $0x2780  }
0x25: {  	_ =	swait.ge [sflag:s19], $0x2780  }
0x26: {  	[sflag:s19] =	ssyncset.done $0x0  }
0x27: {  	s2 =	simm.s32 @!p0 $0x4;
	[sflag:s19] =	ssyncadd.s32 $0xFFFFD880  }
0x28: {  	[spmem:s20], [sflag:s8] =	dma.local @!p0 [hbm:s9], $0x100  }
0x29: {  	_ =	swait.ge @!p0 [sflag:s2], $0x100  }
0x2a: {  	[sflag:s2] =	ssyncset.done @!p0 $0x0  }
0x2b: {  	[sflag:s2] =	ssyncadd.s32 @!p0 $0xFFFFFF00  }
0x2c: {  	[tilespmem:s4], [sflag:$0x3] =	stream.linear.gather [hbm4b:s10+s4], $0x400, $0x38;
	[tilespmem:$0x1CC80] =	vst v63  }
0x2d: {  	s21 =	simm.s32 $0x800  }
0x2e: {  	[tilespmem:s21], [sflag:$0x3] =	stream.linear.gather [hbm4b:s11+s4], $0x400, $0x38;
	[tilespmem:$0x1CC80] =	vst v63  }
0x2f: {  	[bflag:$0x0] =	sbarrier.arrive $0xFFFF  }
0x30: {  	_ =	swait.ge [sflag:s22], $0x400  }
0x31: {  	[sflag:s22] =	ssyncset.done $0x0  }
0x32: {  	[sflag:s22] =	ssyncadd.s32 $0xFFFFFC00  }
0x33: {  	_ =	swait.ge [sflag:s22], $0x400  }
0x34: {  	[sflag:s22] =	ssyncset.done $0x0  }
0x35: {  	s23 =	simm.s32 $0x400;
	[sflag:s22] =	ssyncadd.s32 $0xFFFFFC00  }
0x36: {  	[tilespmem:s23], [sflag:$0x3] =	stream.linear.gather [hbm4b:s12+s4], $0x400, $0x38;
	[tilespmem:$0x1CC80] =	vst v63  }
.Ltmp2:
0x37: {  	_ = 	snop;
	(pc) =	sbr.rel .LBB2_2-.Ltmp2, $4  }
0x38: {  	s26 =	simm.s32 $0xC00  }
0x39: {  	[tilespmem:s26], [sflag:$0x3] =	stream.linear.gather [hbm4b:s13+s4], $0x400, $0x38;
	[tilespmem:$0x1CC80] =	vst v63  }
0x3a: {  	s29 =	simm.s32 $0x1000;
	s2 =	simm.s32 $0x0  }
0x3b: {  	[tilespmem:s29], [sflag:$0x1] =	stream.indirect.gather [hbm4b:s1+s28], $0x80, s4, s28, $0xb8;
	[tilespmem:$0x1CC80] =	vst v63  }
.LBB2_3:
0x3c: {  	s21 =	simm.s32 $0x1  }
.LBB2_6:
0x3d: {  	s7 =	sshll.u32 s21, $0xE  }
0x3e: {  	s23 =	sshll.u32 s21, $0x7;
	s7 =	sand.u32 $0x4000, s7  }
0x3f: {  	s23 =	sand.u32 $0x780, s23;
	s7 =	sor.u32 $0x1000, s7  }
0x40: {  	[tilespmem:s7], [sflag:$0x1] =	stream.indirect.gather [hbm4b:s1+s28], $0x80, s23, s28, $0xb8;
	[tilespmem:$0x1CC80] =	vst v63  }
.LBB2_7:
0x41: {  	s7 =	sshll.u32 s2, $0xE;
	p1 =	slt.u32 s21, $0x50  }
.Ltmp3:
0x42: {  	_ =	swait.ge [sflag:s30], $0x4000;
	s29 =	sshll.u32 s2, $0x7;
	(pc) =	sbr.rel @!p1 .LBB2_8-.Ltmp3, $4  }
0x43: {  	s7 =	sand.u32 $0x4000, s7;
	[sflag:s30] =	ssyncset.done $0x0;
	s2 =	sand.u32 $0x780, s29  }
0x44: {  	s7 =	sor.u32 $0x1000, s7;
	[sflag:s30] =	ssyncadd.s32 $0xFFFFC000;
	s2 =	sor.u32 $0x800, s2  }
0x45: {  	[spmem:s3] =	stream.indirect.scatter.add.f32 [tilespmem:s7], [sflag:$0x2], $0x80, s2, s28, $0xb8;
	[tilespmem:$0x1CC80] =	vst v63  }
0x46: {  	s2 =	smov.u32 s21  }
.LBB2_2:
0x47: {  	p1 =	seq.s32 s2, $0x0  }
.Ltmp4:
0x48: {  	_ = 	snop;
	(pc) =	sbr.rel @p1 .LBB2_3-.Ltmp4, $1  }
0x49: {  	_ =	sdelay $0x3  }
0x4a: {  	p1 =	seq.s32 s2, $0x4F  }
.Ltmp5:
0x4b: {  	_ = 	snop;
	(pc) =	sbr.rel @p1 .LBB2_7-.Ltmp5, $4  }
0x4c: {  	_ = 	snop  }
0x4d: {  	_ =	swait.ge [sflag:s31], $0x4000  }
0x4e: {  	[sflag:s31] =	ssyncset.done $0x0  }
0x4f: {  	s21 =	simm.s32 $0x50;
	[sflag:s31] =	ssyncadd.s32 $0xFFFFC000  }
0x50: {  	s21 =	sadd.s32 $0x1, s2  }
0x51: {  	s23 =	sand.u32 $0x7, s21  }
0x52: {  	p1 =	sne.s32 s23, $0x0  }
0x53: {  	s26 =	sadd.s32 @p1 $0xFFFFFFF9, s2  }
0x54: {  	p2 =	sgt.u32 @p1 s26, $0x3F  }
0x55: {  	p3 =	por p2, !p1  }
0x56: {  	p3 =	sne.s32 @!p3 s23, $0x3  }
0x57: {  	p2 =	por @p1 p3, p2  }
0x58: {  	s23 =	sshrl.u32 s21, $0x3;
	p2 =	por p2, !p1  }
0x59: {  	s26 =	sadd.s32 @!p2 s23, s14  }
0x5a: {  	s23 =	sxor.u32 @!p2 $0xFFFFFFFF, s23;
	s26 =	sshll.u32 @!p2 s26, $0x7  }
0x5b: {  	s23 =	sshll.u32 @!p2 s23, $0xA;
	s26 =	sand.u32 @!p2 $0x1FFFFF80, s26  }
0x5c: {  	s7 =	simm.s32 @!p2 $0x0;
	s23 =	sand.u32 @!p2 $0x400, s23;
	s29 =	sadd.s32 @!p2 s5, s26  }
0x5d: {  	[tilespmem:s23], [sflag:$0x3] =	stream.linear.gather @!p2 [hbm4b:s29+s7], $0x400, $0x38;
	[tilespmem:$0x1CC80] =	vst v63  }
0x5e: {  	s26 =	sadd.s32 @!p2 s6, s26;
	s23 =	sor.u32 @!p2 $0x800, s23  }
0x5f: {  	[tilespmem:s23], [sflag:$0x3] =	stream.linear.gather @!p2 [hbm4b:s26+s7], $0x400, $0x38;
	[tilespmem:$0x1CC80] =	vst v63  }
0x60: {  	s7 =	simm.s32 @!p1 $0x3  }
0x61: {  	_ =	swait.ge @!p1 [sflag:s7], $0x400  }
.Ltmp6:
0x62: {  	[sflag:s7] =	ssyncset.done @!p1 $0x0;
	(pc) =	sbr.rel .LBB2_6-.Ltmp6, $4  }
0x63: {  	[sflag:s7] =	ssyncadd.s32 @!p1 $0xFFFFFC00  }
0x64: {  	_ =	swait.ge @!p1 [sflag:s7], $0x400  }
0x65: {  	[sflag:s7] =	ssyncset.done @!p1 $0x0  }
0x66: {  	[sflag:s7] =	ssyncadd.s32 @!p1 $0xFFFFFC00  }
.LBB2_9:
0x67: {  	_ =	sfence.sel $0x180000  }
0x68: {  	[bflag:$0x0] =	sbarrier.arrive $0xFFFF  }
0x69: {  	_ =	strace $0x9000004A  }
0x6a: {  	s0 =	stileid.u32;
	[bflag:$0x2] =	sbarrier.arrive $0xFFFF  }
0x6b: {  	p0 =	sne.s32 s0, $0x0;
	s0 =	rddreg [dreg:$0x3]  }
0x6c: {  	s0 =	sadd.s32 @!p0 $0x100000, s0  }
0x6d: {  	[sflag:s0] =	ssyncadd.tile.s32 @!p0 $0x1;
	_ =	shalt  }
.Lfunc_end2:
_tile_overlayer_lowered:
.L_overlay_start_2:
0x6e: {  	(tag) =	ssettag $0x2  }
0x6f: {  	s0 =	rddreg [dreg:$0x0];
	s2 =	stileid.u32  }
0x70: {  	s1 =	rddreg [dreg:$0x1];
	p0 =	sne.s32 s2, $0x0  }
0x71: {  	s3 =	rddreg [dreg:$0x2];
	[bflag:$0x3] =	sbarrier.arrive $0xFFFF;
	s2 =	simm.s32 @!p0 $0x1C04  }
0x72: {  	[timem:s3], [sflag:s2] =	dma.local @!p0 [hbm:s0], s1  }
0x73: {  	s0 =	simm.s32 @!p0 $0x4  }
0x74: {  	_ =	swait.ge @!p0 [sflag:s0], s1  }
0x75: {  	s1 =	ssub.s32 @!p0 $0x0, s1;
	[sflag:s0] =	ssyncset.done @!p0 $0x0  }
0x76: {  	[sflag:s0] =	ssyncadd.s32 @!p0 s1  }
0x77: {  	[bflag:$0x3] =	sbarrier.arrive $0xFFFF  }
0x78: {  	_ =	shalt  }

// kernel: kernel.15.cloned.1.call-start
scs
__scs_entry_jumppad:
0x0: {  	(pc) =	sbr.rel $0x88, $3  }
0x1: {  	(tag) =	ssettag $0x0;
	lr =	simm.s32 $0x1  }
0x2: {  	[smem:$0x3F8F] =	sst lr;
	_ =	strace $0xD0000000  }
0x3: {  	_ = 	snop  }
0x4: {  	_ = 	snop  }
0x5: {  	_ = 	snop  }
0x6: {  	_ = 	snop  }
0x7: {  	_ = 	snop  }
__scs_overlays_trampoline_lowered:
0x8: {  	[smem:$0x3F9E] =	sst s0  }
0x9: {  	[smem:$0x3F9F] =	sst s1  }
0xa: {  	[smem:$0x3FA0] =	sst s2  }
0xb: {  	[smem:$0x3FA1] =	sst s3  }
0xc: {  	[smem:$0x3FA2] =	sst s4  }
0xd: {  	[smem:$0x3FA3] =	sst s5  }
0xe: {  	[smem:$0x3FA4] =	sst s6  }
0xf: {  	[smem:$0x3FA5] =	sst s7  }
0x10: {  	[smem:$0x3FA6] =	sst s8  }
0x11: {  	[smem:$0x3FA7] =	sst s9;
	s0 =	simm.s32 @!p0 $0x0  }
0x12: {  	s1 =	sld [smem:$0x3F8D];
	s0 =	simm.s32 @p0 $0x1  }
0x13: {  	[smem:$0x3FA8] =	sst s0;
	s0 =	simm.s32 @!p1 $0x0  }
0x14: {  	s2 =	sld [smem:$0x3F8C];
	s0 =	simm.s32 @p1 $0x1  }
0x15: {  	[smem:$0x3FA9] =	sst s0;
	s0 =	simm.s32 @!p2 $0x0  }
0x16: {  	s3 =	sld [smem:$0x3FDB];
	s0 =	simm.s32 @p2 $0x1  }
0x17: {  	s4 =	simm.s32 $0x1BF5;
	[smem:$0x3FAB] =	sst s0  }
0x18: {  	s0 =	sld [smem:$0x3F8E];
	_ =	swait.ge [sflag:s4], $0x0  }
0x19: {  	s7 =	sld [smem:$0x3F8F]  }
0x1a: {  	s8 =	sadd.s32 $0xFFFFE003, lr  }
0x1b: {  	s9 =	sadd.s32 $0xFFFFFEF7, lr;
	s5 =	simm.s32 $0xFFFFFFFF;
	p2 =	slt.u32 s8, $0xFFFFF086  }
0x1c: {  	p1 =	slt.u32 s9, $0xF7A;
	s5 =	simm.s32 @!p2 $0x0  }
0x1d: {  	s5 =	simm.s32 @p1 $0x1;
	p0 =	seq.s32 s7, s2  }
0x1e: {  	s7 =	smul.u32 @!p0 $0xF7A, s2;
	p2 =	seq.s32 @!p0 s5, $0x0  }
0x1f: {  	s9 =	smul.u32 $0xF7A, s1;
	s8 =	simm.s32 @!p0 $0x1BF5;
	p2 =	por !p2, p0  }
0x20: {  	[sflag:s8] =	ssyncset.s32 @!p0 $0xFFFFF086;
	s6 =	sadd.s32 @!p0 s3, s7;
	s7 =	simm.s32 @!p0 $0x108  }
0x21: {  	s3 =	sadd.s32 s3, s9;
	s6 =	sadd.s32 @!p0 $0x88, s6;
	s7 =	simm.s32 @p2 $0x1082  }
0x22: {  	[simem:s7], [sflag:s8] =	dma.local @!p0 [hbm:s6], $0xF7A  }
0x23: {  	s9 =	sor.u32 $0xD0000000, s2;
	s6 =	simm.s32 $0x108;
	_ =	swait.ge @!p0 [sflag:s8], $0x0  }
0x24: {  	s3 =	sadd.s32 $0x88, s3;
	s6 =	simm.s32 @!p1 $0x1082;
	[sflag:s4] =	ssyncset.s32 $0xFFFFF086  }
0x25: {  	[simem:s6], [sflag:s4] =	dma.local [hbm:s3], $0xF7A  }
0x26: {  	[smem:$0x3F8F] =	sst s1;
	(tag) =	ssettag s2;
	_ =	strace s9  }
0x27: {  	s1 =	sld [smem:$0x3F9F]  }
0x28: {  	s2 =	sld [smem:$0x3FA0]  }
0x29: {  	s4 =	sld [smem:$0x3FA2]  }
0x2a: {  	p0 =	seq.s32 s5, $0x0;
	s5 =	sld [smem:$0x3FA3]  }
0x2b: {  	s6 =	sld [smem:$0x3FA4]  }
0x2c: {  	s7 =	sld [smem:$0x3FA5]  }
0x2d: {  	s3 =	simm.s32 $0x108;
	s8 =	sld [smem:$0x3FA6]  }
0x2e: {  	s3 =	simm.s32 @!p0 $0x1082;
	s9 =	sld [smem:$0x3FA7]  }
0x2f: {  	lr =	sadd.s32 s0, s3;
	s0 =	sld [smem:$0x3F9E]  }
0x30: {  	s3 =	sld [smem:$0x3FA1]  }
0x31: {  	[smem:$0x3FAA] =	sst s10  }
0x32: {  	s10 =	sld [smem:$0x3FA8];
	_ =	sdelay $0x3  }
0x33: {  	p0 =	seq.s32 s10, $0x1;
	s10 =	sld [smem:$0x3FAA];
	_ =	sdelay $0x3  }
0x34: {  	[smem:$0x3FAA] =	sst s10  }
0x35: {  	s10 =	sld [smem:$0x3FA9];
	_ =	sdelay $0x3  }
0x36: {  	p1 =	seq.s32 s10, $0x1;
	s10 =	sld [smem:$0x3FAA];
	_ =	sdelay $0x3  }
0x37: {  	[smem:$0x3FAA] =	sst s10  }
0x38: {  	s10 =	sld [smem:$0x3FAB]  }
0x39: {  	_ = 	snop;
	(pc) =	sbr.ind lr, $3  }
0x3a: {  	_ = 	snop  }
0x3b: {  	_ = 	snop  }
0x3c: {  	p2 =	seq.s32 s10, $0x1;
	s10 =	sld [smem:$0x3FAA]  }
0x3d: {  	_ =	shalt  }
0x3e: {  	_ =	shalt  }
0x3f: {  	_ =	shalt  }
0x40: {  	_ =	shalt  }
0x41: {  	_ =	shalt  }
0x42: {  	_ =	shalt  }
0x43: {  	_ =	shalt  }
0x44: {  	_ =	shalt  }
0x45: {  	_ =	shalt  }
0x46: {  	_ =	shalt  }
0x47: {  	_ =	shalt  }
0x48: {  	_ =	shalt  }
0x49: {  	_ =	shalt  }
0x4a: {  	_ =	shalt  }
0x4b: {  	_ =	shalt  }
0x4c: {  	_ =	shalt  }
0x4d: {  	_ =	shalt  }
0x4e: {  	_ =	shalt  }
0x4f: {  	_ =	shalt  }
0x50: {  	_ =	shalt  }
0x51: {  	_ =	shalt  }
0x52: {  	_ =	shalt  }
0x53: {  	_ =	shalt  }
0x54: {  	_ =	shalt  }
0x55: {  	_ =	shalt  }
0x56: {  	_ =	shalt  }
0x57: {  	_ =	shalt  }
0x58: {  	_ =	shalt  }
0x59: {  	_ =	shalt  }
0x5a: {  	_ =	shalt  }
0x5b: {  	_ =	shalt  }
0x5c: {  	_ =	shalt  }
0x5d: {  	_ =	shalt  }
0x5e: {  	_ =	shalt  }
0x5f: {  	_ =	shalt  }
0x60: {  	_ =	shalt  }
0x61: {  	_ =	shalt  }
0x62: {  	_ =	shalt  }
0x63: {  	_ =	shalt  }
0x64: {  	_ =	shalt  }
0x65: {  	_ =	shalt  }
0x66: {  	_ =	shalt  }
0x67: {  	_ =	shalt  }
0x68: {  	_ =	shalt  }
0x69: {  	_ =	shalt  }
0x6a: {  	_ =	shalt  }
0x6b: {  	_ =	shalt  }
0x6c: {  	_ =	shalt  }
0x6d: {  	_ =	shalt  }
0x6e: {  	_ =	shalt  }
0x6f: {  	_ =	shalt  }
0x70: {  	_ =	shalt  }
0x71: {  	_ =	shalt  }
0x72: {  	_ =	shalt  }
0x73: {  	_ =	shalt  }
0x74: {  	_ =	shalt  }
0x75: {  	_ =	shalt  }
0x76: {  	_ =	shalt  }
0x77: {  	_ =	shalt  }
0x78: {  	_ =	shalt  }
0x79: {  	_ =	shalt  }
0x7a: {  	_ =	shalt  }
0x7b: {  	_ =	shalt  }
0x7c: {  	_ =	shalt  }
0x7d: {  	_ =	shalt  }
0x7e: {  	_ =	shalt  }
0x7f: {  	_ =	shalt  }
0x80: {  	_ =	shalt  }
0x81: {  	_ =	shalt  }
0x82: {  	_ =	shalt  }
0x83: {  	_ =	shalt  }
0x84: {  	_ =	shalt  }
0x85: {  	_ =	shalt  }
0x86: {  	_ =	shalt  }
0x87: {  	_ =	shalt  }
.Lfunc_end0:
.L_simem_size_0:
called_computation.2_lowered:
.L_overlay_start_0:
0x88: {  	s2 =	sld [smem:$0x3FD9]  }
0x89: {  	s3 =	sld [smem:$0x3FFE];
	_ =	sdelay $0x1  }
0x8a: {  	s1 =	srdreg.scid  }
0x8b: {  	s0 =	sand.u32 $0x1, s1  }
0x8c: {  	s17 =	sshll.u32 s0, $0xA;
	s2 =	sadd.s32 s3, s2  }
0x8d: {  	s2 =	sadd.s32 s2, s17  }
0x8e: {  	[smem:$0x3FB6] =	sst s2  }
0x8f: {  	_ = 	snop  }
0x90: {  	s2 =	sld [smem:$0x3FD0];
	(tm) =	ssettm $0x1  }
0x91: {  	s18 =	sld [smem:$0x3FFB];
	_ =	sdelay $0x3  }
0x92: {  	_ =	strace s18  }
0x93: {  	s3 =	sld [smem:$0x3FFC];
	_ =	sdelay $0x3  }
0x94: {  	_ =	strace s3  }
0x95: {  	s3 =	sld [smem:$0x3FFD];
	_ =	sdelay $0x3  }
0x96: {  	_ =	strace s3  }
0x97: {  	_ =	strace $0x8FFFFFFF  }
0x98: {  	s19 =	sld [smem:$0x3FDB];
	_ =	sdelay $0x1  }
0x99: {  	s4 =	simm.s32 $_scs_section_size  }
0x9a: {  	s5 =	simm.s32 $_size__tile_overlayer_lowered;
	s6 =	simm.s32 $_tile_overlayer_lowered  }
0x9b: {  	s22 =	simm.s32 $0x1BFF;
	s21 =	sshll.u32 s6, $0x1;
	s3 =	sadd.s32 s4, s19  }
0x9c: {  	s7 =	simm.s32 $0x0;
	s20 =	sshll.u32 s5, $0x1;
	s5 =	sadd.s32 s21, s3  }
0x9d: {  	[timem:s7], [sflag:s22] =	dma.local [hbm:s5], s20  }
0x9e: {  	_ =	swait.ge [sflag:s22], s20  }
0x9f: {  	s4 =	ssub.s32 $0x0, s20;
	[sflag:s22] =	ssyncset.done $0x0  }
0xa0: {  	[sflag:s22] =	ssyncadd.s32 s4;
	_ =	sdelay $0x1  }
0xa1: {  	s23 =	simm.s32 $0x1B8B  }
0xa2: {  	_ =	swait.ge [sflag:s23], $0x1  }
0xa3: {  	[sflag:s23] =	ssyncset.done $0x0  }
0xa4: {  	s25 =	simm.s32 $0x1B8E;
	s24 =	sld [smem:$0x3FFE];
	[sflag:s23] =	ssyncadd.s32 $0xFFFFFFFF  }
0xa5: {  	s26 =	simm.s32 $execute0_lowered;
	[smem:$0x3FD2] =	sst s25  }
0xa6: {  	s5 =	sshll.u32 s26, $0x1;
	_ =	strace $0x8000004C;
	[dreg:$0x1] =	wrdreg $0xFFFFFFFF  }
0xa7: {  	s28 =	simm.s32 $_size_execute0_lowered;
	s3 =	sadd.s32 s3, s5;
	[dreg:$0x0] =	wrdreg $0x0  }
0xa8: {  	s5 =	sshll.u32 s28, $0x1;
	[dreg:$0x2] =	wrdreg s3  }
0xa9: {  	[dreg:$0x3] =	wrdreg s5  }
0xaa: {  	[dreg:$0x4] =	wrdreg $0xC0  }
0xab: {  	_ =	task [dreg:s7], $0x5FFFF  }
0xac: {  	[dreg:$0x1] =	wrdreg $0xFFFFFFFF  }
0xad: {  	[dreg:$0x0] =	wrdreg $0x60  }
0xae: {  	[dreg:$0x2] =	wrdreg s24  }
0xaf: {  	[dreg:$0x3] =	wrdreg s2  }
0xb0: {  	[dreg:$0x4] =	wrdreg $0x90000  }
0xb1: {  	[dreg:$0x5] =	wrdreg $0x9  }
0xb2: {  	_ =	task.clear_ibuf [dreg:s7], $0x6FFFF;
	_ =	strace $0x9000004C  }
0xb3: {  	s29 =	simm.s32 $0x9;
	_ =	strace $0x8000004E  }
0xb4: {  	_ =	swait.ge [sflag:s29], $0x1  }
0xb5: {  	[sflag:s29] =	ssyncadd.s32 $0xFFFFFFFF  }
0xb6: {  	_ =	strace $0x9000004E  }
0xb7: {  	_ =	sfence  }
0xb8: {  	s30 =	sld [smem:$0x0];
	_ =	sdelay $0x2  }
0xb9: {  	s31 =	sshll.u32 s1, $0xD;
	s1 =	sshrl.u32 s1, $0x2  }
0xba: {  	s3 =	sand.u32 $0x4000, s31;
	s1 =	sadd.s32 s1, s30  }
0xbb: {  	s0 =	sor.u32 s3, s0;
	s1 =	sshll.u32 s1, $0x11  }
0xbc: {  	s0 =	sor.u32 s1, s0  }
0xbd: {  	s0 =	sadd.s32 $0x8F2B, s0  }
0xbe: {  	[sflag:s0] =	ssyncadd.remote.s32 $0x1  }
0xbf: {  	_ =	sfence.sel $0xFFFF  }
0xc0: {  	[dreg:$0x0] =	wrdreg $0xFFFFFFFF;
	(pc) =	sbr.abs _section_cstart, $3  }
0xc1: {  	[dreg:$0x1] =	wrdreg $0xFFFFFFFF  }
0xc2: {  	_ =	task.clear_ibuf [dreg:s7], $0x2FFFF;
	_ =	strace $0x9FFFFFFF  }
0xc3: {  	(tm) =	ssettm $0x7FFFFFFF  }
tec
execute0_lowered:
.L_overlay_start_1:
0x0: {  	(tag) =	ssettag $0x1  }
0x1: {  	s0 =	rddreg [dreg:$0x0]  }
0x2: {  	s1 =	rddreg [dreg:$0x1]  }
0x3: {  	s3 =	rddreg [dreg:$0x2];
	s4 =	simm.s32 $0x0  }
0x4: {  	s22 =	stileid.u32;
	s7 =	srdreg.scid;
	s28 =	simm.s32 $0x80  }
0x5: {  	s30 =	simm.s32 $0x1;
	s31 =	simm.s32 $0x2;
	s2 =	smul.u32 $0x2780, s22  }
0x6: {  	[smem:$0x7FF] =	sst s4;
	s5 =	sadd.s32 $0x3800, s0;
	s8 =	smul.u32 $0x4F000, s22  }
0x7: {  	s6 =	sadd.s32 $0xD800, s0;
	s12 =	sand.u32 $0x1, s7;
	s15 =	smul.u32 $0x4E000, s22  }
0x8: {  	s16 =	sadd.s32 $0x3F200, s0;
	s24 =	sshll.u32 s22, $0x6;
	s25 =	smul.u32 $0x2700, s22  }
0x9: {  	p0 =	sne.s32 s22, $0xF;
	_ =	strace $0x8000004D;
	s19 =	smul.u32 $0x27100, s12  }
0xa: {  	s7 =	sshll.u32 s12, $0x4;
	s9 =	ssub.s32 $0x2, s12;
	s20 =	smul.u32 $0x138800, s12  }
0xb: {  	s2 =	sadd.s32 s2, s0;
	s7 =	sor.u32 s22, s7;
	s10 =	sshrl.u32 s9, $0x1  }
0xc: {  	s8 =	sshrl.u32 s8, $0x2;
	s15 =	sshrl.u32 s15, $0x2;
	s22 =	simm.s32 $0x3  }
0xd: {  	s14 =	smul.u32 $0xA, s7;
	s17 =	ssub.s32 s9, s10;
	s18 =	sadd.s32 s8, s3  }
0xe: {  	s13 =	smul.u32 $0x500, s7;
	s2 =	sadd.s32 $0x17800, s2;
	s8 =	sor.u32 $0x1C04, s24  }
0xf: {  	s9 =	sadd.s32 $0x3F000, s0;
	s0 =	sadd.s32 s25, s19;
	s26 =	sshrl.u32 s20, $0x3  }
0x10: {  	s21 =	sadd.s32 s15, s3;
	s25 =	sadd.s32 $0x138000, s3;
	s19 =	simm.s32 $0x4  }
0x11: {  	[dreg:$0x4] =	wrdreg s2;
	s2 =	sadd.s32 $0x13C000, s3;
	s15 =	sadd.s32 s16, s0  }
.Ltmp0:
0x12: {  	s29 =	sadd.s32 s16, s26;
	s17 =	smax.u32 s17, $0x1;
	(pc) =	sbr.rel .LBB2_1-.Ltmp0, $4  }
0x13: {  	s18 =	sshrl.u32 s18, $0x3;
	s24 =	sshrl.u32 s21, $0x3;
	s25 =	sshrl.u32 @!p0 s25, $0x3  }
0x14: {  	s0 =	simm.s32 $0x0;
	s10 =	sadd.s32 s5, s13;
	s11 =	sadd.s32 s6, s13  }
0x15: {  	s13 =	sor.u32 $0x80, s13;
	s14 =	sor.u32 $0x1, s14;
	s16 =	sadd.s32 $0x27000, s29  }
0x16: {  	s20 =	sshrl.u32 @!p0 s2, $0x3;
	s12 =	sadd.s32 s5, s13;
	s13 =	sadd.s32 s6, s13  }
.LBB2_8:
0x17: {  	_ =	swait.ge [sflag:s31], $0x4000  }
0x18: {  	[sflag:s31] =	ssyncset.done $0x0  }
0x19: {  	[sflag:s31] =	ssyncadd.s32 $0xFFFFC000  }
0x1a: {  	[bflag:$0x0] =	sbarrier.arrive $0xFFFF  }
0x1b: {  	[hbm:s15], [sflag:s8] =	dma.local [spmem:s24], $0x2700  }
0x1c: {  	s0 =	sadd.s32 $0x1, s0;
	_ =	swait.ge [sflag:s19], $0x2700  }
0x1d: {  	p1 =	sne.s32 s0, s17;
	[sflag:s19] =	ssyncset.done $0x0  }
.Ltmp1:
0x1e: {  	s2 =	simm.s32 @!p0 $0x4;
	[sflag:s19] =	ssyncadd.s32 $0xFFFFD900;
	(pc) =	sbr.rel @!p1 .LBB2_9-.Ltmp1, $4  }
0x1f: {  	[hbm:s16], [sflag:s8] =	dma.local @!p0 [spmem:s25], $0x100  }
0x20: {  	_ =	swait.ge @!p0 [sflag:s2], $0x100  }
0x21: {  	[sflag:s2] =	ssyncset.done @!p0 $0x0  }
0x22: {  	[sflag:s2] =	ssyncadd.s32 @!p0 $0xFFFFFF00  }
.LBB2_1:
0x23: {  	s2 =	rddreg [dreg:$0x4]  }
0x24: {  	[spmem:s18], [sflag:s8] =	dma.local [hbm:s2], $0x2780  }
0x25: {  	_ =	swait.ge [sflag:s19], $0x2780  }
0x26: {  	[sflag:s19] =	ssyncset.done $0x0  }
0x27: {  	s2 =	simm.s32 @!p0 $0x4;
	[sflag:s19] =	ssyncadd.s32 $0xFFFFD880  }
0x28: {  	[spmem:s20], [sflag:s8] =	dma.local @!p0 [hbm:s9], $0x100  }
0x29: {  	_ =	swait.ge @!p0 [sflag:s2], $0x100  }
0x2a: {  	[sflag:s2] =	ssyncset.done @!p0 $0x0  }
0x2b: {  	[sflag:s2] =	ssyncadd.s32 @!p0 $0xFFFFFF00  }
0x2c: {  	[tilespmem:s4], [sflag:$0x3] =	stream.linear.gather [hbm4b:s10+s4], $0x400, $0x38;
	[tilespmem:$0x1CC80] =	vst v63  }
0x2d: {  	s21 =	simm.s32 $0x800  }
0x2e: {  	[tilespmem:s21], [sflag:$0x3] =	stream.linear.gather [hbm4b:s11+s4], $0x400, $0x38;
	[tilespmem:$0x1CC80] =	vst v63  }
0x2f: {  	[bflag:$0x0] =	sbarrier.arrive $0xFFFF  }
0x30: {  	_ =	swait.ge [sflag:s22], $0x400  }
0x31: {  	[sflag:s22] =	ssyncset.done $0x0  }
0x32: {  	[sflag:s22] =	ssyncadd.s32 $0xFFFFFC00  }
0x33: {  	_ =	swait.ge [sflag:s22], $0x400  }
0x34: {  	[sflag:s22] =	ssyncset.done $0x0  }
0x35: {  	s23 =	simm.s32 $0x400;
	[sflag:s22] =	ssyncadd.s32 $0xFFFFFC00  }
0x36: {  	[tilespmem:s23], [sflag:$0x3] =	stream.linear.gather [hbm4b:s12+s4], $0x400, $0x38;
	[tilespmem:$0x1CC80] =	vst v63  }
.Ltmp2:
0x37: {  	_ = 	snop;
	(pc) =	sbr.rel .LBB2_2-.Ltmp2, $4  }
0x38: {  	s26 =	simm.s32 $0xC00  }
0x39: {  	[tilespmem:s26], [sflag:$0x3] =	stream.linear.gather [hbm4b:s13+s4], $0x400, $0x38;
	[tilespmem:$0x1CC80] =	vst v63  }
0x3a: {  	s29 =	simm.s32 $0x1000;
	s2 =	simm.s32 $0x0  }
0x3b: {  	[tilespmem:s29], [sflag:$0x1] =	stream.indirect.gather [hbm4b:s1+s28], $0x80, s4, s28, $0xb8;
	[tilespmem:$0x1CC80] =	vst v63  }
.LBB2_3:
0x3c: {  	s21 =	simm.s32 $0x1  }
.LBB2_6:
0x3d: {  	s7 =	sshll.u32 s21, $0xE  }
0x3e: {  	s23 =	sshll.u32 s21, $0x7;
	s7 =	sand.u32 $0x4000, s7  }
0x3f: {  	s23 =	sand.u32 $0x780, s23;
	s7 =	sor.u32 $0x1000, s7  }
0x40: {  	[tilespmem:s7], [sflag:$0x1] =	stream.indirect.gather [hbm4b:s1+s28], $0x80, s23, s28, $0xb8;
	[tilespmem:$0x1CC80] =	vst v63  }
.LBB2_7:
0x41: {  	s7 =	sshll.u32 s2, $0xE;
	p1 =	slt.u32 s21, $0x50  }
.Ltmp3:
0x42: {  	_ =	swait.ge [sflag:s30], $0x4000;
	s29 =	sshll.u32 s2, $0x7;
	(pc) =	sbr.rel @!p1 .LBB2_8-.Ltmp3, $4  }
0x43: {  	s7 =	sand.u32 $0x4000, s7;
	[sflag:s30] =	ssyncset.done $0x0;
	s2 =	sand.u32 $0x780, s29  }
0x44: {  	s7 =	sor.u32 $0x1000, s7;
	[sflag:s30] =	ssyncadd.s32 $0xFFFFC000;
	s2 =	sor.u32 $0x800, s2  }
0x45: {  	[spmem:s3] =	stream.indirect.scatter.add.f32 [tilespmem:s7], [sflag:$0x2], $0x80, s2, s28, $0xb8;
	[tilespmem:$0x1CC80] =	vst v63  }
0x46: {  	s2 =	smov.u32 s21  }
.LBB2_2:
0x47: {  	p1 =	seq.s32 s2, $0x0  }
.Ltmp4:
0x48: {  	_ = 	snop;
	(pc) =	sbr.rel @p1 .LBB2_3-.Ltmp4, $1  }
0x49: {  	_ =	sdelay $0x3  }
0x4a: {  	p1 =	seq.s32 s2, $0x4F  }
.Ltmp5:
0x4b: {  	_ = 	snop;
	(pc) =	sbr.rel @p1 .LBB2_7-.Ltmp5, $4  }
0x4c: {  	_ = 	snop  }
0x4d: {  	_ =	swait.ge [sflag:s31], $0x4000  }
0x4e: {  	[sflag:s31] =	ssyncset.done $0x0  }
0x4f: {  	s21 =	simm.s32 $0x50;
	[sflag:s31] =	ssyncadd.s32 $0xFFFFC000  }
0x50: {  	s21 =	sadd.s32 $0x1, s2  }
0x51: {  	s23 =	sand.u32 $0x7, s21  }
0x52: {  	p1 =	sne.s32 s23, $0x0  }
0x53: {  	s26 =	sadd.s32 @p1 $0xFFFFFFF9, s2  }
0x54: {  	p2 =	sgt.u32 @p1 s26, $0x3F  }
0x55: {  	p3 =	por p2, !p1  }
0x56: {  	p3 =	sne.s32 @!p3 s23, $0x3  }
0x57: {  	p2 =	por @p1 p3, p2  }
0x58: {  	s23 =	sshrl.u32 s21, $0x3;
	p2 =	por p2, !p1  }
0x59: {  	s26 =	sadd.s32 @!p2 s23, s14  }
0x5a: {  	s23 =	sxor.u32 @!p2 $0xFFFFFFFF, s23;
	s26 =	sshll.u32 @!p2 s26, $0x7  }
0x5b: {  	s23 =	sshll.u32 @!p2 s23, $0xA;
	s26 =	sand.u32 @!p2 $0x1FFFFF80, s26  }
0x5c: {  	s7 =	simm.s32 @!p2 $0x0;
	s23 =	sand.u32 @!p2 $0x400, s23;
	s29 =	sadd.s32 @!p2 s5, s26  }
0x5d: {  	[tilespmem:s23], [sflag:$0x3] =	stream.linear.gather @!p2 [hbm4b:s29+s7], $0x400, $0x38;
	[tilespmem:$0x1CC80] =	vst v63  }
0x5e: {  	s26 =	sadd.s32 @!p2 s6, s26;
	s23 =	sor.u32 @!p2 $0x800, s23  }
0x5f: {  	[tilespmem:s23], [sflag:$0x3] =	stream.linear.gather @!p2 [hbm4b:s26+s7], $0x400, $0x38;
	[tilespmem:$0x1CC80] =	vst v63  }
0x60: {  	s7 =	simm.s32 @!p1 $0x3  }
0x61: {  	_ =	swait.ge @!p1 [sflag:s7], $0x400  }
.Ltmp6:
0x62: {  	[sflag:s7] =	ssyncset.done @!p1 $0x0;
	(pc) =	sbr.rel .LBB2_6-.Ltmp6, $4  }
0x63: {  	[sflag:s7] =	ssyncadd.s32 @!p1 $0xFFFFFC00  }
0x64: {  	_ =	swait.ge @!p1 [sflag:s7], $0x400  }
0x65: {  	[sflag:s7] =	ssyncset.done @!p1 $0x0  }
0x66: {  	[sflag:s7] =	ssyncadd.s32 @!p1 $0xFFFFFC00  }
.LBB2_9:
0x67: {  	_ =	sfence.sel $0x180000  }
0x68: {  	[bflag:$0x0] =	sbarrier.arrive $0xFFFF  }
0x69: {  	_ =	strace $0x9000004D  }
0x6a: {  	s0 =	stileid.u32;
	[bflag:$0x2] =	sbarrier.arrive $0xFFFF  }
0x6b: {  	p0 =	sne.s32 s0, $0x0;
	s0 =	rddreg [dreg:$0x3]  }
0x6c: {  	s0 =	sadd.s32 @!p0 $0x100000, s0  }
0x6d: {  	[sflag:s0] =	ssyncadd.tile.s32 @!p0 $0x1;
	_ =	shalt  }
.Lfunc_end2:
_tile_overlayer_lowered:
.L_overlay_start_2:
0x6e: {  	(tag) =	ssettag $0x2  }
0x6f: {  	s0 =	rddreg [dreg:$0x0];
	s2 =	stileid.u32  }
0x70: {  	s1 =	rddreg [dreg:$0x1];
	p0 =	sne.s32 s2, $0x0  }
0x71: {  	s3 =	rddreg [dreg:$0x2];
	[bflag:$0x3] =	sbarrier.arrive $0xFFFF;
	s2 =	simm.s32 @!p0 $0x1C04  }
0x72: {  	[timem:s3], [sflag:s2] =	dma.local @!p0 [hbm:s0], s1  }
0x73: {  	s0 =	simm.s32 @!p0 $0x4  }
0x74: {  	_ =	swait.ge @!p0 [sflag:s0], s1  }
0x75: {  	s1 =	ssub.s32 @!p0 $0x0, s1;
	[sflag:s0] =	ssyncset.done @!p0 $0x0  }
0x76: {  	[sflag:s0] =	ssyncadd.s32 @!p0 s1  }
0x77: {  	[bflag:$0x3] =	sbarrier.arrive $0xFFFF  }
0x78: {  	_ =	shalt  }

// kernel: kernel.9.cloned.1.call-start
scs
__scs_entry_jumppad:
0x0: {  	(pc) =	sbr.rel $0x88, $3  }
0x1: {  	(tag) =	ssettag $0x0;
	lr =	simm.s32 $0x1  }
0x2: {  	[smem:$0x3F8F] =	sst lr;
	_ =	strace $0xD0000000  }
0x3: {  	_ = 	snop  }
0x4: {  	_ = 	snop  }
0x5: {  	_ = 	snop  }
0x6: {  	_ = 	snop  }
0x7: {  	_ = 	snop  }
__scs_overlays_trampoline_lowered:
0x8: {  	[smem:$0x3F9E] =	sst s0  }
0x9: {  	[smem:$0x3F9F] =	sst s1  }
0xa: {  	[smem:$0x3FA0] =	sst s2  }
0xb: {  	[smem:$0x3FA1] =	sst s3  }
0xc: {  	[smem:$0x3FA2] =	sst s4  }
0xd: {  	[smem:$0x3FA3] =	sst s5  }
0xe: {  	[smem:$0x3FA4] =	sst s6  }
0xf: {  	[smem:$0x3FA5] =	sst s7  }
0x10: {  	[smem:$0x3FA6] =	sst s8  }
0x11: {  	[smem:$0x3FA7] =	sst s9;
	s0 =	simm.s32 @!p0 $0x0  }
0x12: {  	s1 =	sld [smem:$0x3F8D];
	s0 =	simm.s32 @p0 $0x1  }
0x13: {  	[smem:$0x3FA8] =	sst s0;
	s0 =	simm.s32 @!p1 $0x0  }
0x14: {  	s2 =	sld [smem:$0x3F8C];
	s0 =	simm.s32 @p1 $0x1  }
0x15: {  	[smem:$0x3FA9] =	sst s0;
	s0 =	simm.s32 @!p2 $0x0  }
0x16: {  	s3 =	sld [smem:$0x3FDB];
	s0 =	simm.s32 @p2 $0x1  }
0x17: {  	s4 =	simm.s32 $0x1BF5;
	[smem:$0x3FAB] =	sst s0  }
0x18: {  	s0 =	sld [smem:$0x3F8E];
	_ =	swait.ge [sflag:s4], $0x0  }
0x19: {  	s7 =	sld [smem:$0x3F8F]  }
0x1a: {  	s8 =	sadd.s32 $0xFFFFE003, lr  }
0x1b: {  	s9 =	sadd.s32 $0xFFFFFEF7, lr;
	s5 =	simm.s32 $0xFFFFFFFF;
	p2 =	slt.u32 s8, $0xFFFFF086  }
0x1c: {  	p1 =	slt.u32 s9, $0xF7A;
	s5 =	simm.s32 @!p2 $0x0  }
0x1d: {  	s5 =	simm.s32 @p1 $0x1;
	p0 =	seq.s32 s7, s2  }
0x1e: {  	s7 =	smul.u32 @!p0 $0xF7A, s2;
	p2 =	seq.s32 @!p0 s5, $0x0  }
0x1f: {  	s9 =	smul.u32 $0xF7A, s1;
	s8 =	simm.s32 @!p0 $0x1BF5;
	p2 =	por !p2, p0  }
0x20: {  	[sflag:s8] =	ssyncset.s32 @!p0 $0xFFFFF086;
	s6 =	sadd.s32 @!p0 s3, s7;
	s7 =	simm.s32 @!p0 $0x108  }
0x21: {  	s3 =	sadd.s32 s3, s9;
	s6 =	sadd.s32 @!p0 $0x88, s6;
	s7 =	simm.s32 @p2 $0x1082  }
0x22: {  	[simem:s7], [sflag:s8] =	dma.local @!p0 [hbm:s6], $0xF7A  }
0x23: {  	s9 =	sor.u32 $0xD0000000, s2;
	s6 =	simm.s32 $0x108;
	_ =	swait.ge @!p0 [sflag:s8], $0x0  }
0x24: {  	s3 =	sadd.s32 $0x88, s3;
	s6 =	simm.s32 @!p1 $0x1082;
	[sflag:s4] =	ssyncset.s32 $0xFFFFF086  }
0x25: {  	[simem:s6], [sflag:s4] =	dma.local [hbm:s3], $0xF7A  }
0x26: {  	[smem:$0x3F8F] =	sst s1;
	(tag) =	ssettag s2;
	_ =	strace s9  }
0x27: {  	s1 =	sld [smem:$0x3F9F]  }
0x28: {  	s2 =	sld [smem:$0x3FA0]  }
0x29: {  	s4 =	sld [smem:$0x3FA2]  }
0x2a: {  	p0 =	seq.s32 s5, $0x0;
	s5 =	sld [smem:$0x3FA3]  }
0x2b: {  	s6 =	sld [smem:$0x3FA4]  }
0x2c: {  	s7 =	sld [smem:$0x3FA5]  }
0x2d: {  	s3 =	simm.s32 $0x108;
	s8 =	sld [smem:$0x3FA6]  }
0x2e: {  	s3 =	simm.s32 @!p0 $0x1082;
	s9 =	sld [smem:$0x3FA7]  }
0x2f: {  	lr =	sadd.s32 s0, s3;
	s0 =	sld [smem:$0x3F9E]  }
0x30: {  	s3 =	sld [smem:$0x3FA1]  }
0x31: {  	[smem:$0x3FAA] =	sst s10  }
0x32: {  	s10 =	sld [smem:$0x3FA8];
	_ =	sdelay $0x3  }
0x33: {  	p0 =	seq.s32 s10, $0x1;
	s10 =	sld [smem:$0x3FAA];
	_ =	sdelay $0x3  }
0x34: {  	[smem:$0x3FAA] =	sst s10  }
0x35: {  	s10 =	sld [smem:$0x3FA9];
	_ =	sdelay $0x3  }
0x36: {  	p1 =	seq.s32 s10, $0x1;
	s10 =	sld [smem:$0x3FAA];
	_ =	sdelay $0x3  }
0x37: {  	[smem:$0x3FAA] =	sst s10  }
0x38: {  	s10 =	sld [smem:$0x3FAB]  }
0x39: {  	_ = 	snop;
	(pc) =	sbr.ind lr, $3  }
0x3a: {  	_ = 	snop  }
0x3b: {  	_ = 	snop  }
0x3c: {  	p2 =	seq.s32 s10, $0x1;
	s10 =	sld [smem:$0x3FAA]  }
0x3d: {  	_ =	shalt  }
0x3e: {  	_ =	shalt  }
0x3f: {  	_ =	shalt  }
0x40: {  	_ =	shalt  }
0x41: {  	_ =	shalt  }
0x42: {  	_ =	shalt  }
0x43: {  	_ =	shalt  }
0x44: {  	_ =	shalt  }
0x45: {  	_ =	shalt  }
0x46: {  	_ =	shalt  }
0x47: {  	_ =	shalt  }
0x48: {  	_ =	shalt  }
0x49: {  	_ =	shalt  }
0x4a: {  	_ =	shalt  }
0x4b: {  	_ =	shalt  }
0x4c: {  	_ =	shalt  }
0x4d: {  	_ =	shalt  }
0x4e: {  	_ =	shalt  }
0x4f: {  	_ =	shalt  }
0x50: {  	_ =	shalt  }
0x51: {  	_ =	shalt  }
0x52: {  	_ =	shalt  }
0x53: {  	_ =	shalt  }
0x54: {  	_ =	shalt  }
0x55: {  	_ =	shalt  }
0x56: {  	_ =	shalt  }
0x57: {  	_ =	shalt  }
0x58: {  	_ =	shalt  }
0x59: {  	_ =	shalt  }
0x5a: {  	_ =	shalt  }
0x5b: {  	_ =	shalt  }
0x5c: {  	_ =	shalt  }
0x5d: {  	_ =	shalt  }
0x5e: {  	_ =	shalt  }
0x5f: {  	_ =	shalt  }
0x60: {  	_ =	shalt  }
0x61: {  	_ =	shalt  }
0x62: {  	_ =	shalt  }
0x63: {  	_ =	shalt  }
0x64: {  	_ =	shalt  }
0x65: {  	_ =	shalt  }
0x66: {  	_ =	shalt  }
0x67: {  	_ =	shalt  }
0x68: {  	_ =	shalt  }
0x69: {  	_ =	shalt  }
0x6a: {  	_ =	shalt  }
0x6b: {  	_ =	shalt  }
0x6c: {  	_ =	shalt  }
0x6d: {  	_ =	shalt  }
0x6e: {  	_ =	shalt  }
0x6f: {  	_ =	shalt  }
0x70: {  	_ =	shalt  }
0x71: {  	_ =	shalt  }
0x72: {  	_ =	shalt  }
0x73: {  	_ =	shalt  }
0x74: {  	_ =	shalt  }
0x75: {  	_ =	shalt  }
0x76: {  	_ =	shalt  }
0x77: {  	_ =	shalt  }
0x78: {  	_ =	shalt  }
0x79: {  	_ =	shalt  }
0x7a: {  	_ =	shalt  }
0x7b: {  	_ =	shalt  }
0x7c: {  	_ =	shalt  }
0x7d: {  	_ =	shalt  }
0x7e: {  	_ =	shalt  }
0x7f: {  	_ =	shalt  }
0x80: {  	_ =	shalt  }
0x81: {  	_ =	shalt  }
0x82: {  	_ =	shalt  }
0x83: {  	_ =	shalt  }
0x84: {  	_ =	shalt  }
0x85: {  	_ =	shalt  }
0x86: {  	_ =	shalt  }
0x87: {  	_ =	shalt  }
.Lfunc_end0:
.L_simem_size_0:
called_computation_lowered:
.L_overlay_start_0:
0x88: {  	s2 =	sld [smem:$0x3FD9]  }
0x89: {  	s3 =	sld [smem:$0x3FFE];
	_ =	sdelay $0x1  }
0x8a: {  	s1 =	srdreg.scid  }
0x8b: {  	s0 =	sand.u32 $0x1, s1  }
0x8c: {  	s17 =	sshll.u32 s0, $0xA;
	s2 =	sadd.s32 s3, s2  }
0x8d: {  	s2 =	sadd.s32 s2, s17  }
0x8e: {  	[smem:$0x3FB6] =	sst s2  }
0x8f: {  	_ = 	snop  }
0x90: {  	s2 =	sld [smem:$0x3FD0];
	(tm) =	ssettm $0x1  }
0x91: {  	s18 =	sld [smem:$0x3FFB];
	_ =	sdelay $0x3  }
0x92: {  	_ =	strace s18  }
0x93: {  	s3 =	sld [smem:$0x3FFC];
	_ =	sdelay $0x3  }
0x94: {  	_ =	strace s3  }
0x95: {  	s3 =	sld [smem:$0x3FFD];
	_ =	sdelay $0x3  }
0x96: {  	_ =	strace s3  }
0x97: {  	_ =	strace $0x8FFFFFFF  }
0x98: {  	s19 =	sld [smem:$0x3FDB];
	_ =	sdelay $0x1  }
0x99: {  	s4 =	simm.s32 $_scs_section_size  }
0x9a: {  	s5 =	simm.s32 $_size__tile_overlayer_lowered;
	s6 =	simm.s32 $_tile_overlayer_lowered  }
0x9b: {  	s22 =	simm.s32 $0x1BFF;
	s21 =	sshll.u32 s6, $0x1;
	s3 =	sadd.s32 s4, s19  }
0x9c: {  	s7 =	simm.s32 $0x0;
	s20 =	sshll.u32 s5, $0x1;
	s5 =	sadd.s32 s21, s3  }
0x9d: {  	[timem:s7], [sflag:s22] =	dma.local [hbm:s5], s20  }
0x9e: {  	_ =	swait.ge [sflag:s22], s20  }
0x9f: {  	s4 =	ssub.s32 $0x0, s20;
	[sflag:s22] =	ssyncset.done $0x0  }
0xa0: {  	[sflag:s22] =	ssyncadd.s32 s4;
	_ =	sdelay $0x1  }
0xa1: {  	s23 =	simm.s32 $0x1B8B  }
0xa2: {  	_ =	swait.ge [sflag:s23], $0x1  }
0xa3: {  	[sflag:s23] =	ssyncset.done $0x0  }
0xa4: {  	s25 =	simm.s32 $0x1B8E;
	s24 =	sld [smem:$0x3FFE];
	[sflag:s23] =	ssyncadd.s32 $0xFFFFFFFF  }
0xa5: {  	s26 =	simm.s32 $execute0_lowered;
	[smem:$0x3FD2] =	sst s25  }
0xa6: {  	s5 =	sshll.u32 s26, $0x1;
	_ =	strace $0x80000046;
	[dreg:$0x1] =	wrdreg $0xFFFFFFFF  }
0xa7: {  	s28 =	simm.s32 $_size_execute0_lowered;
	s3 =	sadd.s32 s3, s5;
	[dreg:$0x0] =	wrdreg $0x0  }
0xa8: {  	s5 =	sshll.u32 s28, $0x1;
	[dreg:$0x2] =	wrdreg s3  }
0xa9: {  	[dreg:$0x3] =	wrdreg s5  }
0xaa: {  	[dreg:$0x4] =	wrdreg $0xC0  }
0xab: {  	_ =	task [dreg:s7], $0x5FFFF  }
0xac: {  	[dreg:$0x1] =	wrdreg $0xFFFFFFFF  }
0xad: {  	[dreg:$0x0] =	wrdreg $0x60  }
0xae: {  	[dreg:$0x2] =	wrdreg s24  }
0xaf: {  	[dreg:$0x3] =	wrdreg s2  }
0xb0: {  	[dreg:$0x4] =	wrdreg $0x90000  }
0xb1: {  	[dreg:$0x5] =	wrdreg $0x9  }
0xb2: {  	_ =	task.clear_ibuf [dreg:s7], $0x6FFFF;
	_ =	strace $0x90000046  }
0xb3: {  	s29 =	simm.s32 $0x9;
	_ =	strace $0x80000048  }
0xb4: {  	_ =	swait.ge [sflag:s29], $0x1  }
0xb5: {  	[sflag:s29] =	ssyncadd.s32 $0xFFFFFFFF  }
0xb6: {  	_ =	strace $0x90000048  }
0xb7: {  	_ =	sfence  }
0xb8: {  	s30 =	sld [smem:$0x0];
	_ =	sdelay $0x2  }
0xb9: {  	s31 =	sshll.u32 s1, $0xD;
	s1 =	sshrl.u32 s1, $0x2  }
0xba: {  	s3 =	sand.u32 $0x4000, s31;
	s1 =	sadd.s32 s1, s30  }
0xbb: {  	s0 =	sor.u32 s3, s0;
	s1 =	sshll.u32 s1, $0x11  }
0xbc: {  	s0 =	sor.u32 s1, s0  }
0xbd: {  	s0 =	sadd.s32 $0x8F2B, s0  }
0xbe: {  	[sflag:s0] =	ssyncadd.remote.s32 $0x1  }
0xbf: {  	_ =	sfence.sel $0xFFFF  }
0xc0: {  	[dreg:$0x0] =	wrdreg $0xFFFFFFFF;
	(pc) =	sbr.abs _section_cstart, $3  }
0xc1: {  	[dreg:$0x1] =	wrdreg $0xFFFFFFFF  }
0xc2: {  	_ =	task.clear_ibuf [dreg:s7], $0x2FFFF;
	_ =	strace $0x9FFFFFFF  }
0xc3: {  	(tm) =	ssettm $0x7FFFFFFF  }
tec
execute0_lowered:
.L_overlay_start_1:
0x0: {  	(tag) =	ssettag $0x1  }
0x1: {  	s0 =	rddreg [dreg:$0x0]  }
0x2: {  	s1 =	rddreg [dreg:$0x1]  }
0x3: {  	s3 =	rddreg [dreg:$0x2];
	s4 =	simm.s32 $0x0  }
0x4: {  	s22 =	stileid.u32;
	s7 =	srdreg.scid;
	s28 =	simm.s32 $0x80  }
0x5: {  	s30 =	simm.s32 $0x1;
	s31 =	simm.s32 $0x2;
	s2 =	smul.u32 $0x2780, s22  }
0x6: {  	[smem:$0x7FF] =	sst s4;
	s5 =	sadd.s32 $0x3800, s0;
	s8 =	smul.u32 $0x4F000, s22  }
0x7: {  	s6 =	sadd.s32 $0xD800, s0;
	s12 =	sand.u32 $0x1, s7;
	s15 =	smul.u32 $0x4E000, s22  }
0x8: {  	s16 =	sadd.s32 $0x3F200, s0;
	s24 =	sshll.u32 s22, $0x6;
	s25 =	smul.u32 $0x2700, s22  }
0x9: {  	p0 =	sne.s32 s22, $0xF;
	_ =	strace $0x80000047;
	s19 =	smul.u32 $0x27100, s12  }
0xa: {  	s7 =	sshll.u32 s12, $0x4;
	s9 =	ssub.s32 $0x2, s12;
	s20 =	smul.u32 $0x138800, s12  }
0xb: {  	s2 =	sadd.s32 s2, s0;
	s7 =	sor.u32 s22, s7;
	s10 =	sshrl.u32 s9, $0x1  }
0xc: {  	s8 =	sshrl.u32 s8, $0x2;
	s15 =	sshrl.u32 s15, $0x2;
	s22 =	simm.s32 $0x3  }
0xd: {  	s14 =	smul.u32 $0xA, s7;
	s17 =	ssub.s32 s9, s10;
	s18 =	sadd.s32 s8, s3  }
0xe: {  	s13 =	smul.u32 $0x500, s7;
	s2 =	sadd.s32 $0x17800, s2;
	s8 =	sor.u32 $0x1C04, s24  }
0xf: {  	s9 =	sadd.s32 $0x3F000, s0;
	s0 =	sadd.s32 s25, s19;
	s26 =	sshrl.u32 s20, $0x3  }
0x10: {  	s21 =	sadd.s32 s15, s3;
	s25 =	sadd.s32 $0x138000, s3;
	s19 =	simm.s32 $0x4  }
0x11: {  	[dreg:$0x4] =	wrdreg s2;
	s2 =	sadd.s32 $0x13C000, s3;
	s15 =	sadd.s32 s16, s0  }
.Ltmp0:
0x12: {  	s29 =	sadd.s32 s16, s26;
	s17 =	smax.u32 s17, $0x1;
	(pc) =	sbr.rel .LBB2_1-.Ltmp0, $4  }
0x13: {  	s18 =	sshrl.u32 s18, $0x3;
	s24 =	sshrl.u32 s21, $0x3;
	s25 =	sshrl.u32 @!p0 s25, $0x3  }
0x14: {  	s0 =	simm.s32 $0x0;
	s10 =	sadd.s32 s5, s13;
	s11 =	sadd.s32 s6, s13  }
0x15: {  	s13 =	sor.u32 $0x80, s13;
	s14 =	sor.u32 $0x1, s14;
	s16 =	sadd.s32 $0x27000, s29  }
0x16: {  	s20 =	sshrl.u32 @!p0 s2, $0x3;
	s12 =	sadd.s32 s5, s13;
	s13 =	sadd.s32 s6, s13  }
.LBB2_8:
0x17: {  	_ =	swait.ge [sflag:s31], $0x4000  }
0x18: {  	[sflag:s31] =	ssyncset.done $0x0  }
0x19: {  	[sflag:s31] =	ssyncadd.s32 $0xFFFFC000  }
0x1a: {  	[bflag:$0x0] =	sbarrier.arrive $0xFFFF  }
0x1b: {  	[hbm:s15], [sflag:s8] =	dma.local [spmem:s24], $0x2700  }
0x1c: {  	s0 =	sadd.s32 $0x1, s0;
	_ =	swait.ge [sflag:s19], $0x2700  }
0x1d: {  	p1 =	sne.s32 s0, s17;
	[sflag:s19] =	ssyncset.done $0x0  }
.Ltmp1:
0x1e: {  	s2 =	simm.s32 @!p0 $0x4;
	[sflag:s19] =	ssyncadd.s32 $0xFFFFD900;
	(pc) =	sbr.rel @!p1 .LBB2_9-.Ltmp1, $4  }
0x1f: {  	[hbm:s16], [sflag:s8] =	dma.local @!p0 [spmem:s25], $0x100  }
0x20: {  	_ =	swait.ge @!p0 [sflag:s2], $0x100  }
0x21: {  	[sflag:s2] =	ssyncset.done @!p0 $0x0  }
0x22: {  	[sflag:s2] =	ssyncadd.s32 @!p0 $0xFFFFFF00  }
.LBB2_1:
0x23: {  	s2 =	rddreg [dreg:$0x4]  }
0x24: {  	[spmem:s18], [sflag:s8] =	dma.local [hbm:s2], $0x2780  }
0x25: {  	_ =	swait.ge [sflag:s19], $0x2780  }
0x26: {  	[sflag:s19] =	ssyncset.done $0x0  }
0x27: {  	s2 =	simm.s32 @!p0 $0x4;
	[sflag:s19] =	ssyncadd.s32 $0xFFFFD880  }
0x28: {  	[spmem:s20], [sflag:s8] =	dma.local @!p0 [hbm:s9], $0x100  }
0x29: {  	_ =	swait.ge @!p0 [sflag:s2], $0x100  }
0x2a: {  	[sflag:s2] =	ssyncset.done @!p0 $0x0  }
0x2b: {  	[sflag:s2] =	ssyncadd.s32 @!p0 $0xFFFFFF00  }
0x2c: {  	[tilespmem:s4], [sflag:$0x3] =	stream.linear.gather [hbm4b:s10+s4], $0x400, $0x38;
	[tilespmem:$0x1CC80] =	vst v63  }
0x2d: {  	s21 =	simm.s32 $0x800  }
0x2e: {  	[tilespmem:s21], [sflag:$0x3] =	stream.linear.gather [hbm4b:s11+s4], $0x400, $0x38;
	[tilespmem:$0x1CC80] =	vst v63  }
0x2f: {  	[bflag:$0x0] =	sbarrier.arrive $0xFFFF  }
0x30: {  	_ =	swait.ge [sflag:s22], $0x400  }
0x31: {  	[sflag:s22] =	ssyncset.done $0x0  }
0x32: {  	[sflag:s22] =	ssyncadd.s32 $0xFFFFFC00  }
0x33: {  	_ =	swait.ge [sflag:s22], $0x400  }
0x34: {  	[sflag:s22] =	ssyncset.done $0x0  }
0x35: {  	s23 =	simm.s32 $0x400;
	[sflag:s22] =	ssyncadd.s32 $0xFFFFFC00  }
0x36: {  	[tilespmem:s23], [sflag:$0x3] =	stream.linear.gather [hbm4b:s12+s4], $0x400, $0x38;
	[tilespmem:$0x1CC80] =	vst v63  }
.Ltmp2:
0x37: {  	_ = 	snop;
	(pc) =	sbr.rel .LBB2_2-.Ltmp2, $4  }
0x38: {  	s26 =	simm.s32 $0xC00  }
0x39: {  	[tilespmem:s26], [sflag:$0x3] =	stream.linear.gather [hbm4b:s13+s4], $0x400, $0x38;
	[tilespmem:$0x1CC80] =	vst v63  }
0x3a: {  	s29 =	simm.s32 $0x1000;
	s2 =	simm.s32 $0x0  }
0x3b: {  	[tilespmem:s29], [sflag:$0x1] =	stream.indirect.gather [hbm4b:s1+s28], $0x80, s4, s28, $0xb8;
	[tilespmem:$0x1CC80] =	vst v63  }
.LBB2_3:
0x3c: {  	s21 =	simm.s32 $0x1  }
.LBB2_6:
0x3d: {  	s7 =	sshll.u32 s21, $0xE  }
0x3e: {  	s23 =	sshll.u32 s21, $0x7;
	s7 =	sand.u32 $0x4000, s7  }
0x3f: {  	s23 =	sand.u32 $0x780, s23;
	s7 =	sor.u32 $0x1000, s7  }
0x40: {  	[tilespmem:s7], [sflag:$0x1] =	stream.indirect.gather [hbm4b:s1+s28], $0x80, s23, s28, $0xb8;
	[tilespmem:$0x1CC80] =	vst v63  }
.LBB2_7:
0x41: {  	s7 =	sshll.u32 s2, $0xE;
	p1 =	slt.u32 s21, $0x50  }
.Ltmp3:
0x42: {  	_ =	swait.ge [sflag:s30], $0x4000;
	s29 =	sshll.u32 s2, $0x7;
	(pc) =	sbr.rel @!p1 .LBB2_8-.Ltmp3, $4  }
0x43: {  	s7 =	sand.u32 $0x4000, s7;
	[sflag:s30] =	ssyncset.done $0x0;
	s2 =	sand.u32 $0x780, s29  }
0x44: {  	s7 =	sor.u32 $0x1000, s7;
	[sflag:s30] =	ssyncadd.s32 $0xFFFFC000;
	s2 =	sor.u32 $0x800, s2  }
0x45: {  	[spmem:s3] =	stream.indirect.scatter.add.f32 [tilespmem:s7], [sflag:$0x2], $0x80, s2, s28, $0xb8;
	[tilespmem:$0x1CC80] =	vst v63  }
0x46: {  	s2 =	smov.u32 s21  }
.LBB2_2:
0x47: {  	p1 =	seq.s32 s2, $0x0  }
.Ltmp4:
0x48: {  	_ = 	snop;
	(pc) =	sbr.rel @p1 .LBB2_3-.Ltmp4, $1  }
0x49: {  	_ =	sdelay $0x3  }
0x4a: {  	p1 =	seq.s32 s2, $0x4F  }
.Ltmp5:
0x4b: {  	_ = 	snop;
	(pc) =	sbr.rel @p1 .LBB2_7-.Ltmp5, $4  }
0x4c: {  	_ = 	snop  }
0x4d: {  	_ =	swait.ge [sflag:s31], $0x4000  }
0x4e: {  	[sflag:s31] =	ssyncset.done $0x0  }
0x4f: {  	s21 =	simm.s32 $0x50;
	[sflag:s31] =	ssyncadd.s32 $0xFFFFC000  }
0x50: {  	s21 =	sadd.s32 $0x1, s2  }
0x51: {  	s23 =	sand.u32 $0x7, s21  }
0x52: {  	p1 =	sne.s32 s23, $0x0  }
0x53: {  	s26 =	sadd.s32 @p1 $0xFFFFFFF9, s2  }
0x54: {  	p2 =	sgt.u32 @p1 s26, $0x3F  }
0x55: {  	p3 =	por p2, !p1  }
0x56: {  	p3 =	sne.s32 @!p3 s23, $0x3  }
0x57: {  	p2 =	por @p1 p3, p2  }
0x58: {  	s23 =	sshrl.u32 s21, $0x3;
	p2 =	por p2, !p1  }
0x59: {  	s26 =	sadd.s32 @!p2 s23, s14  }
0x5a: {  	s23 =	sxor.u32 @!p2 $0xFFFFFFFF, s23;
	s26 =	sshll.u32 @!p2 s26, $0x7  }
0x5b: {  	s23 =	sshll.u32 @!p2 s23, $0xA;
	s26 =	sand.u32 @!p2 $0x1FFFFF80, s26  }
0x5c: {  	s7 =	simm.s32 @!p2 $0x0;
	s23 =	sand.u32 @!p2 $0x400, s23;
	s29 =	sadd.s32 @!p2 s5, s26  }
0x5d: {  	[tilespmem:s23], [sflag:$0x3] =	stream.linear.gather @!p2 [hbm4b:s29+s7], $0x400, $0x38;
	[tilespmem:$0x1CC80] =	vst v63  }
0x5e: {  	s26 =	sadd.s32 @!p2 s6, s26;
	s23 =	sor.u32 @!p2 $0x800, s23  }
0x5f: {  	[tilespmem:s23], [sflag:$0x3] =	stream.linear.gather @!p2 [hbm4b:s26+s7], $0x400, $0x38;
	[tilespmem:$0x1CC80] =	vst v63  }
0x60: {  	s7 =	simm.s32 @!p1 $0x3  }
0x61: {  	_ =	swait.ge @!p1 [sflag:s7], $0x400  }
.Ltmp6:
0x62: {  	[sflag:s7] =	ssyncset.done @!p1 $0x0;
	(pc) =	sbr.rel .LBB2_6-.Ltmp6, $4  }
0x63: {  	[sflag:s7] =	ssyncadd.s32 @!p1 $0xFFFFFC00  }
0x64: {  	_ =	swait.ge @!p1 [sflag:s7], $0x400  }
0x65: {  	[sflag:s7] =	ssyncset.done @!p1 $0x0  }
0x66: {  	[sflag:s7] =	ssyncadd.s32 @!p1 $0xFFFFFC00  }
.LBB2_9:
0x67: {  	_ =	sfence.sel $0x180000  }
0x68: {  	[bflag:$0x0] =	sbarrier.arrive $0xFFFF  }
0x69: {  	_ =	strace $0x90000047  }
0x6a: {  	s0 =	stileid.u32;
	[bflag:$0x2] =	sbarrier.arrive $0xFFFF  }
0x6b: {  	p0 =	sne.s32 s0, $0x0;
	s0 =	rddreg [dreg:$0x3]  }
0x6c: {  	s0 =	sadd.s32 @!p0 $0x100000, s0  }
0x6d: {  	[sflag:s0] =	ssyncadd.tile.s32 @!p0 $0x1;
	_ =	shalt  }
.Lfunc_end2:
_tile_overlayer_lowered:
.L_overlay_start_2:
0x6e: {  	(tag) =	ssettag $0x2  }
0x6f: {  	s0 =	rddreg [dreg:$0x0];
	s2 =	stileid.u32  }
0x70: {  	s1 =	rddreg [dreg:$0x1];
	p0 =	sne.s32 s2, $0x0  }
0x71: {  	s3 =	rddreg [dreg:$0x2];
	[bflag:$0x3] =	sbarrier.arrive $0xFFFF;
	s2 =	simm.s32 @!p0 $0x1C04  }
0x72: {  	[timem:s3], [sflag:s2] =	dma.local @!p0 [hbm:s0], s1  }
0x73: {  	s0 =	simm.s32 @!p0 $0x4  }
0x74: {  	_ =	swait.ge @!p0 [sflag:s0], s1  }
0x75: {  	s1 =	ssub.s32 @!p0 $0x0, s1;
	[sflag:s0] =	ssyncset.done @!p0 $0x0  }
0x76: {  	[sflag:s0] =	ssyncadd.s32 @!p0 s1  }
0x77: {  	[bflag:$0x3] =	sbarrier.arrive $0xFFFF  }
0x78: {  	_ =	shalt  }

</sc_bundles>
